<compile_context>
chip_gen: v7x
topology: tpu7x:2x2x1
jax: 0.10.2.dev20260603
libtpu: 0.0.44.dev20260713+nightly
codegen_flags: <defaults>
</compile_context>

<pallas_src>
import numpy as np
import jax, jax.numpy as jnp
from jax.experimental import pallas as pl

B = 1; SEQ = 2048; D_VOCAB = 16384; D_MODEL = 1024; N_HEAD = 16; DH = 64
DEPTH = 4; BUCKET = 64; N_HASHES = 4; D_FF = 4096


def _ln(x, g, b):
    m = x.mean(-1, keepdims=True)
    v = ((x - m) ** 2).mean(-1, keepdims=True)
    return (x - m) / jnp.sqrt(v + 1e-5) * g + b


def _pe(T, d):
    pos = np.arange(T)[:, None].astype(np.float32)
    div = np.exp(np.arange(0, d, 2).astype(np.float32) * (-np.log(10000.0) / d))
    pe = np.zeros((T, d), dtype=np.float32)
    pe[:, 0::2] = np.sin(pos * div)
    pe[:, 1::2] = np.cos(pos * div)
    return jnp.asarray(pe)


def _lsh(x, Wqk, Wv, Wo, rot):
    Bq, T, D = x.shape
    qk = (x @ Wqk).reshape(Bq, T, N_HEAD, DH).transpose(0, 2, 1, 3)
    v = (x @ Wv).reshape(Bq, T, N_HEAD, DH).transpose(0, 2, 1, 3)
    rotated = jnp.einsum('bhtd,hdnr->bhntr', qk, rot)
    rotated = jnp.concatenate([rotated, -rotated], axis=-1)
    buckets = jnp.argmax(rotated, axis=-1)
    pos = jnp.arange(T)
    skey = buckets * T + pos[None, None, None, :]
    perm = jnp.argsort(skey, axis=-1)
    inv = jnp.argsort(perm, axis=-1)
    sqk = jnp.take_along_axis(qk[:, :, None], perm[..., None], axis=3)
    sv = jnp.take_along_axis(v[:, :, None], perm[..., None], axis=3)
    nc = T // BUCKET
    sq = sqk.reshape(Bq, N_HEAD, N_HASHES, nc, BUCKET, DH)
    sk = sqk / jnp.sqrt(jnp.sum(sqk ** 2, axis=-1, keepdims=True) + 1e-6)
    sk = sk.reshape(Bq, N_HEAD, N_HASHES, nc, BUCKET, DH)
    svc = sv.reshape(Bq, N_HEAD, N_HASHES, nc, BUCKET, DH)
    sp = perm.reshape(Bq, N_HEAD, N_HASHES, nc, BUCKET)

    def look(t):
        return jnp.concatenate([t, jnp.roll(t, 1, axis=3)], axis=4)

    bk = look(sk)
    bv = look(svc)
    bp = look(sp)
    dots = jnp.einsum('bhncqd,bhnckd->bhncqk', sq, bk) / (DH ** 0.5)
    qpos = sp[..., :, None]
    kpos = bp[..., None, :]
    dots = jnp.where(qpos >= kpos, dots, -1e9)
    dots = jnp.where(qpos == kpos, -1e5, dots)
    logits = jax.scipy.special.logsumexp(dots, axis=-1, keepdims=True)
    probs = jnp.exp(dots - logits)
    o = jnp.einsum('bhncqk,bhnckd->bhncqd', probs, bv)
    o = o.reshape(Bq, N_HEAD, N_HASHES, T, DH)
    slog = logits.reshape(Bq, N_HEAD, N_HASHES, T)
    o = jnp.take_along_axis(o, inv[..., None], axis=3)
    slog = jnp.take_along_axis(slog, inv, axis=3)
    w = jax.nn.softmax(slog, axis=2)[..., None]
    out = (o * w).sum(axis=2)
    out = out.transpose(0, 2, 1, 3).reshape(Bq, T, D)
    return out @ Wo


def _unembed_body(x1_ref, x2_ref, wu_ref, bu_ref, out_ref):
    y = 0.5 * (x1_ref[...] + x2_ref[...])
    out_ref[...] = jnp.dot(y, wu_ref[...],
                           preferred_element_type=jnp.float32) + bu_ref[...]


def _unembed_call(x1, x2, Wu, bu):
    VB = 1024
    SB = 512
    return pl.pallas_call(
        _unembed_body,
        grid=(SEQ // SB, D_VOCAB // VB),
        in_specs=[
            pl.BlockSpec((SB, D_MODEL), lambda i, j: (i, 0)),
            pl.BlockSpec((SB, D_MODEL), lambda i, j: (i, 0)),
            pl.BlockSpec((D_MODEL, VB), lambda i, j: (0, j)),
            pl.BlockSpec((1, VB), lambda i, j: (0, j)),
        ],
        out_specs=pl.BlockSpec((SB, VB), lambda i, j: (i, j)),
        out_shape=jax.ShapeDtypeStruct((SEQ, D_VOCAB), jnp.float32),
    )(x1, x2, Wu, bu.reshape(1, -1))


def kernel(src, embed_table, lnA_g, lnA_b, Wqk, Wv, Wo, lnB_g, lnB_b, W1, b1,
           W2, b2, Wu, bu):
    x = jnp.take(embed_table, src, axis=0)
    T = x.shape[1]
    x = x + _pe(T, D_MODEL)[None]
    pad = 2 * BUCKET * (T // (2 * BUCKET) + 1) - T
    x = jnp.concatenate([x, jnp.zeros((x.shape[0], pad, x.shape[2]), x.dtype)],
                        axis=1)
    Tp = x.shape[1]
    nb = Tp // BUCKET
    rots = jax.random.normal(jax.random.key(42),
                             (DEPTH, N_HEAD, DH, N_HASHES, nb // 2),
                             dtype=jnp.float32)
    x1 = x
    x2 = x
    for l in range(DEPTH):
        x1 = x1 + _lsh(_ln(x2, lnA_g[l], lnA_b[l]), Wqk[l], Wv[l], Wo[l], rots[l])
        h = _ln(x1, lnB_g[l], lnB_b[l])
        x2 = x2 + (jax.nn.gelu(h @ W1[l] + b1[l]) @ W2[l] + b2[l])
    out = _unembed_call(x1[0, :T], x2[0, :T], Wu, bu)
    return out.reshape(1, T, D_VOCAB)

# --- scband reference (transcript-rebuilt; emitter-appended) ---
"""Pipeline reference for scband-reformer-interface-44985487459032 (READ-ONLY COPY).

The authoritative reference and input builder live on the scoring server;
editing this copy changes nothing except your own understanding.
"""

import jax, jax.numpy as jnp
import numpy as np

B = 1
SEQ = 2048
D_VOCAB = 16384
D_MODEL = 1024
N_HEAD = 16
DH = D_MODEL // N_HEAD
DEPTH = 4
BUCKET = 64
N_HASHES = 4
D_FF = 4 * D_MODEL


def layer_norm(x, g, b):
    m = x.mean(-1, keepdims=True)
    v = ((x - m) ** 2).mean(-1, keepdims=True)
    return (x - m) / jnp.sqrt(v + 1e-5) * g + b


def sinusoidal_pe(T, d):
    pos = np.arange(T)[:, None].astype(np.float32)
    div = np.exp(np.arange(0, d, 2).astype(np.float32) * (-np.log(10000.0) / d))
    pe = np.zeros((T, d), dtype=np.float32)
    pe[:, 0::2] = np.sin(pos * div)
    pe[:, 1::2] = np.cos(pos * div)
    return jnp.asarray(pe)


def lsh_attention(x, Wqk, Wv, Wo, rot):
    Bq, T, D = x.shape
    qk = (x @ Wqk).reshape(Bq, T, N_HEAD, DH).transpose(0, 2, 1, 3)
    v = (x @ Wv).reshape(Bq, T, N_HEAD, DH).transpose(0, 2, 1, 3)
    rotated = jnp.einsum('bhtd,hdnr->bhntr', qk, rot)
    rotated = jnp.concatenate([rotated, -rotated], axis=-1)
    buckets = jnp.argmax(rotated, axis=-1)
    pos = jnp.arange(T)
    skey = buckets * T + pos[None, None, None, :]
    perm = jnp.argsort(skey, axis=-1)
    inv = jnp.argsort(perm, axis=-1)
    sqk = jnp.take_along_axis(qk[:, :, None], perm[..., None], axis=3)
    sv = jnp.take_along_axis(v[:, :, None], perm[..., None], axis=3)
    nc = T // BUCKET
    sq = sqk.reshape(Bq, N_HEAD, N_HASHES, nc, BUCKET, DH)
    sk = sqk / jnp.sqrt(jnp.sum(sqk ** 2, axis=-1, keepdims=True) + 1e-6)
    sk = sk.reshape(Bq, N_HEAD, N_HASHES, nc, BUCKET, DH)
    svc = sv.reshape(Bq, N_HEAD, N_HASHES, nc, BUCKET, DH)
    sp = perm.reshape(Bq, N_HEAD, N_HASHES, nc, BUCKET)

    def look(t):
        return jnp.concatenate([t, jnp.roll(t, 1, axis=3)], axis=4)

    bk = look(sk)
    bv = look(svc)
    bp = look(sp)
    dots = jnp.einsum('bhncqd,bhnckd->bhncqk', sq, bk) / (DH ** 0.5)
    qpos = sp[..., :, None]
    kpos = bp[..., None, :]
    dots = jnp.where(qpos >= kpos, dots, -1e9)
    dots = jnp.where(qpos == kpos, -1e5, dots)
    logits = jax.scipy.special.logsumexp(dots, axis=-1, keepdims=True)
    probs = jnp.exp(dots - logits)
    o = jnp.einsum('bhncqk,bhnckd->bhncqd', probs, bv)
    o = o.reshape(Bq, N_HEAD, N_HASHES, T, DH)
    slog = logits.reshape(Bq, N_HEAD, N_HASHES, T)
    o = jnp.take_along_axis(o, inv[..., None], axis=3)
    slog = jnp.take_along_axis(slog, inv, axis=3)
    w = jax.nn.softmax(slog, axis=2)[..., None]
    out = (o * w).sum(axis=2)
    out = out.transpose(0, 2, 1, 3).reshape(Bq, T, D)
    return out @ Wo


def setup_inputs(seed: int = 0):
    key = jax.random.key(seed)
    ks = jax.random.split(key, 10)
    s = 0.02
    return {
        'src': jax.random.randint(ks[0], (B, SEQ), 0, D_VOCAB),
        'embed_table': jax.random.normal(ks[1], (D_VOCAB + 1, D_MODEL), dtype=jnp.float32) * s,
        'lnA_g': jnp.ones((DEPTH, D_MODEL), jnp.float32),
        'lnA_b': jnp.zeros((DEPTH, D_MODEL), jnp.float32),
        'Wqk': jax.random.normal(ks[2], (DEPTH, D_MODEL, D_MODEL), dtype=jnp.float32) * s,
        'Wv': jax.random.normal(ks[3], (DEPTH, D_MODEL, D_MODEL), dtype=jnp.float32) * s,
        'Wo': jax.random.normal(ks[4], (DEPTH, D_MODEL, D_MODEL), dtype=jnp.float32) * s,
        'lnB_g': jnp.ones((DEPTH, D_MODEL), jnp.float32),
        'lnB_b': jnp.zeros((DEPTH, D_MODEL), jnp.float32),
        'W1': jax.random.normal(ks[5], (DEPTH, D_MODEL, D_FF), dtype=jnp.float32) * s,
        'b1': jnp.zeros((DEPTH, D_FF), jnp.float32),
        'W2': jax.random.normal(ks[6], (DEPTH, D_FF, D_MODEL), dtype=jnp.float32) * s,
        'b2': jnp.zeros((DEPTH, D_MODEL), jnp.float32),
        'Wu': jax.random.normal(ks[7], (D_MODEL, D_VOCAB), dtype=jnp.float32) * s,
        'bu': jnp.zeros((D_VOCAB,), jnp.float32),
    }


def reference(src, embed_table, lnA_g, lnA_b, Wqk, Wv, Wo, lnB_g, lnB_b, W1, b1, W2, b2, Wu, bu):
    x = jnp.take(embed_table, src, axis=0)
    T = x.shape[1]
    x = x + sinusoidal_pe(T, D_MODEL)[None]
    pad = 2 * BUCKET * (T // (2 * BUCKET) + 1) - T
    x = jnp.concatenate([x, jnp.zeros((x.shape[0], pad, x.shape[2]), x.dtype)], axis=1)
    Tp = x.shape[1]
    nb = Tp // BUCKET
    rots = jax.random.normal(jax.random.key(42), (DEPTH, N_HEAD, DH, N_HASHES, nb // 2), dtype=jnp.float32)
    x1 = x
    x2 = x
    for l in range(DEPTH):
        x1 = x1 + lsh_attention(layer_norm(x2, lnA_g[l], lnA_b[l]), Wqk[l], Wv[l], Wo[l], rots[l])
        h = layer_norm(x1, lnB_g[l], lnB_b[l])
        x2 = x2 + (jax.nn.gelu(h @ W1[l] + b1[l]) @ W2[l] + b2[l])
    out = 0.5 * (x1 + x2)
    out = out[:, :T, :]
    return out @ Wu + bu

if __name__ == "__main__":
    import jax
    _d = setup_inputs()
    print(jax.jit(kernel)(*tuple(_d.values())))

</pallas_src>

<mosaic_0001>
module attributes {stable_mosaic.version = 14 : i64} {
  func.func @_unembed_body(%arg0: i32, %arg1: i32, %arg2: memref<512x1024xf32, #tpu.memory_space<vmem>>, %arg3: memref<512x1024xf32, #tpu.memory_space<vmem>>, %arg4: memref<1024x1024xf32, #tpu.memory_space<vmem>>, %arg5: memref<1x1024xf32, #tpu.memory_space<vmem>>, %arg6: memref<512x1024xf32, #tpu.memory_space<vmem>>) attributes {dimension_semantics = [#tpu.dimension_semantics<arbitrary>, #tpu.dimension_semantics<arbitrary>], iteration_bounds = array<i64: 4, 16>, scalar_prefetch = 0 : i64, scratch_operands = 0 : i64, tpu.core_type = #tpu.core_type<tc>, window_params = [{transform_indices = @transform_0, window_bounds = array<i64: 512, 1024>}, {transform_indices = @transform_1, window_bounds = array<i64: 512, 1024>}, {transform_indices = @transform_2, window_bounds = array<i64: 1024, 1024>}, {transform_indices = @transform_3, window_bounds = array<i64: 1, 1024>}, {transform_indices = @transform_4, window_bounds = array<i64: 512, 1024>}]} {
    %get3A = arith.constant 0 : index
    %get3A_0 = arith.constant 0 : index
    %get3A_1 = vector.load %arg2[%get3A, %get3A_0] : memref<512x1024xf32, #tpu.memory_space<vmem>>, vector<512x1024xf32>
    %get3A_2 = arith.constant 0 : index
    %get3A_3 = arith.constant 0 : index
    %get3A_4 = vector.load %arg3[%get3A_2, %get3A_3] : memref<512x1024xf32, #tpu.memory_space<vmem>>, vector<512x1024xf32>
    %add3A = arith.addf %get3A_1, %get3A_4 : vector<512x1024xf32>
    %mul3A = arith.constant 5.000000e-01 : f32
    %mul3A_5 = vector.broadcast %mul3A : f32 to vector<512x1024xf32>
    %mul3A_6 = arith.mulf %mul3A_5, %add3A : vector<512x1024xf32>
    %get3A_7 = arith.constant 0 : index
    %get3A_8 = arith.constant 0 : index
    %get3A_9 = vector.load %arg4[%get3A_7, %get3A_8] : memref<1024x1024xf32, #tpu.memory_space<vmem>>, vector<1024x1024xf32>
    %dot_general3A = arith.constant dense<0.000000e+00> : vector<512x1024xf32>
    %dot_general3A_10 = tpu.matmul %mul3A_6, %get3A_9, %dot_general3A {dimension_numbers = #tpu.dot_dimension_numbers<[1], [0], [0], [1], [0, 0, 1, 1], [], []>, transpose_lhs_hint = false} : vector<512x1024xf32>, vector<1024x1024xf32>, vector<512x1024xf32> -> vector<512x1024xf32>
    %get3A_11 = arith.constant 0 : index
    %get3A_12 = arith.constant 0 : index
    %get3A_13 = vector.load %arg5[%get3A_11, %get3A_12] : memref<1x1024xf32, #tpu.memory_space<vmem>>, vector<1x1024xf32>
    %add3A_14 = vector.broadcast %get3A_13 : vector<1x1024xf32> to vector<512x1024xf32>
    %add3A_15 = arith.addf %dot_general3A_10, %add3A_14 : vector<512x1024xf32>
    %swap3A = arith.constant 0 : index
    %swap3A_16 = arith.constant 0 : index
    %swap3A_17 = vector.load %arg6[%swap3A, %swap3A_16] : memref<512x1024xf32, #tpu.memory_space<vmem>>, vector<512x1024xf32>
    tpu.vector_store %arg6[%swap3A, %swap3A_16], %add3A_15 {strides = array<i32>} : memref<512x1024xf32, #tpu.memory_space<vmem>>, vector<512x1024xf32>,
    return
  }
  func.func @transform_0(%arg0: i32, %arg1: i32) -> (i32, i32) {
    %c0_i32 = arith.constant 0 : i32
    %c0_i32_0 = arith.constant 0 : i32
    return %arg0, %c0_i32 : i32, i32
  }
  func.func @transform_1(%arg0: i32, %arg1: i32) -> (i32, i32) {
    %c0_i32 = arith.constant 0 : i32
    %c0_i32_0 = arith.constant 0 : i32
    return %arg0, %c0_i32 : i32, i32
  }
  func.func @transform_2(%arg0: i32, %arg1: i32) -> (i32, i32) {
    %c0_i32 = arith.constant 0 : i32
    %c0_i32_0 = arith.constant 0 : i32
    return %c0_i32, %arg1 : i32, i32
  }
  func.func @transform_3(%arg0: i32, %arg1: i32) -> (i32, i32) {
    %c0_i32 = arith.constant 0 : i32
    %c0_i32_0 = arith.constant 0 : i32
    return %c0_i32, %arg1 : i32, i32
  }
  func.func @transform_4(%arg0: i32, %arg1: i32) -> (i32, i32) {
    %c0_i32 = arith.constant 0 : i32
    return %arg0, %arg1 : i32, i32
  }
}

</mosaic_0001>

<sc_bundles>
// kernel: gather_offload_async_start.1
scs
__scs_entry_jumppad:
0x0: {  	(pc) =	sbr.rel $0x88, $3  }
0x1: {  	(tag) =	ssettag $0x0;
	lr =	simm.s32 $0x1  }
0x2: {  	[smem:$0x3F92] =	sst lr;
	_ =	strace $0xD0000000  }
0x3: {  	_ = 	snop  }
0x4: {  	_ = 	snop  }
0x5: {  	_ = 	snop  }
0x6: {  	_ = 	snop  }
0x7: {  	_ = 	snop  }
__scs_overlays_trampoline_lowered:
0x8: {  	[smem:$0x3FA1] =	sst s0  }
0x9: {  	[smem:$0x3FA2] =	sst s1  }
0xa: {  	[smem:$0x3FA3] =	sst s2  }
0xb: {  	[smem:$0x3FA4] =	sst s3  }
0xc: {  	[smem:$0x3FA5] =	sst s4  }
0xd: {  	[smem:$0x3FA6] =	sst s5  }
0xe: {  	[smem:$0x3FA7] =	sst s6  }
0xf: {  	[smem:$0x3FA8] =	sst s7  }
0x10: {  	[smem:$0x3FA9] =	sst s8  }
0x11: {  	[smem:$0x3FAA] =	sst s9;
	s0 =	simm.s32 @!p0 $0x0  }
0x12: {  	s1 =	sld [smem:$0x3F90];
	s0 =	simm.s32 @p0 $0x1  }
0x13: {  	[smem:$0x3FAB] =	sst s0;
	s0 =	simm.s32 @!p1 $0x0  }
0x14: {  	s2 =	sld [smem:$0x3F8F];
	s0 =	simm.s32 @p1 $0x1  }
0x15: {  	[smem:$0x3FAC] =	sst s0;
	s0 =	simm.s32 @!p2 $0x0  }
0x16: {  	s3 =	sld [smem:$0x3FDB];
	s0 =	simm.s32 @p2 $0x1  }
0x17: {  	s4 =	simm.s32 $0x1BF5;
	[smem:$0x3FAE] =	sst s0  }
0x18: {  	s0 =	sld [smem:$0x3F91];
	_ =	swait.ge [sflag:s4], $0x0  }
0x19: {  	s7 =	sld [smem:$0x3F92]  }
0x1a: {  	s8 =	sadd.s32 $0xFFFFE003, lr  }
0x1b: {  	s9 =	sadd.s32 $0xFFFFFEF7, lr;
	s5 =	simm.s32 $0xFFFFFFFF;
	p2 =	slt.u32 s8, $0xFFFFF086  }
0x1c: {  	p1 =	slt.u32 s9, $0xF7A;
	s5 =	simm.s32 @!p2 $0x0  }
0x1d: {  	s5 =	simm.s32 @p1 $0x1;
	p0 =	seq.s32 s7, s2  }
0x1e: {  	s7 =	smul.u32 @!p0 $0xF7A, s2;
	p2 =	seq.s32 @!p0 s5, $0x0  }
0x1f: {  	s9 =	smul.u32 $0xF7A, s1;
	s8 =	simm.s32 @!p0 $0x1BF5;
	p2 =	por !p2, p0  }
0x20: {  	[sflag:s8] =	ssyncset.s32 @!p0 $0xFFFFF086;
	s6 =	sadd.s32 @!p0 s3, s7;
	s7 =	simm.s32 @!p0 $0x108  }
0x21: {  	s3 =	sadd.s32 s3, s9;
	s6 =	sadd.s32 @!p0 $0x88, s6;
	s7 =	simm.s32 @p2 $0x1082  }
0x22: {  	[simem:s7], [sflag:s8] =	dma.local @!p0 [hbm:s6], $0xF7A  }
0x23: {  	s9 =	sor.u32 $0xD0000000, s2;
	s6 =	simm.s32 $0x108;
	_ =	swait.ge @!p0 [sflag:s8], $0x0  }
0x24: {  	s3 =	sadd.s32 $0x88, s3;
	s6 =	simm.s32 @!p1 $0x1082;
	[sflag:s4] =	ssyncset.s32 $0xFFFFF086  }
0x25: {  	[simem:s6], [sflag:s4] =	dma.local [hbm:s3], $0xF7A  }
0x26: {  	[smem:$0x3F92] =	sst s1;
	(tag) =	ssettag s2;
	_ =	strace s9  }
0x27: {  	s1 =	sld [smem:$0x3FA2]  }
0x28: {  	s2 =	sld [smem:$0x3FA3]  }
0x29: {  	s4 =	sld [smem:$0x3FA5]  }
0x2a: {  	p0 =	seq.s32 s5, $0x0;
	s5 =	sld [smem:$0x3FA6]  }
0x2b: {  	s6 =	sld [smem:$0x3FA7]  }
0x2c: {  	s7 =	sld [smem:$0x3FA8]  }
0x2d: {  	s3 =	simm.s32 $0x108;
	s8 =	sld [smem:$0x3FA9]  }
0x2e: {  	s3 =	simm.s32 @!p0 $0x1082;
	s9 =	sld [smem:$0x3FAA]  }
0x2f: {  	lr =	sadd.s32 s0, s3;
	s0 =	sld [smem:$0x3FA1]  }
0x30: {  	s3 =	sld [smem:$0x3FA4]  }
0x31: {  	[smem:$0x3FAD] =	sst s10  }
0x32: {  	s10 =	sld [smem:$0x3FAB];
	_ =	sdelay $0x3  }
0x33: {  	p0 =	seq.s32 s10, $0x1;
	s10 =	sld [smem:$0x3FAD];
	_ =	sdelay $0x3  }
0x34: {  	[smem:$0x3FAD] =	sst s10  }
0x35: {  	s10 =	sld [smem:$0x3FAC];
	_ =	sdelay $0x3  }
0x36: {  	p1 =	seq.s32 s10, $0x1;
	s10 =	sld [smem:$0x3FAD];
	_ =	sdelay $0x3  }
0x37: {  	[smem:$0x3FAD] =	sst s10  }
0x38: {  	s10 =	sld [smem:$0x3FAE]  }
0x39: {  	_ = 	snop;
	(pc) =	sbr.ind lr, $3  }
0x3a: {  	_ = 	snop  }
0x3b: {  	_ = 	snop  }
0x3c: {  	p2 =	seq.s32 s10, $0x1;
	s10 =	sld [smem:$0x3FAD]  }
0x3d: {  	_ =	shalt  }
0x3e: {  	_ =	shalt  }
0x3f: {  	_ =	shalt  }
0x40: {  	_ =	shalt  }
0x41: {  	_ =	shalt  }
0x42: {  	_ =	shalt  }
0x43: {  	_ =	shalt  }
0x44: {  	_ =	shalt  }
0x45: {  	_ =	shalt  }
0x46: {  	_ =	shalt  }
0x47: {  	_ =	shalt  }
0x48: {  	_ =	shalt  }
0x49: {  	_ =	shalt  }
0x4a: {  	_ =	shalt  }
0x4b: {  	_ =	shalt  }
0x4c: {  	_ =	shalt  }
0x4d: {  	_ =	shalt  }
0x4e: {  	_ =	shalt  }
0x4f: {  	_ =	shalt  }
0x50: {  	_ =	shalt  }
0x51: {  	_ =	shalt  }
0x52: {  	_ =	shalt  }
0x53: {  	_ =	shalt  }
0x54: {  	_ =	shalt  }
0x55: {  	_ =	shalt  }
0x56: {  	_ =	shalt  }
0x57: {  	_ =	shalt  }
0x58: {  	_ =	shalt  }
0x59: {  	_ =	shalt  }
0x5a: {  	_ =	shalt  }
0x5b: {  	_ =	shalt  }
0x5c: {  	_ =	shalt  }
0x5d: {  	_ =	shalt  }
0x5e: {  	_ =	shalt  }
0x5f: {  	_ =	shalt  }
0x60: {  	_ =	shalt  }
0x61: {  	_ =	shalt  }
0x62: {  	_ =	shalt  }
0x63: {  	_ =	shalt  }
0x64: {  	_ =	shalt  }
0x65: {  	_ =	shalt  }
0x66: {  	_ =	shalt  }
0x67: {  	_ =	shalt  }
0x68: {  	_ =	shalt  }
0x69: {  	_ =	shalt  }
0x6a: {  	_ =	shalt  }
0x6b: {  	_ =	shalt  }
0x6c: {  	_ =	shalt  }
0x6d: {  	_ =	shalt  }
0x6e: {  	_ =	shalt  }
0x6f: {  	_ =	shalt  }
0x70: {  	_ =	shalt  }
0x71: {  	_ =	shalt  }
0x72: {  	_ =	shalt  }
0x73: {  	_ =	shalt  }
0x74: {  	_ =	shalt  }
0x75: {  	_ =	shalt  }
0x76: {  	_ =	shalt  }
0x77: {  	_ =	shalt  }
0x78: {  	_ =	shalt  }
0x79: {  	_ =	shalt  }
0x7a: {  	_ =	shalt  }
0x7b: {  	_ =	shalt  }
0x7c: {  	_ =	shalt  }
0x7d: {  	_ =	shalt  }
0x7e: {  	_ =	shalt  }
0x7f: {  	_ =	shalt  }
0x80: {  	_ =	shalt  }
0x81: {  	_ =	shalt  }
0x82: {  	_ =	shalt  }
0x83: {  	_ =	shalt  }
0x84: {  	_ =	shalt  }
0x85: {  	_ =	shalt  }
0x86: {  	_ =	shalt  }
0x87: {  	_ =	shalt  }
.Lfunc_end0:
.L_simem_size_0:
called_computation.5_lowered:
.L_overlay_start_0:
0x88: {  	s2 =	sld [smem:$0x3FD9]  }
0x89: {  	s3 =	sld [smem:$0x3FFE];
	_ =	sdelay $0x1  }
0x8a: {  	s1 =	srdreg.scid  }
0x8b: {  	s0 =	sand.u32 $0x1, s1  }
0x8c: {  	s17 =	sshll.u32 s0, $0xA;
	s2 =	sadd.s32 s3, s2  }
0x8d: {  	s2 =	sadd.s32 s2, s17  }
0x8e: {  	[smem:$0x3FB9] =	sst s2  }
0x8f: {  	_ = 	snop  }
0x90: {  	s18 =	sld [smem:$0x3FD0];
	(tm) =	ssettm $0x1  }
0x91: {  	s19 =	sld [smem:$0x3FFB];
	_ =	sdelay $0x3  }
0x92: {  	_ =	strace s19  }
0x93: {  	s2 =	sld [smem:$0x3FFC];
	_ =	sdelay $0x3  }
0x94: {  	_ =	strace s2  }
0x95: {  	s2 =	sld [smem:$0x3FFD];
	_ =	sdelay $0x3  }
0x96: {  	_ =	strace s2  }
0x97: {  	_ =	strace $0x8FFFFFFF  }
0x98: {  	s20 =	sld [smem:$0x3FDB];
	_ =	sdelay $0x1  }
0x99: {  	s4 =	simm.s32 $_scs_section_size  }
0x9a: {  	s5 =	simm.s32 $_size__tile_overlayer_lowered;
	s6 =	simm.s32 $_tile_overlayer_lowered  }
0x9b: {  	s7 =	simm.s32 $0x1BFF;
	s21 =	sshll.u32 s6, $0x1;
	s4 =	sadd.s32 s4, s20  }
0x9c: {  	s22 =	simm.s32 $0x0;
	s5 =	sshll.u32 s5, $0x1;
	s6 =	sadd.s32 s21, s4  }
0x9d: {  	[timem:s22], [sflag:s7] =	dma.local [hbm:s6], s5  }
0x9e: {  	_ =	swait.ge [sflag:s7], s5  }
0x9f: {  	s5 =	ssub.s32 $0x0, s5;
	[sflag:s7] =	ssyncset.done $0x0  }
0xa0: {  	[sflag:s7] =	ssyncadd.s32 s5;
	_ =	sdelay $0x1  }
0xa1: {  	s23 =	simm.s32 $0x1B8B  }
0xa2: {  	_ =	swait.ge [sflag:s23], $0x1  }
0xa3: {  	[sflag:s23] =	ssyncset.done $0x0  }
0xa4: {  	[sflag:s23] =	ssyncadd.s32 $0xFFFFFFFF  }
0xa5: {  	s5 =	sld [smem:$0x0]  }
0xa6: {  	s6 =	sand.u32 $0xFFFFFFFE, s1  }
0xa7: {  	p0 =	sne.s32 s1, s6  }
0xa8: {  	s6 =	sshll.u32 @p0 s6, $0xE  }
0xa9: {  	s6 =	sadd.s32 @p0 $0x11B8D, s6;
	s7 =	sshll.u32 @p0 s5, $0x11  }
0xaa: {  	s6 =	sor.u32 @p0 s7, s6  }
0xab: {  	[sflag:s6] =	ssyncadd.remote.s32 @p0 $0x1;
	_ =	sdelay $0x1  }
0xac: {  	s6 =	simm.s32 @p0 $0x1B8D  }
0xad: {  	_ =	swait.eq @p0 [sflag:s6], $0x1  }
0xae: {  	[sflag:s6] =	ssyncadd.s32 @p0 $0xFFFFFFFF  }
0xaf: {  	s7 =	sshll.u32 @!p0 s1, $0xE  }
0xb0: {  	s7 =	sor.u32 @!p0 $0x4000, s7;
	s6 =	simm.s32 @!p0 $0x1B8D  }
0xb1: {  	s5 =	sshll.u32 @!p0 s5, $0x11;
	s7 =	sadd.s32 @!p0 $0x11B8D, s7;
	_ =	swait.eq @!p0 [sflag:s6], $0x1  }
0xb2: {  	s5 =	sor.u32 @!p0 s5, s7;
	[sflag:s6] =	ssyncadd.s32 @!p0 $0xFFFFFFFF  }
0xb3: {  	s25 =	simm.s32 $0x1B8E;
	s24 =	sld [smem:$0x3FFE];
	[sflag:s5] =	ssyncadd.remote.s32 @!p0 $0x1  }
0xb4: {  	s26 =	simm.s32 $execute0_lowered;
	[smem:$0x3FD2] =	sst s25  }
0xb5: {  	s6 =	sshll.u32 s26, $0x1;
	_ =	strace $0x8000004F;
	[dreg:$0x1] =	wrdreg $0xFFFFFFFF  }
0xb6: {  	s28 =	simm.s32 $_size_execute0_lowered;
	s4 =	sadd.s32 s4, s6;
	[dreg:$0x0] =	wrdreg $0x0  }
0xb7: {  	s6 =	sshll.u32 s28, $0x1;
	[dreg:$0x2] =	wrdreg s4  }
0xb8: {  	[dreg:$0x3] =	wrdreg s6  }
0xb9: {  	[dreg:$0x4] =	wrdreg $0xC0  }
0xba: {  	_ =	task [dreg:s22], $0x5FFFF  }
0xbb: {  	[dreg:$0x1] =	wrdreg $0xFFFFFFFF  }
0xbc: {  	[dreg:$0x0] =	wrdreg $0x60  }
0xbd: {  	[dreg:$0x2] =	wrdreg s24  }
0xbe: {  	[dreg:$0x3] =	wrdreg s18  }
0xbf: {  	[dreg:$0x4] =	wrdreg $0x9  }
0xc0: {  	_ =	task.clear_ibuf [dreg:s22], $0x5FFFF;
	_ =	strace $0x9000004F  }
0xc1: {  	s29 =	simm.s32 $0x9;
	_ =	strace $0x80000051  }
0xc2: {  	_ =	swait.ge [sflag:s29], $0x1  }
0xc3: {  	[sflag:s29] =	ssyncadd.s32 $0xFFFFFFFF  }
0xc4: {  	_ =	strace $0x90000051  }
0xc5: {  	_ =	sfence  }
0xc6: {  	s30 =	sld [smem:$0x0];
	_ =	sdelay $0x2  }
0xc7: {  	s31 =	sshll.u32 s1, $0xD;
	s1 =	sshrl.u32 s1, $0x2  }
0xc8: {  	s4 =	sand.u32 $0x4000, s31;
	s1 =	sadd.s32 s1, s30  }
0xc9: {  	s0 =	sor.u32 s4, s0;
	s1 =	sshll.u32 s1, $0x11  }
0xca: {  	s0 =	sor.u32 s1, s0  }
0xcb: {  	s0 =	sadd.s32 $0x8F2B, s0  }
0xcc: {  	[sflag:s0] =	ssyncadd.remote.s32 $0x1  }
0xcd: {  	_ =	sfence.sel $0xFFFF  }
0xce: {  	[dreg:$0x0] =	wrdreg $0xFFFFFFFF;
	(pc) =	sbr.abs _section_cstart, $3  }
0xcf: {  	[dreg:$0x1] =	wrdreg $0xFFFFFFFF  }
0xd0: {  	_ =	task.clear_ibuf [dreg:s22], $0x2FFFF;
	_ =	strace $0x9FFFFFFF  }
0xd1: {  	(tm) =	ssettm $0x7FFFFFFF  }
tec
execute0_lowered:
.L_overlay_start_1:
0x0: {  	(tag) =	ssettag $0x1  }
0x1: {  	s7 =	rddreg [dreg:$0x0]  }
0x2: {  	s0 =	srdreg.scid;
	s2 =	rddreg [dreg:$0x1]  }
0x3: {  	s1 =	stileid.u32;
	s5 =	simm.s32 $0x2;
	s9 =	simm.s32 $0x3  }
0x4: {  	s3 =	sshll.u32 s0, $0x4;
	s0 =	rddreg [dreg:$0x2];
	_ =	strace $0x80000050  }
.Ltmp0:
0x5: {  	s4 =	sand.u32 $0x10, s3;
	s3 =	simm.s32 $0x1;
	(pc) =	sbr.rel .LBB2_1-.Ltmp0, $4  }
0x6: {  	s11 =	simm.s32 $0x0;
	s4 =	sor.u32 s1, s4;
	[sflag:s3] =	ssyncpa.u1 $0x0  }
0x7: {  	p0 =	por $0x0, $0x0;
	s4 =	smul.u32 $0x1100, s4;
	[sflag:s5] =	ssyncpa.u1 $0x0  }
0x8: {  	s6 =	sadd.s32 $0x42C800, s7;
	s7 =	sadd.s32 $0x2E4800, s7;
	[sflag:s9] =	ssyncpa.u1 $0x0  }
0x9: {  	vm0 =	vmmov $0xff;
	vm1 =	vcmask $0x3F20;
	s9 =	simm.s32 $0x0;
	s8 =	sadd.s32 $0x1100, s4;
	s10 =	smov.u32 s4  }
.LBB2_6:
0xa: {  	[hbm:s15] =	stream.linear.scatter [tilespmem:s12], [sflag:$0x3], $0x400, $0x38;
	[tilespmem:$0x10200] =	vst v63  }
.LBB2_7:
0xb: {  	p1 =	slt.u32 s9, $0x2;
	s11 =	sadd.s32 $0x100, s10  }
0xc: {  	s13 =	smov.u32 s4;
	s9 =	sadd.s32 $0x1, s9;
	p2 =	slt.s32 s11, s8  }
0xd: {  	s13 =	smov.u32 @p2 s11;
	p2 =	sne.s32 s9, $0x13  }
.Ltmp1:
0xe: {  	_ = 	snop;
	(pc) =	sbr.rel @!p2 .LBB2_8-.Ltmp1, $4  }
0xf: {  	s12 =	simm.s32 @!p1 $0x3  }
0x10: {  	_ =	swait.ge @!p1 [sflag:s12], $0x8000  }
0x11: {  	p0 =	por !p0, !p0;
	[sflag:s12] =	ssyncset.done @!p1 $0x0  }
0x12: {  	s11 =	smov.u32 s10;
	s10 =	smov.u32 s13;
	[sflag:s12] =	ssyncadd.s32 @!p1 $0xFFFF8000  }
.LBB2_1:
0x13: {  	p1 =	sgt.u32 s9, $0x10  }
0x14: {  	s12 =	sxor.u32 @!p1 $0xFFFFFFFF, s9  }
0x15: {  	s31 =	sadd.s32 $0xFFFFFFFF, s9;
	s13 =	sshrl.u32 @!p1 s10, $0x3;
	s12 =	sshll.u32 @!p1 s12, $0x8  }
0x16: {  	s14 =	sand.u32 @!p1 $0x7, s10;
	s13 =	sadd.s32 @!p1 s7, s13;
	s12 =	sand.u32 @!p1 $0x100, s12  }
0x17: {  	[tilespmem:s12], [sflag:$0x2] =	stream.linear.gather @!p1 [hbm4b:s13+s14], $0x100, $0x38;
	[tilespmem:$0x10200] =	vst v63  }
0x18: {  	p1 =	sgt.u32 s31, $0x10  }
.Ltmp2:
0x19: {  	_ = 	snop;
	(pc) =	sbr.rel @p1 .LBB2_7-.Ltmp2, $1  }
0x1a: {  	_ =	sdelay $0x3  }
0x1b: {  	s12 =	simm.s32 $0x1  }
0x1c: {  	_ =	swait.ge [sflag:s5], $0x100;
	s12 =	simm.s32 @!p0 $0x0  }
0x1d: {  	[sflag:s5] =	ssyncset.done $0x0;
	s14 =	sshll.u32 s12, $0x8  }
0x1e: {  	[sflag:s5] =	ssyncadd.s32 $0xFFFFFF00;
	s13 =	sadd.s32 $0x0, s14  }
0x1f: {  	v0 =	vld.msk [tilespmem:s13+$0x0 ss:$0x1], $0xffff;
	_ =	sdelay $0x4  }
0x20: {  	v1 =	vshrl.u32 v0, $0x4  }
0x21: {  	v2 =	vand.u32 $0xF, v0;
	v1 =	vand.u32 $0x3, v1  }
0x22: {  	v3 =	vshll.u32 v0, $0x1;
	v2 =	vmul.u32 $0x110000, v2;
	v1 =	vmul.u32 $0x44000, v1  }
0x23: {  	vm2 =	veq.s32 v0, $0x80000000;
	v0 =	vand.u32 $0x7FF80, v3  }
0x24: {  	v0 =	vsel vm2, $0xFFFFFF80, v0;
	v1 =	vadd.s32 v2, v1  }
0x25: {  	v2 =	vand.u32 $0xFFFFFC00, v0;
	v1 =	vsel vm2, $0xFFEAC000, v1  }
0x26: {  	v0 =	vand.u32 $0x380, v0;
	v1 =	vadd.s32 v2, v1  }
0x27: {  	v0 =	vor.u32 v0, v1  }
0x28: {  	v0 =	vshrl.u32 v0, $0x3;
	_ =	sdelay $0x2  }
0x29: {  	s12 =	sshll.u32 s12, $0xF  }
0x2a: {  	s12 =	sor.u32 $0x200, s12  }
0x2b: {  	[tilespmem:s12], [sflag:$0x1] =	stream.indirect_vreg.gather [hbm:s6], $0x80, v0, vm0, $0x38;
	[tilespmem:$0x10200] =	vst v63  }
0x2c: {  	s15 =	sadd.s32 $0x10, s14;
	s13 =	sadd.s32 $0x400, s12  }
0x2d: {  	[tilespmem:s13], [sflag:$0x1] =	stream.indirect_vreg.gather [hbm:s6], $0x80, v0, vm1, $0x38;
	[tilespmem:$0x10200] =	vst v63  }
0x2e: {  	s16 =	simm.s32 $0x80;
	v0 =	vld.msk [tilespmem:s15+$0x0 ss:$0x1], $0xffff;
	s15 =	smov.u32 s12  }
.LBB2_3:
0x2f: {  	p1 =	sne.s32 s16, $0x3C0;
	_ =	sdelay $0x4  }
0x30: {  	v1 =	vshrl.u32 v0, $0x4  }
0x31: {  	v2 =	vand.u32 $0xF, v0;
	v1 =	vand.u32 $0x3, v1  }
0x32: {  	v3 =	vshll.u32 v0, $0x1;
	v2 =	vmul.u32 $0x110000, v2;
	v1 =	vmul.u32 $0x44000, v1  }
0x33: {  	vm2 =	veq.s32 v0, $0x80000000;
	v0 =	vand.u32 $0x7FF80, v3  }
0x34: {  	v0 =	vsel vm2, $0xFFFFFF80, v0;
	v1 =	vadd.s32 v2, v1  }
0x35: {  	v2 =	vand.u32 $0xFFFFFC00, v0;
	v1 =	vsel vm2, $0xFFEAC000, v1  }
0x36: {  	v0 =	vand.u32 $0x380, v0;
	v1 =	vadd.s32 v2, v1  }
0x37: {  	v0 =	vor.u32 v0, v1  }
0x38: {  	v0 =	vshrl.u32 v0, $0x3;
	_ =	sdelay $0x3  }
.Ltmp3:
0x39: {  	s17 =	sshra.s32 s16, $0x2;
	s15 =	sadd.s32 $0x800, s15;
	(pc) =	sbr.rel @p1 .LBB2_3-.Ltmp3, $4  }
0x3a: {  	[tilespmem:s15], [sflag:$0x1] =	stream.indirect_vreg.gather [hbm:s6], $0x80, v0, vm0, $0x38;
	[tilespmem:$0x10200] =	vst v63  }
0x3b: {  	s17 =	sadd.s32 s17, s14;
	s18 =	sadd.s32 $0x400, s15  }
0x3c: {  	[tilespmem:s18], [sflag:$0x1] =	stream.indirect_vreg.gather [hbm:s6], $0x80, v0, vm1, $0x38;
	[tilespmem:$0x10200] =	vst v63  }
0x3d: {  	s16 =	sadd.s32 $0x40, s16;
	v0 =	vld.msk [tilespmem:s17+$0x0 ss:$0x1], $0xffff  }
0x3e: {  	_ =	sdelay $0x3  }
0x3f: {  	v1 =	vshrl.u32 v0, $0x4  }
0x40: {  	v2 =	vand.u32 $0xF, v0;
	v1 =	vand.u32 $0x3, v1  }
0x41: {  	v3 =	vshll.u32 v0, $0x1;
	v2 =	vmul.u32 $0x110000, v2;
	v1 =	vmul.u32 $0x44000, v1  }
0x42: {  	vm2 =	veq.s32 v0, $0x80000000;
	v62 =	vand.u32 $0x7FF80, v3  }
0x43: {  	v0 =	vsel vm2, $0xFFFFFF80, v62;
	v1 =	vadd.s32 v2, v1  }
0x44: {  	v63 =	vand.u32 $0xFFFFFC00, v0;
	v1 =	vsel vm2, $0xFFEAC000, v1  }
0x45: {  	v0 =	vand.u32 $0x380, v0;
	v1 =	vadd.s32 v63, v1  }
0x46: {  	v0 =	vor.u32 v0, v1  }
0x47: {  	v0 =	vshrl.u32 v0, $0x3;
	_ =	sdelay $0x3  }
0x48: {  	s14 =	sadd.s32 $0x800, s15  }
0x49: {  	[tilespmem:s14], [sflag:$0x1] =	stream.indirect_vreg.gather [hbm:s6], $0x80, v0, vm0, $0x38;
	[tilespmem:$0x10200] =	vst v63  }
0x4a: {  	s14 =	sadd.s32 $0x400, s14  }
0x4b: {  	[tilespmem:s14], [sflag:$0x1] =	stream.indirect_vreg.gather [hbm:s6], $0x80, v0, vm1, $0x38;
	[tilespmem:$0x10200] =	vst v63  }
0x4c: {  	s11 =	sshll.u32 s11, $0x4;
	_ =	swait.ge [sflag:s3], $0x8000  }
0x4d: {  	s11 =	sadd.s32 s11, s2;
	[sflag:s3] =	ssyncset.done $0x0  }
0x4e: {  	s15 =	sadd.s32 $0x0, s11;
	s14 =	simm.s32 $0x80;
	[sflag:s3] =	ssyncadd.s32 $0xFFFF8000  }
.LBB2_5:
0x4f: {  	[hbm:s15] =	stream.linear.scatter [tilespmem:s12], [sflag:$0x3], $0x400, $0x38;
	[tilespmem:$0x10200] =	vst v63  }
0x50: {  	s15 =	smov.u32 s14;
	s12 =	smov.u32 s13;
	p1 =	sne.s32 s14, $0xF80  }
.Ltmp4:
0x51: {  	s14 =	sadd.s32 $0x80, s14;
	(pc) =	sbr.rel @p1 .LBB2_5-.Ltmp4, $2  }
0x52: {  	_ =	sdelay $0x2  }
0x53: {  	s13 =	sadd.s32 $0x400, s13;
	s15 =	sadd.s32 s15, s11  }
.Ltmp5:
0x54: {  	_ = 	snop;
	(pc) =	sbr.rel .LBB2_6-.Ltmp5, $1  }
0x55: {  	_ =	sdelay $0x3  }
.LBB2_8:
0x56: {  	_ =	sfence.sel $0x180000  }
0x57: {  	s2 =	simm.s32 $0x2;
	[bflag:$0x0] =	sbarrier.arrive $0xFFFF  }
0x58: {  	s30 =	simm.s32 $0x3;
	[sflag:s2] =	ssyncpa.u1 $0x1  }
0x59: {  	s31 =	simm.s32 $0x1;
	[sflag:s30] =	ssyncpa.u1 $0x1  }
0x5a: {  	[sflag:s31] =	ssyncpa.u1 $0x1  }
0x5b: {  	p0 =	sne.s32 s1, $0x0;
	_ =	strace $0x90000050  }
0x5c: {  	s0 =	sadd.s32 @!p0 $0x100000, s0;
	[bflag:$0x2] =	sbarrier.arrive $0xFFFF  }
0x5d: {  	[sflag:s0] =	ssyncadd.tile.s32 @!p0 $0x1;
	_ =	shalt  }
.Lfunc_end2:
_tile_overlayer_lowered:
.L_overlay_start_2:
0x5e: {  	(tag) =	ssettag $0x2  }
0x5f: {  	s0 =	rddreg [dreg:$0x0];
	s2 =	stileid.u32  }
0x60: {  	s1 =	rddreg [dreg:$0x1];
	p0 =	sne.s32 s2, $0x0  }
0x61: {  	s3 =	rddreg [dreg:$0x2];
	[bflag:$0x3] =	sbarrier.arrive $0xFFFF;
	s2 =	simm.s32 @!p0 $0x1C01  }
0x62: {  	[timem:s3], [sflag:s2] =	dma.local @!p0 [hbm:s0], s1  }
0x63: {  	s0 =	simm.s32 @!p0 $0x1  }
0x64: {  	_ =	swait.ge @!p0 [sflag:s0], s1  }
0x65: {  	s1 =	ssub.s32 @!p0 $0x0, s1;
	[sflag:s0] =	ssyncset.done @!p0 $0x0  }
0x66: {  	[sflag:s0] =	ssyncadd.s32 @!p0 s1  }
0x67: {  	[bflag:$0x3] =	sbarrier.arrive $0xFFFF  }
0x68: {  	_ =	shalt  }

// kernel: gather_offload_async_start.2
scs
__scs_entry_jumppad:
0x0: {  	(pc) =	sbr.rel $0x88, $3  }
0x1: {  	(tag) =	ssettag $0x0;
	lr =	simm.s32 $0x1  }
0x2: {  	[smem:$0x3F92] =	sst lr;
	_ =	strace $0xD0000000  }
0x3: {  	_ = 	snop  }
0x4: {  	_ = 	snop  }
0x5: {  	_ = 	snop  }
0x6: {  	_ = 	snop  }
0x7: {  	_ = 	snop  }
__scs_overlays_trampoline_lowered:
0x8: {  	[smem:$0x3FA1] =	sst s0  }
0x9: {  	[smem:$0x3FA2] =	sst s1  }
0xa: {  	[smem:$0x3FA3] =	sst s2  }
0xb: {  	[smem:$0x3FA4] =	sst s3  }
0xc: {  	[smem:$0x3FA5] =	sst s4  }
0xd: {  	[smem:$0x3FA6] =	sst s5  }
0xe: {  	[smem:$0x3FA7] =	sst s6  }
0xf: {  	[smem:$0x3FA8] =	sst s7  }
0x10: {  	[smem:$0x3FA9] =	sst s8  }
0x11: {  	[smem:$0x3FAA] =	sst s9;
	s0 =	simm.s32 @!p0 $0x0  }
0x12: {  	s1 =	sld [smem:$0x3F90];
	s0 =	simm.s32 @p0 $0x1  }
0x13: {  	[smem:$0x3FAB] =	sst s0;
	s0 =	simm.s32 @!p1 $0x0  }
0x14: {  	s2 =	sld [smem:$0x3F8F];
	s0 =	simm.s32 @p1 $0x1  }
0x15: {  	[smem:$0x3FAC] =	sst s0;
	s0 =	simm.s32 @!p2 $0x0  }
0x16: {  	s3 =	sld [smem:$0x3FDB];
	s0 =	simm.s32 @p2 $0x1  }
0x17: {  	s4 =	simm.s32 $0x1BF5;
	[smem:$0x3FAE] =	sst s0  }
0x18: {  	s0 =	sld [smem:$0x3F91];
	_ =	swait.ge [sflag:s4], $0x0  }
0x19: {  	s7 =	sld [smem:$0x3F92]  }
0x1a: {  	s8 =	sadd.s32 $0xFFFFE003, lr  }
0x1b: {  	s9 =	sadd.s32 $0xFFFFFEF7, lr;
	s5 =	simm.s32 $0xFFFFFFFF;
	p2 =	slt.u32 s8, $0xFFFFF086  }
0x1c: {  	p1 =	slt.u32 s9, $0xF7A;
	s5 =	simm.s32 @!p2 $0x0  }
0x1d: {  	s5 =	simm.s32 @p1 $0x1;
	p0 =	seq.s32 s7, s2  }
0x1e: {  	s7 =	smul.u32 @!p0 $0xF7A, s2;
	p2 =	seq.s32 @!p0 s5, $0x0  }
0x1f: {  	s9 =	smul.u32 $0xF7A, s1;
	s8 =	simm.s32 @!p0 $0x1BF5;
	p2 =	por !p2, p0  }
0x20: {  	[sflag:s8] =	ssyncset.s32 @!p0 $0xFFFFF086;
	s6 =	sadd.s32 @!p0 s3, s7;
	s7 =	simm.s32 @!p0 $0x108  }
0x21: {  	s3 =	sadd.s32 s3, s9;
	s6 =	sadd.s32 @!p0 $0x88, s6;
	s7 =	simm.s32 @p2 $0x1082  }
0x22: {  	[simem:s7], [sflag:s8] =	dma.local @!p0 [hbm:s6], $0xF7A  }
0x23: {  	s9 =	sor.u32 $0xD0000000, s2;
	s6 =	simm.s32 $0x108;
	_ =	swait.ge @!p0 [sflag:s8], $0x0  }
0x24: {  	s3 =	sadd.s32 $0x88, s3;
	s6 =	simm.s32 @!p1 $0x1082;
	[sflag:s4] =	ssyncset.s32 $0xFFFFF086  }
0x25: {  	[simem:s6], [sflag:s4] =	dma.local [hbm:s3], $0xF7A  }
0x26: {  	[smem:$0x3F92] =	sst s1;
	(tag) =	ssettag s2;
	_ =	strace s9  }
0x27: {  	s1 =	sld [smem:$0x3FA2]  }
0x28: {  	s2 =	sld [smem:$0x3FA3]  }
0x29: {  	s4 =	sld [smem:$0x3FA5]  }
0x2a: {  	p0 =	seq.s32 s5, $0x0;
	s5 =	sld [smem:$0x3FA6]  }
0x2b: {  	s6 =	sld [smem:$0x3FA7]  }
0x2c: {  	s7 =	sld [smem:$0x3FA8]  }
0x2d: {  	s3 =	simm.s32 $0x108;
	s8 =	sld [smem:$0x3FA9]  }
0x2e: {  	s3 =	simm.s32 @!p0 $0x1082;
	s9 =	sld [smem:$0x3FAA]  }
0x2f: {  	lr =	sadd.s32 s0, s3;
	s0 =	sld [smem:$0x3FA1]  }
0x30: {  	s3 =	sld [smem:$0x3FA4]  }
0x31: {  	[smem:$0x3FAD] =	sst s10  }
0x32: {  	s10 =	sld [smem:$0x3FAB];
	_ =	sdelay $0x3  }
0x33: {  	p0 =	seq.s32 s10, $0x1;
	s10 =	sld [smem:$0x3FAD];
	_ =	sdelay $0x3  }
0x34: {  	[smem:$0x3FAD] =	sst s10  }
0x35: {  	s10 =	sld [smem:$0x3FAC];
	_ =	sdelay $0x3  }
0x36: {  	p1 =	seq.s32 s10, $0x1;
	s10 =	sld [smem:$0x3FAD];
	_ =	sdelay $0x3  }
0x37: {  	[smem:$0x3FAD] =	sst s10  }
0x38: {  	s10 =	sld [smem:$0x3FAE]  }
0x39: {  	_ = 	snop;
	(pc) =	sbr.ind lr, $3  }
0x3a: {  	_ = 	snop  }
0x3b: {  	_ = 	snop  }
0x3c: {  	p2 =	seq.s32 s10, $0x1;
	s10 =	sld [smem:$0x3FAD]  }
0x3d: {  	_ =	shalt  }
0x3e: {  	_ =	shalt  }
0x3f: {  	_ =	shalt  }
0x40: {  	_ =	shalt  }
0x41: {  	_ =	shalt  }
0x42: {  	_ =	shalt  }
0x43: {  	_ =	shalt  }
0x44: {  	_ =	shalt  }
0x45: {  	_ =	shalt  }
0x46: {  	_ =	shalt  }
0x47: {  	_ =	shalt  }
0x48: {  	_ =	shalt  }
0x49: {  	_ =	shalt  }
0x4a: {  	_ =	shalt  }
0x4b: {  	_ =	shalt  }
0x4c: {  	_ =	shalt  }
0x4d: {  	_ =	shalt  }
0x4e: {  	_ =	shalt  }
0x4f: {  	_ =	shalt  }
0x50: {  	_ =	shalt  }
0x51: {  	_ =	shalt  }
0x52: {  	_ =	shalt  }
0x53: {  	_ =	shalt  }
0x54: {  	_ =	shalt  }
0x55: {  	_ =	shalt  }
0x56: {  	_ =	shalt  }
0x57: {  	_ =	shalt  }
0x58: {  	_ =	shalt  }
0x59: {  	_ =	shalt  }
0x5a: {  	_ =	shalt  }
0x5b: {  	_ =	shalt  }
0x5c: {  	_ =	shalt  }
0x5d: {  	_ =	shalt  }
0x5e: {  	_ =	shalt  }
0x5f: {  	_ =	shalt  }
0x60: {  	_ =	shalt  }
0x61: {  	_ =	shalt  }
0x62: {  	_ =	shalt  }
0x63: {  	_ =	shalt  }
0x64: {  	_ =	shalt  }
0x65: {  	_ =	shalt  }
0x66: {  	_ =	shalt  }
0x67: {  	_ =	shalt  }
0x68: {  	_ =	shalt  }
0x69: {  	_ =	shalt  }
0x6a: {  	_ =	shalt  }
0x6b: {  	_ =	shalt  }
0x6c: {  	_ =	shalt  }
0x6d: {  	_ =	shalt  }
0x6e: {  	_ =	shalt  }
0x6f: {  	_ =	shalt  }
0x70: {  	_ =	shalt  }
0x71: {  	_ =	shalt  }
0x72: {  	_ =	shalt  }
0x73: {  	_ =	shalt  }
0x74: {  	_ =	shalt  }
0x75: {  	_ =	shalt  }
0x76: {  	_ =	shalt  }
0x77: {  	_ =	shalt  }
0x78: {  	_ =	shalt  }
0x79: {  	_ =	shalt  }
0x7a: {  	_ =	shalt  }
0x7b: {  	_ =	shalt  }
0x7c: {  	_ =	shalt  }
0x7d: {  	_ =	shalt  }
0x7e: {  	_ =	shalt  }
0x7f: {  	_ =	shalt  }
0x80: {  	_ =	shalt  }
0x81: {  	_ =	shalt  }
0x82: {  	_ =	shalt  }
0x83: {  	_ =	shalt  }
0x84: {  	_ =	shalt  }
0x85: {  	_ =	shalt  }
0x86: {  	_ =	shalt  }
0x87: {  	_ =	shalt  }
.Lfunc_end0:
.L_simem_size_0:
called_computation.6_lowered:
.L_overlay_start_0:
0x88: {  	s2 =	sld [smem:$0x3FD9]  }
0x89: {  	s3 =	sld [smem:$0x3FFE];
	_ =	sdelay $0x1  }
0x8a: {  	s1 =	srdreg.scid  }
0x8b: {  	s0 =	sand.u32 $0x1, s1  }
0x8c: {  	s16 =	sshll.u32 s0, $0xA;
	s2 =	sadd.s32 s3, s2  }
0x8d: {  	s2 =	sadd.s32 s2, s16  }
0x8e: {  	[smem:$0x3FB9] =	sst s2  }
0x8f: {  	_ = 	snop  }
0x90: {  	(tm) =	ssettm $0x1  }
0x91: {  	s17 =	sld [smem:$0x3FFB];
	_ =	sdelay $0x3  }
0x92: {  	_ =	strace s17  }
0x93: {  	s2 =	sld [smem:$0x3FFC];
	_ =	sdelay $0x3  }
0x94: {  	_ =	strace s2  }
0x95: {  	s2 =	sld [smem:$0x3FFD];
	_ =	sdelay $0x3  }
0x96: {  	_ =	strace s2  }
0x97: {  	_ =	strace $0x8FFFFFFF  }
0x98: {  	s18 =	sld [smem:$0x3FDB];
	_ =	sdelay $0x1  }
0x99: {  	s19 =	simm.s32 $_scs_section_size  }
0x9a: {  	s4 =	simm.s32 $_size__tile_overlayer_lowered;
	s5 =	simm.s32 $_tile_overlayer_lowered  }
0x9b: {  	s22 =	simm.s32 $0x1BFF;
	s21 =	sshll.u32 s5, $0x1;
	s2 =	sadd.s32 s19, s18  }
0x9c: {  	s6 =	simm.s32 $0x0;
	s20 =	sshll.u32 s4, $0x1;
	s4 =	sadd.s32 s21, s2  }
0x9d: {  	[timem:s6], [sflag:s22] =	dma.local [hbm:s4], s20  }
0x9e: {  	_ =	swait.ge [sflag:s22], s20  }
0x9f: {  	s3 =	ssub.s32 $0x0, s20;
	[sflag:s22] =	ssyncset.done $0x0  }
0xa0: {  	[sflag:s22] =	ssyncadd.s32 s3;
	_ =	sdelay $0x1  }
0xa1: {  	s23 =	simm.s32 $0x1B8B  }
0xa2: {  	_ =	swait.ge [sflag:s23], $0x1  }
0xa3: {  	[sflag:s23] =	ssyncset.done $0x0  }
0xa4: {  	s25 =	simm.s32 $0x1B8E;
	s24 =	sld [smem:$0x3FFE];
	[sflag:s23] =	ssyncadd.s32 $0xFFFFFFFF  }
0xa5: {  	s26 =	simm.s32 $execute0_lowered;
	[smem:$0x3FD2] =	sst s25  }
0xa6: {  	s4 =	sshll.u32 s26, $0x1;
	_ =	strace $0x8000004C;
	[dreg:$0x1] =	wrdreg $0xFFFFFFFF  }
0xa7: {  	s28 =	simm.s32 $_size_execute0_lowered;
	s2 =	sadd.s32 s2, s4;
	[dreg:$0x0] =	wrdreg $0x0  }
0xa8: {  	s4 =	sshll.u32 s28, $0x1;
	[dreg:$0x2] =	wrdreg s2  }
0xa9: {  	[dreg:$0x3] =	wrdreg s4  }
0xaa: {  	[dreg:$0x4] =	wrdreg $0xC0  }
0xab: {  	_ =	task [dreg:s6], $0x5FFFF  }
0xac: {  	[dreg:$0x1] =	wrdreg $0xFFFFFFFF  }
0xad: {  	[dreg:$0x0] =	wrdreg $0x60  }
0xae: {  	[dreg:$0x2] =	wrdreg s24  }
0xaf: {  	[dreg:$0x3] =	wrdreg $0xA  }
0xb0: {  	_ =	task.clear_ibuf [dreg:s6], $0x4FFFF;
	_ =	strace $0x9000004C  }
0xb1: {  	s29 =	simm.s32 $0xA;
	_ =	strace $0x8000004E  }
0xb2: {  	_ =	swait.ge [sflag:s29], $0x1  }
0xb3: {  	[sflag:s29] =	ssyncadd.s32 $0xFFFFFFFF  }
0xb4: {  	_ =	strace $0x9000004E  }
0xb5: {  	_ =	sfence  }
0xb6: {  	s30 =	sld [smem:$0x0];
	_ =	sdelay $0x2  }
0xb7: {  	s31 =	sshll.u32 s1, $0xD;
	s1 =	sshrl.u32 s1, $0x2  }
0xb8: {  	s3 =	sand.u32 $0x4000, s31;
	s1 =	sadd.s32 s1, s30  }
0xb9: {  	s0 =	sor.u32 s3, s0;
	s1 =	sshll.u32 s1, $0x11  }
0xba: {  	s0 =	sor.u32 s1, s0  }
0xbb: {  	s0 =	sadd.s32 $0x8F2B, s0  }
0xbc: {  	[sflag:s0] =	ssyncadd.remote.s32 $0x1  }
0xbd: {  	_ =	sfence.sel $0xFFFF  }
0xbe: {  	[dreg:$0x0] =	wrdreg $0xFFFFFFFF;
	(pc) =	sbr.abs _section_cstart, $3  }
0xbf: {  	[dreg:$0x1] =	wrdreg $0xFFFFFFFF  }
0xc0: {  	_ =	task.clear_ibuf [dreg:s6], $0x2FFFF;
	_ =	strace $0x9FFFFFFF  }
0xc1: {  	(tm) =	ssettm $0x7FFFFFFF  }
tec
execute0_lowered:
.L_overlay_start_1:
0x0: {  	(tag) =	ssettag $0x1  }
0x1: {  	s0 =	srdreg.scid;
	s5 =	rddreg [dreg:$0x0]  }
0x2: {  	s1 =	stileid.u32;
	s6 =	simm.s32 $0x1;
	s9 =	simm.s32 $0x1  }
0x3: {  	s10 =	simm.s32 $0x3;
	s13 =	simm.s32 $0x0;
	s2 =	sshll.u32 s0, $0xC  }
0x4: {  	s12 =	simm.s32 $0x0;
	s3 =	sshll.u32 s1, $0xD;
	s2 =	sand.u32 $0x1000, s2  }
0x5: {  	s0 =	rddreg [dreg:$0x1];
	_ =	strace $0x8000004D;
	s2 =	sor.u32 s3, s2  }
0x6: {  	s4 =	sadd.s32 $0x7FE00, s5;
	[sflag:s6] =	ssyncpa.u1 $0x0;
	s8 =	ssub.s32 $0x22000, s2  }
.Ltmp0:
0x7: {  	s3 =	sadd.s32 $0x75E00, s5;
	s7 =	sand.u32 $0x1F000, s8;
	(pc) =	sbr.rel .LBB2_1-.Ltmp0, $4  }
0x8: {  	s5 =	sadd.s32 $0x7A200, s5;
	s11 =	smov.u32 s2;
	p0 =	sne.s32 s7, $0x0  }
0x9: {  	s8 =	sshrl.u32 s8, $0x11;
	s7 =	simm.s32 $0x2;
	s9 =	simm.s32 @!p0 $0x0  }
0xa: {  	[sflag:s7] =	ssyncpa.u1 $0x0;
	p0 =	por $0x0, $0x0;
	s8 =	sadd.s32 s9, s8  }
0xb: {  	vm0 =	vmmov $0xffff;
	[sflag:s10] =	ssyncpa.u1 $0x0;
	s10 =	simm.s32 $0x0;
	s9 =	sadd.s32 $0x1, s8  }
.LBB2_4:
0xc: {  	v6 =	vand.u32 $0x7F, v4;
	v3 =	vsel vm1, $0xFFFFDE00, v3  }
0xd: {  	v5 =	vmul.u32 $0x2200, v5;
	vm1 =	vmmov vm2;
	v56 =	vshll.u32 v4, $0x2  }
0xe: {  	v7 =	vand.u32 $0xF, v1;
	v2 =	vshll.u32 v2, $0x7;
	v57 =	vshrl.u32 v1, $0x4  }
0xf: {  	v58 =	vshrl.u32 v1, $0x6;
	v3 =	vor.u32 v3, v6;
	v4 =	vand.u32 $0xFFFFFE00, v56  }
0x10: {  	v2 =	vand.u32 $0x180, v2;
	v3 =	vadd.s32 v5, v3;
	v5 =	vand.u32 $0x3, v57  }
0x11: {  	v1 =	vand.u32 $0xFFF, v58;
	v59 =	vmul.u32 $0x2200, v7;
	v5 =	vsel vm1, $0xFFFFFFFF, v5  }
0x12: {  	v1 =	vsel vm1, $0xFFFFFFFF, v1;
	v3 =	vadd.s32 v4, v3;
	v60 =	vshrl.u32 v5, $0x2  }
0x13: {  	v61 =	vand.u32 $0x7F, v1;
	v6 =	vsel vm1, $0xFFFFDE00, v59;
	v4 =	vmul.u32 $0x2200, v60  }
0x14: {  	v1 =	vshll.u32 v1, $0x2;
	v2 =	vor.u32 v2, v3;
	v62 =	vor.u32 v6, v61  }
0x15: {  	v1 =	vand.u32 $0xFFFFFE00, v1;
	v5 =	vshll.u32 v5, $0x7;
	v3 =	vadd.s32 v4, v62  }
0x16: {  	v63 =	vand.u32 $0x180, v5;
	v1 =	vadd.s32 v1, v3  }
0x17: {  	(ifvalue) =	ssetifvalue $0x7FFFFFFF;
	s15 =	sadd.s32 $0x10, s15;
	v1 =	vor.u32 v63, v1  }
0x18: {  	[tilespmem:s15], [sflag:$0x1] =	stream.indirect_vreg.gather [hbm4b:s3+s10], $0x1, v0, vm0, $0x4038;
	[tilespmem:$0x4000] =	vst v63  }
0x19: {  	(ifvalue) =	ssetifvalue $0x7FFFFFFF;
	s15 =	sadd.s32 $0x10, s15  }
0x1a: {  	[tilespmem:s15], [sflag:$0x1] =	stream.indirect_vreg.gather [hbm4b:s3+s10], $0x1, v2, vm0, $0x4038;
	[tilespmem:$0x4000] =	vst v63  }
0x1b: {  	(ifvalue) =	ssetifvalue $0x7FFFFFFF;
	s15 =	sadd.s32 $0x10, s15  }
0x1c: {  	[tilespmem:s15], [sflag:$0x1] =	stream.indirect_vreg.gather [hbm4b:s3+s10], $0x1, v1, vm0, $0x4038;
	[tilespmem:$0x4000] =	vst v63  }
0x1d: {  	_ =	swait.ge [sflag:s6], $0x1000  }
0x1e: {  	s30 =	sshrl.u32 s13, $0x3;
	[sflag:s6] =	ssyncset.done $0x0  }
0x1f: {  	s31 =	sand.u32 $0x7, s13;
	s15 =	sadd.s32 s5, s30;
	[sflag:s6] =	ssyncadd.s32 $0xFFFFF000  }
0x20: {  	[hbm4b:s15+s31] =	stream.linear.scatter [tilespmem:s14], [sflag:$0x3], $0x1000, $0x38;
	[tilespmem:$0x4000] =	vst v63  }
.LBB2_5:
0x21: {  	s15 =	sadd.s32 $0x20000, s11  }
0x22: {  	p2 =	sgt.s32 s15, $0x21FFF  }
0x23: {  	s15 =	smov.u32 @p2 s2;
	p2 =	sne.s32 s12, s9  }
.Ltmp1:
0x24: {  	p1 =	slt.u32 s12, $0x2;
	(pc) =	sbr.rel @!p2 .LBB2_6-.Ltmp1, $4  }
0x25: {  	s14 =	simm.s32 @!p1 $0x3  }
0x26: {  	s16 =	sadd.s32 $0x1, s12;
	_ =	swait.ge @!p1 [sflag:s14], $0x1000  }
0x27: {  	s13 =	smov.u32 s11;
	p0 =	por !p0, !p0;
	[sflag:s14] =	ssyncset.done @!p1 $0x0  }
0x28: {  	s12 =	smov.u32 s16;
	s11 =	smov.u32 s15;
	[sflag:s14] =	ssyncadd.s32 @!p1 $0xFFFFF000  }
.LBB2_1:
0x29: {  	p1 =	sge.u32 s12, s8  }
0x2a: {  	s14 =	sxor.u32 @!p1 $0xFFFFFFFF, s12  }
0x2b: {  	s31 =	sadd.s32 $0xFFFFFFFF, s12;
	s15 =	sshrl.u32 @!p1 s11, $0x3;
	s14 =	sshll.u32 @!p1 s14, $0xC  }
0x2c: {  	s16 =	sand.u32 @!p1 $0x7, s11;
	s15 =	sadd.s32 @!p1 s4, s15;
	s14 =	sand.u32 @!p1 $0x1000, s14  }
0x2d: {  	[tilespmem:s14], [sflag:$0x2] =	stream.linear.gather @!p1 [hbm4b:s15+s16], $0x1000, $0x38;
	[tilespmem:$0x4000] =	vst v63  }
0x2e: {  	p1 =	sge.u32 s31, s8  }
.Ltmp2:
0x2f: {  	_ = 	snop;
	(pc) =	sbr.rel @p1 .LBB2_5-.Ltmp2, $1  }
0x30: {  	_ =	sdelay $0x3  }
0x31: {  	s14 =	simm.s32 $0x1  }
0x32: {  	_ =	swait.ge [sflag:s7], $0x1000;
	s14 =	simm.s32 @!p0 $0x0  }
0x33: {  	[sflag:s7] =	ssyncset.done $0x0;
	s14 =	sshll.u32 s14, $0xC  }
0x34: {  	[sflag:s7] =	ssyncadd.s32 $0xFFFFF000;
	(ifvalue) =	ssetifvalue $0x7FFFFFFF;
	v0 =	vld.msk [tilespmem:s14+$0x0 ss:$0x1], $0xffff;
	_ =	sdelay $0x1  }
0x35: {  	s15 =	sadd.s32 $0x10, s14  }
0x36: {  	v1 =	vld.msk [tilespmem:s15+$0x0 ss:$0x1], $0xffff;
	s15 =	sadd.s32 $0x10, s15  }
0x37: {  	v6 =	vld.msk [tilespmem:s15+$0x0 ss:$0x1], $0xffff  }
0x38: {  	vm1 =	veq.s32 v0, $0x80000000;
	v2 =	vand.u32 $0xF, v0  }
0x39: {  	v3 =	vshrl.u32 v0, $0x4;
	v0 =	vshrl.u32 v0, $0x6;
	vm1 =	vmmov vm1  }
0x3a: {  	v3 =	vand.u32 $0x3, v3;
	v0 =	vand.u32 $0xFFF, v0;
	v2 =	vmul.u32 $0x2200, v2  }
0x3b: {  	vm2 =	veq.s32 v1, $0x80000000;
	v7 =	vand.u32 $0xF, v1;
	v3 =	vsel vm1, $0xFFFFFFFF, v3  }
0x3c: {  	v0 =	vsel vm1, $0xFFFFFFFF, v0;
	v8 =	vand.u32 $0xF, v6;
	v4 =	vshrl.u32 v3, $0x2  }
0x3d: {  	v5 =	vand.u32 $0x7F, v0;
	v2 =	vsel vm1, $0xFFFFDE00, v2;
	vm1 =	vmmov vm2  }
0x3e: {  	v0 =	vshll.u32 v0, $0x2;
	v3 =	vshll.u32 v3, $0x7;
	v4 =	vmul.u32 $0x2200, v4  }
0x3f: {  	v2 =	vor.u32 v2, v5;
	v0 =	vand.u32 $0xFFFFFE00, v0;
	v3 =	vand.u32 $0x180, v3  }
0x40: {  	v2 =	vadd.s32 v4, v2;
	v4 =	vshrl.u32 v1, $0x4;
	v1 =	vshrl.u32 v1, $0x6  }
0x41: {  	v0 =	vadd.s32 v0, v2;
	v2 =	vand.u32 $0x3, v4;
	v1 =	vand.u32 $0xFFF, v1  }
0x42: {  	v0 =	vor.u32 v3, v0;
	v2 =	vsel vm1, $0xFFFFFFFF, v2;
	v3 =	vmul.u32 $0x2200, v7  }
0x43: {  	vm2 =	veq.s32 v6, $0x80000000;
	v4 =	vsel vm1, $0xFFFFFFFF, v1;
	v1 =	vshrl.u32 v2, $0x2  }
0x44: {  	s17 =	sadd.s32 $0x10, s15;
	v5 =	vand.u32 $0x7F, v4;
	v3 =	vsel vm1, $0xFFFFDE00, v3;
	v7 =	vmul.u32 $0x2200, v1  }
0x45: {  	v4 =	vshll.u32 v4, $0x2;
	v2 =	vshll.u32 v2, $0x7;
	v1 =	vld.msk [tilespmem:s17+$0x0 ss:$0x1], $0xffff;
	v3 =	vor.u32 v3, v5  }
0x46: {  	vm1 =	vmmov vm2;
	v4 =	vand.u32 $0xFFFFFE00, v4;
	v3 =	vadd.s32 v7, v3  }
0x47: {  	s31 =	sshll.u32 s12, $0xC;
	s15 =	sor.u32 $0x2000, s14;
	(ifvalue) =	ssetifvalue $0x7FFFFFFF;
	v2 =	vand.u32 $0x180, v2;
	v5 =	vshrl.u32 v6, $0x4;
	v3 =	vadd.s32 v4, v3  }
0x48: {  	[tilespmem:s15], [sflag:$0x1] =	stream.indirect_vreg.gather [hbm4b:s3+s10], $0x1, v0, vm0, $0x4038;
	v4 =	vand.u32 $0x3, v5;
	v5 =	vshrl.u32 v6, $0x6;
	v0 =	vor.u32 v2, v3;
	[tilespmem:$0x4000] =	vst v63  }
0x49: {  	s14 =	sand.u32 $0x1000, s31;
	v2 =	vsel vm1, $0xFFFFFFFF, v4;
	v4 =	vand.u32 $0xFFF, v5;
	v3 =	vmul.u32 $0x2200, v8  }
0x4a: {  	s16 =	simm.s32 $0x30;
	s14 =	sor.u32 $0x2000, s14;
	s17 =	sadd.s32 $0x10, s17;
	vm2 =	veq.s32 v1, $0x80000000;
	v4 =	vsel vm1, $0xFFFFFFFF, v4;
	v5 =	vshrl.u32 v2, $0x2  }
.LBB2_3:
0x4b: {  	v7 =	vand.u32 $0x7F, v4  }
0x4c: {  	v6 =	vld.msk [tilespmem:s17+$0x0 ss:$0x1], $0xffff;
	v3 =	vsel vm1, $0xFFFFDE00, v3;
	v5 =	vmul.u32 $0x2200, v5;
	vm1 =	vmmov vm2;
	s16 =	sadd.s32 $0x10, s16  }
0x4d: {  	v8 =	vand.u32 $0xF, v1;
	v4 =	vshll.u32 v4, $0x2;
	s15 =	sadd.s32 $0x10, s15;
	v3 =	vor.u32 v3, v7;
	(ifvalue) =	ssetifvalue $0x7FFFFFFF;
	p1 =	slt.u32 s16, $0xFF0  }
0x4e: {  	[tilespmem:s15], [sflag:$0x1] =	stream.indirect_vreg.gather [hbm4b:s3+s10], $0x1, v0, vm0, $0x4038;
	[tilespmem:$0x4000] =	vst v63  }
.Ltmp3:
0x4f: {  	v2 =	vshll.u32 v2, $0x7;
	v4 =	vand.u32 $0xFFFFFE00, v4;
	v3 =	vadd.s32 v5, v3;
	(pc) =	sbr.rel @p1 .LBB2_3-.Ltmp3, $4  }
0x50: {  	v2 =	vand.u32 $0x180, v2;
	v0 =	vshrl.u32 v1, $0x4;
	v3 =	vadd.s32 v4, v3  }
0x51: {  	v9 =	vshrl.u32 v1, $0x6;
	v4 =	vand.u32 $0x3, v0;
	v0 =	vor.u32 v2, v3  }
0x52: {  	v7 =	vand.u32 $0xFFF, v9;
	v2 =	vsel vm1, $0xFFFFFFFF, v4;
	v3 =	vmul.u32 $0x2200, v8  }
0x53: {  	s17 =	sadd.s32 $0x10, s17;
	v4 =	vsel vm1, $0xFFFFFFFF, v7;
	vm2 =	veq.s32 v6, $0x80000000;
	v5 =	vshrl.u32 v2, $0x2;
	v1 =	vmovc v6  }
.Ltmp4:
0x54: {  	_ = 	snop;
	(pc) =	sbr.rel .LBB2_4-.Ltmp4, $1  }
0x55: {  	_ =	sdelay $0x3  }
.LBB2_6:
0x56: {  	_ =	sfence.sel $0x180000  }
0x57: {  	s2 =	simm.s32 $0x2;
	[bflag:$0x0] =	sbarrier.arrive $0xFFFF  }
0x58: {  	s30 =	simm.s32 $0x3;
	[sflag:s2] =	ssyncpa.u1 $0x1  }
0x59: {  	s31 =	simm.s32 $0x1;
	[sflag:s30] =	ssyncpa.u1 $0x1  }
0x5a: {  	[sflag:s31] =	ssyncpa.u1 $0x1  }
0x5b: {  	p0 =	sne.s32 s1, $0x0;
	_ =	strace $0x9000004D  }
0x5c: {  	s0 =	sadd.s32 @!p0 $0x100000, s0;
	[bflag:$0x2] =	sbarrier.arrive $0xFFFF  }
0x5d: {  	[sflag:s0] =	ssyncadd.tile.s32 @!p0 $0x1;
	_ =	shalt  }
.Lfunc_end2:
_tile_overlayer_lowered:
.L_overlay_start_2:
0x5e: {  	(tag) =	ssettag $0x2  }
0x5f: {  	s0 =	rddreg [dreg:$0x0];
	s2 =	stileid.u32  }
0x60: {  	s1 =	rddreg [dreg:$0x1];
	p0 =	sne.s32 s2, $0x0  }
0x61: {  	s3 =	rddreg [dreg:$0x2];
	[bflag:$0x3] =	sbarrier.arrive $0xFFFF;
	s2 =	simm.s32 @!p0 $0x1C01  }
0x62: {  	[timem:s3], [sflag:s2] =	dma.local @!p0 [hbm:s0], s1  }
0x63: {  	s0 =	simm.s32 @!p0 $0x1  }
0x64: {  	_ =	swait.ge @!p0 [sflag:s0], s1  }
0x65: {  	s1 =	ssub.s32 @!p0 $0x0, s1;
	[sflag:s0] =	ssyncset.done @!p0 $0x0  }
0x66: {  	[sflag:s0] =	ssyncadd.s32 @!p0 s1  }
0x67: {  	[bflag:$0x3] =	sbarrier.arrive $0xFFFF  }
0x68: {  	_ =	shalt  }

// kernel: gather_offload_async_start.3
scs
__scs_entry_jumppad:
0x0: {  	(pc) =	sbr.rel $0x88, $3  }
0x1: {  	(tag) =	ssettag $0x0;
	lr =	simm.s32 $0x1  }
0x2: {  	[smem:$0x3F92] =	sst lr;
	_ =	strace $0xD0000000  }
0x3: {  	_ = 	snop  }
0x4: {  	_ = 	snop  }
0x5: {  	_ = 	snop  }
0x6: {  	_ = 	snop  }
0x7: {  	_ = 	snop  }
__scs_overlays_trampoline_lowered:
0x8: {  	[smem:$0x3FA1] =	sst s0  }
0x9: {  	[smem:$0x3FA2] =	sst s1  }
0xa: {  	[smem:$0x3FA3] =	sst s2  }
0xb: {  	[smem:$0x3FA4] =	sst s3  }
0xc: {  	[smem:$0x3FA5] =	sst s4  }
0xd: {  	[smem:$0x3FA6] =	sst s5  }
0xe: {  	[smem:$0x3FA7] =	sst s6  }
0xf: {  	[smem:$0x3FA8] =	sst s7  }
0x10: {  	[smem:$0x3FA9] =	sst s8  }
0x11: {  	[smem:$0x3FAA] =	sst s9;
	s0 =	simm.s32 @!p0 $0x0  }
0x12: {  	s1 =	sld [smem:$0x3F90];
	s0 =	simm.s32 @p0 $0x1  }
0x13: {  	[smem:$0x3FAB] =	sst s0;
	s0 =	simm.s32 @!p1 $0x0  }
0x14: {  	s2 =	sld [smem:$0x3F8F];
	s0 =	simm.s32 @p1 $0x1  }
0x15: {  	[smem:$0x3FAC] =	sst s0;
	s0 =	simm.s32 @!p2 $0x0  }
0x16: {  	s3 =	sld [smem:$0x3FDB];
	s0 =	simm.s32 @p2 $0x1  }
0x17: {  	s4 =	simm.s32 $0x1BF5;
	[smem:$0x3FAE] =	sst s0  }
0x18: {  	s0 =	sld [smem:$0x3F91];
	_ =	swait.ge [sflag:s4], $0x0  }
0x19: {  	s7 =	sld [smem:$0x3F92]  }
0x1a: {  	s8 =	sadd.s32 $0xFFFFE003, lr  }
0x1b: {  	s9 =	sadd.s32 $0xFFFFFEF7, lr;
	s5 =	simm.s32 $0xFFFFFFFF;
	p2 =	slt.u32 s8, $0xFFFFF086  }
0x1c: {  	p1 =	slt.u32 s9, $0xF7A;
	s5 =	simm.s32 @!p2 $0x0  }
0x1d: {  	s5 =	simm.s32 @p1 $0x1;
	p0 =	seq.s32 s7, s2  }
0x1e: {  	s7 =	smul.u32 @!p0 $0xF7A, s2;
	p2 =	seq.s32 @!p0 s5, $0x0  }
0x1f: {  	s9 =	smul.u32 $0xF7A, s1;
	s8 =	simm.s32 @!p0 $0x1BF5;
	p2 =	por !p2, p0  }
0x20: {  	[sflag:s8] =	ssyncset.s32 @!p0 $0xFFFFF086;
	s6 =	sadd.s32 @!p0 s3, s7;
	s7 =	simm.s32 @!p0 $0x108  }
0x21: {  	s3 =	sadd.s32 s3, s9;
	s6 =	sadd.s32 @!p0 $0x88, s6;
	s7 =	simm.s32 @p2 $0x1082  }
0x22: {  	[simem:s7], [sflag:s8] =	dma.local @!p0 [hbm:s6], $0xF7A  }
0x23: {  	s9 =	sor.u32 $0xD0000000, s2;
	s6 =	simm.s32 $0x108;
	_ =	swait.ge @!p0 [sflag:s8], $0x0  }
0x24: {  	s3 =	sadd.s32 $0x88, s3;
	s6 =	simm.s32 @!p1 $0x1082;
	[sflag:s4] =	ssyncset.s32 $0xFFFFF086  }
0x25: {  	[simem:s6], [sflag:s4] =	dma.local [hbm:s3], $0xF7A  }
0x26: {  	[smem:$0x3F92] =	sst s1;
	(tag) =	ssettag s2;
	_ =	strace s9  }
0x27: {  	s1 =	sld [smem:$0x3FA2]  }
0x28: {  	s2 =	sld [smem:$0x3FA3]  }
0x29: {  	s4 =	sld [smem:$0x3FA5]  }
0x2a: {  	p0 =	seq.s32 s5, $0x0;
	s5 =	sld [smem:$0x3FA6]  }
0x2b: {  	s6 =	sld [smem:$0x3FA7]  }
0x2c: {  	s7 =	sld [smem:$0x3FA8]  }
0x2d: {  	s3 =	simm.s32 $0x108;
	s8 =	sld [smem:$0x3FA9]  }
0x2e: {  	s3 =	simm.s32 @!p0 $0x1082;
	s9 =	sld [smem:$0x3FAA]  }
0x2f: {  	lr =	sadd.s32 s0, s3;
	s0 =	sld [smem:$0x3FA1]  }
0x30: {  	s3 =	sld [smem:$0x3FA4]  }
0x31: {  	[smem:$0x3FAD] =	sst s10  }
0x32: {  	s10 =	sld [smem:$0x3FAB];
	_ =	sdelay $0x3  }
0x33: {  	p0 =	seq.s32 s10, $0x1;
	s10 =	sld [smem:$0x3FAD];
	_ =	sdelay $0x3  }
0x34: {  	[smem:$0x3FAD] =	sst s10  }
0x35: {  	s10 =	sld [smem:$0x3FAC];
	_ =	sdelay $0x3  }
0x36: {  	p1 =	seq.s32 s10, $0x1;
	s10 =	sld [smem:$0x3FAD];
	_ =	sdelay $0x3  }
0x37: {  	[smem:$0x3FAD] =	sst s10  }
0x38: {  	s10 =	sld [smem:$0x3FAE]  }
0x39: {  	_ = 	snop;
	(pc) =	sbr.ind lr, $3  }
0x3a: {  	_ = 	snop  }
0x3b: {  	_ = 	snop  }
0x3c: {  	p2 =	seq.s32 s10, $0x1;
	s10 =	sld [smem:$0x3FAD]  }
0x3d: {  	_ =	shalt  }
0x3e: {  	_ =	shalt  }
0x3f: {  	_ =	shalt  }
0x40: {  	_ =	shalt  }
0x41: {  	_ =	shalt  }
0x42: {  	_ =	shalt  }
0x43: {  	_ =	shalt  }
0x44: {  	_ =	shalt  }
0x45: {  	_ =	shalt  }
0x46: {  	_ =	shalt  }
0x47: {  	_ =	shalt  }
0x48: {  	_ =	shalt  }
0x49: {  	_ =	shalt  }
0x4a: {  	_ =	shalt  }
0x4b: {  	_ =	shalt  }
0x4c: {  	_ =	shalt  }
0x4d: {  	_ =	shalt  }
0x4e: {  	_ =	shalt  }
0x4f: {  	_ =	shalt  }
0x50: {  	_ =	shalt  }
0x51: {  	_ =	shalt  }
0x52: {  	_ =	shalt  }
0x53: {  	_ =	shalt  }
0x54: {  	_ =	shalt  }
0x55: {  	_ =	shalt  }
0x56: {  	_ =	shalt  }
0x57: {  	_ =	shalt  }
0x58: {  	_ =	shalt  }
0x59: {  	_ =	shalt  }
0x5a: {  	_ =	shalt  }
0x5b: {  	_ =	shalt  }
0x5c: {  	_ =	shalt  }
0x5d: {  	_ =	shalt  }
0x5e: {  	_ =	shalt  }
0x5f: {  	_ =	shalt  }
0x60: {  	_ =	shalt  }
0x61: {  	_ =	shalt  }
0x62: {  	_ =	shalt  }
0x63: {  	_ =	shalt  }
0x64: {  	_ =	shalt  }
0x65: {  	_ =	shalt  }
0x66: {  	_ =	shalt  }
0x67: {  	_ =	shalt  }
0x68: {  	_ =	shalt  }
0x69: {  	_ =	shalt  }
0x6a: {  	_ =	shalt  }
0x6b: {  	_ =	shalt  }
0x6c: {  	_ =	shalt  }
0x6d: {  	_ =	shalt  }
0x6e: {  	_ =	shalt  }
0x6f: {  	_ =	shalt  }
0x70: {  	_ =	shalt  }
0x71: {  	_ =	shalt  }
0x72: {  	_ =	shalt  }
0x73: {  	_ =	shalt  }
0x74: {  	_ =	shalt  }
0x75: {  	_ =	shalt  }
0x76: {  	_ =	shalt  }
0x77: {  	_ =	shalt  }
0x78: {  	_ =	shalt  }
0x79: {  	_ =	shalt  }
0x7a: {  	_ =	shalt  }
0x7b: {  	_ =	shalt  }
0x7c: {  	_ =	shalt  }
0x7d: {  	_ =	shalt  }
0x7e: {  	_ =	shalt  }
0x7f: {  	_ =	shalt  }
0x80: {  	_ =	shalt  }
0x81: {  	_ =	shalt  }
0x82: {  	_ =	shalt  }
0x83: {  	_ =	shalt  }
0x84: {  	_ =	shalt  }
0x85: {  	_ =	shalt  }
0x86: {  	_ =	shalt  }
0x87: {  	_ =	shalt  }
.Lfunc_end0:
.L_simem_size_0:
called_computation.7_lowered:
.L_overlay_start_0:
0x88: {  	s2 =	sld [smem:$0x3FD9]  }
0x89: {  	s3 =	sld [smem:$0x3FFE];
	_ =	sdelay $0x1  }
0x8a: {  	s1 =	srdreg.scid  }
0x8b: {  	s0 =	sand.u32 $0x1, s1  }
0x8c: {  	s17 =	sshll.u32 s0, $0xA;
	s2 =	sadd.s32 s3, s2  }
0x8d: {  	s2 =	sadd.s32 s2, s17  }
0x8e: {  	[smem:$0x3FB9] =	sst s2  }
0x8f: {  	_ = 	snop  }
0x90: {  	s18 =	sld [smem:$0x3FD0];
	(tm) =	ssettm $0x1  }
0x91: {  	s19 =	sld [smem:$0x3FFB];
	_ =	sdelay $0x3  }
0x92: {  	_ =	strace s19  }
0x93: {  	s2 =	sld [smem:$0x3FFC];
	_ =	sdelay $0x3  }
0x94: {  	_ =	strace s2  }
0x95: {  	s2 =	sld [smem:$0x3FFD];
	_ =	sdelay $0x3  }
0x96: {  	_ =	strace s2  }
0x97: {  	_ =	strace $0x8FFFFFFF  }
0x98: {  	s20 =	sld [smem:$0x3FDB];
	_ =	sdelay $0x1  }
0x99: {  	s4 =	simm.s32 $_scs_section_size  }
0x9a: {  	s5 =	simm.s32 $_size__tile_overlayer_lowered;
	s6 =	simm.s32 $_tile_overlayer_lowered  }
0x9b: {  	s7 =	simm.s32 $0x1BFF;
	s21 =	sshll.u32 s6, $0x1;
	s4 =	sadd.s32 s4, s20  }
0x9c: {  	s22 =	simm.s32 $0x0;
	s5 =	sshll.u32 s5, $0x1;
	s6 =	sadd.s32 s21, s4  }
0x9d: {  	[timem:s22], [sflag:s7] =	dma.local [hbm:s6], s5  }
0x9e: {  	_ =	swait.ge [sflag:s7], s5  }
0x9f: {  	s5 =	ssub.s32 $0x0, s5;
	[sflag:s7] =	ssyncset.done $0x0  }
0xa0: {  	[sflag:s7] =	ssyncadd.s32 s5;
	_ =	sdelay $0x1  }
0xa1: {  	s23 =	simm.s32 $0x1B8B  }
0xa2: {  	_ =	swait.ge [sflag:s23], $0x1  }
0xa3: {  	[sflag:s23] =	ssyncset.done $0x0  }
0xa4: {  	[sflag:s23] =	ssyncadd.s32 $0xFFFFFFFF  }
0xa5: {  	s5 =	sld [smem:$0x0]  }
0xa6: {  	s6 =	sand.u32 $0xFFFFFFFE, s1  }
0xa7: {  	p0 =	sne.s32 s1, s6  }
0xa8: {  	s6 =	sshll.u32 @p0 s6, $0xE  }
0xa9: {  	s6 =	sadd.s32 @p0 $0x11B8D, s6;
	s7 =	sshll.u32 @p0 s5, $0x11  }
0xaa: {  	s6 =	sor.u32 @p0 s7, s6  }
0xab: {  	[sflag:s6] =	ssyncadd.remote.s32 @p0 $0x1;
	_ =	sdelay $0x1  }
0xac: {  	s6 =	simm.s32 @p0 $0x1B8D  }
0xad: {  	_ =	swait.eq @p0 [sflag:s6], $0x1  }
0xae: {  	[sflag:s6] =	ssyncadd.s32 @p0 $0xFFFFFFFF  }
0xaf: {  	s7 =	sshll.u32 @!p0 s1, $0xE  }
0xb0: {  	s7 =	sor.u32 @!p0 $0x4000, s7;
	s6 =	simm.s32 @!p0 $0x1B8D  }
0xb1: {  	s5 =	sshll.u32 @!p0 s5, $0x11;
	s7 =	sadd.s32 @!p0 $0x11B8D, s7;
	_ =	swait.eq @!p0 [sflag:s6], $0x1  }
0xb2: {  	s5 =	sor.u32 @!p0 s5, s7;
	[sflag:s6] =	ssyncadd.s32 @!p0 $0xFFFFFFFF  }
0xb3: {  	s25 =	simm.s32 $0x1B8E;
	s24 =	sld [smem:$0x3FFE];
	[sflag:s5] =	ssyncadd.remote.s32 @!p0 $0x1  }
0xb4: {  	s26 =	simm.s32 $execute0_lowered;
	[smem:$0x3FD2] =	sst s25  }
0xb5: {  	s6 =	sshll.u32 s26, $0x1;
	_ =	strace $0x80000058;
	[dreg:$0x1] =	wrdreg $0xFFFFFFFF  }
0xb6: {  	s28 =	simm.s32 $_size_execute0_lowered;
	s4 =	sadd.s32 s4, s6;
	[dreg:$0x0] =	wrdreg $0x0  }
0xb7: {  	s6 =	sshll.u32 s28, $0x1;
	[dreg:$0x2] =	wrdreg s4  }
0xb8: {  	[dreg:$0x3] =	wrdreg s6  }
0xb9: {  	[dreg:$0x4] =	wrdreg $0xC0  }
0xba: {  	_ =	task [dreg:s22], $0x5FFFF  }
0xbb: {  	[dreg:$0x1] =	wrdreg $0xFFFFFFFF  }
0xbc: {  	[dreg:$0x0] =	wrdreg $0x60  }
0xbd: {  	[dreg:$0x2] =	wrdreg s24  }
0xbe: {  	[dreg:$0x3] =	wrdreg s18  }
0xbf: {  	[dreg:$0x4] =	wrdreg $0x9  }
0xc0: {  	_ =	task.clear_ibuf [dreg:s22], $0x5FFFF;
	_ =	strace $0x90000058  }
0xc1: {  	s29 =	simm.s32 $0x9;
	_ =	strace $0x8000005A  }
0xc2: {  	_ =	swait.ge [sflag:s29], $0x1  }
0xc3: {  	[sflag:s29] =	ssyncadd.s32 $0xFFFFFFFF  }
0xc4: {  	_ =	strace $0x9000005A  }
0xc5: {  	_ =	sfence  }
0xc6: {  	s30 =	sld [smem:$0x0];
	_ =	sdelay $0x2  }
0xc7: {  	s31 =	sshll.u32 s1, $0xD;
	s1 =	sshrl.u32 s1, $0x2  }
0xc8: {  	s4 =	sand.u32 $0x4000, s31;
	s1 =	sadd.s32 s1, s30  }
0xc9: {  	s0 =	sor.u32 s4, s0;
	s1 =	sshll.u32 s1, $0x11  }
0xca: {  	s0 =	sor.u32 s1, s0  }
0xcb: {  	s0 =	sadd.s32 $0x8F2B, s0  }
0xcc: {  	[sflag:s0] =	ssyncadd.remote.s32 $0x1  }
0xcd: {  	_ =	sfence.sel $0xFFFF  }
0xce: {  	[dreg:$0x0] =	wrdreg $0xFFFFFFFF;
	(pc) =	sbr.abs _section_cstart, $3  }
0xcf: {  	[dreg:$0x1] =	wrdreg $0xFFFFFFFF  }
0xd0: {  	_ =	task.clear_ibuf [dreg:s22], $0x2FFFF;
	_ =	strace $0x9FFFFFFF  }
0xd1: {  	(tm) =	ssettm $0x7FFFFFFF  }
tec
execute0_lowered:
.L_overlay_start_1:
0x0: {  	(tag) =	ssettag $0x1  }
0x1: {  	s7 =	rddreg [dreg:$0x0]  }
0x2: {  	s0 =	srdreg.scid;
	s2 =	rddreg [dreg:$0x1]  }
0x3: {  	s1 =	stileid.u32;
	s5 =	simm.s32 $0x2;
	s9 =	simm.s32 $0x3  }
0x4: {  	s3 =	sshll.u32 s0, $0x4;
	s0 =	rddreg [dreg:$0x2];
	_ =	strace $0x80000059  }
.Ltmp0:
0x5: {  	s4 =	sand.u32 $0x10, s3;
	s3 =	simm.s32 $0x1;
	(pc) =	sbr.rel .LBB2_1-.Ltmp0, $4  }
0x6: {  	s11 =	simm.s32 $0x0;
	s4 =	sor.u32 s1, s4;
	[sflag:s3] =	ssyncpa.u1 $0x0  }
0x7: {  	p0 =	por $0x0, $0x0;
	s4 =	smul.u32 $0x1100, s4;
	[sflag:s5] =	ssyncpa.u1 $0x0  }
0x8: {  	s6 =	sadd.s32 $0x46EE00, s7;
	s7 =	sadd.s32 $0x75E00, s7;
	[sflag:s9] =	ssyncpa.u1 $0x0  }
0x9: {  	vm0 =	vmmov $0xff;
	vm1 =	vcmask $0x3F20;
	s9 =	simm.s32 $0x0;
	s8 =	sadd.s32 $0x1100, s4;
	s10 =	smov.u32 s4  }
.LBB2_6:
0xa: {  	[hbm:s15] =	stream.linear.scatter [tilespmem:s12], [sflag:$0x3], $0x400, $0x38;
	[tilespmem:$0x10200] =	vst v63  }
.LBB2_7:
0xb: {  	p1 =	slt.u32 s9, $0x2;
	s11 =	sadd.s32 $0x100, s10  }
0xc: {  	s13 =	smov.u32 s4;
	s9 =	sadd.s32 $0x1, s9;
	p2 =	slt.s32 s11, s8  }
0xd: {  	s13 =	smov.u32 @p2 s11;
	p2 =	sne.s32 s9, $0x13  }
.Ltmp1:
0xe: {  	_ = 	snop;
	(pc) =	sbr.rel @!p2 .LBB2_8-.Ltmp1, $4  }
0xf: {  	s12 =	simm.s32 @!p1 $0x3  }
0x10: {  	_ =	swait.ge @!p1 [sflag:s12], $0x8000  }
0x11: {  	p0 =	por !p0, !p0;
	[sflag:s12] =	ssyncset.done @!p1 $0x0  }
0x12: {  	s11 =	smov.u32 s10;
	s10 =	smov.u32 s13;
	[sflag:s12] =	ssyncadd.s32 @!p1 $0xFFFF8000  }
.LBB2_1:
0x13: {  	p1 =	sgt.u32 s9, $0x10  }
0x14: {  	s12 =	sxor.u32 @!p1 $0xFFFFFFFF, s9  }
0x15: {  	s31 =	sadd.s32 $0xFFFFFFFF, s9;
	s13 =	sshrl.u32 @!p1 s10, $0x3;
	s12 =	sshll.u32 @!p1 s12, $0x8  }
0x16: {  	s14 =	sand.u32 @!p1 $0x7, s10;
	s13 =	sadd.s32 @!p1 s7, s13;
	s12 =	sand.u32 @!p1 $0x100, s12  }
0x17: {  	[tilespmem:s12], [sflag:$0x2] =	stream.linear.gather @!p1 [hbm4b:s13+s14], $0x100, $0x38;
	[tilespmem:$0x10200] =	vst v63  }
0x18: {  	p1 =	sgt.u32 s31, $0x10  }
.Ltmp2:
0x19: {  	_ = 	snop;
	(pc) =	sbr.rel @p1 .LBB2_7-.Ltmp2, $1  }
0x1a: {  	_ =	sdelay $0x3  }
0x1b: {  	s12 =	simm.s32 $0x1  }
0x1c: {  	_ =	swait.ge [sflag:s5], $0x100;
	s12 =	simm.s32 @!p0 $0x0  }
0x1d: {  	[sflag:s5] =	ssyncset.done $0x0;
	s14 =	sshll.u32 s12, $0x8  }
0x1e: {  	[sflag:s5] =	ssyncadd.s32 $0xFFFFFF00;
	s13 =	sadd.s32 $0x0, s14  }
0x1f: {  	v0 =	vld.msk [tilespmem:s13+$0x0 ss:$0x1], $0xffff;
	_ =	sdelay $0x4  }
0x20: {  	v1 =	vshrl.u32 v0, $0x4  }
0x21: {  	v2 =	vand.u32 $0xF, v0;
	v1 =	vand.u32 $0x3, v1  }
0x22: {  	v3 =	vshll.u32 v0, $0x1;
	v2 =	vmul.u32 $0x110000, v2;
	v1 =	vmul.u32 $0x44000, v1  }
0x23: {  	vm2 =	veq.s32 v0, $0x80000000;
	v0 =	vand.u32 $0x7FF80, v3  }
0x24: {  	v0 =	vsel vm2, $0xFFFFFF80, v0;
	v1 =	vadd.s32 v2, v1  }
0x25: {  	v2 =	vand.u32 $0xFFFFFC00, v0;
	v1 =	vsel vm2, $0xFFEAC000, v1  }
0x26: {  	v0 =	vand.u32 $0x380, v0;
	v1 =	vadd.s32 v2, v1  }
0x27: {  	v0 =	vor.u32 v0, v1  }
0x28: {  	v0 =	vshrl.u32 v0, $0x3;
	_ =	sdelay $0x2  }
0x29: {  	s12 =	sshll.u32 s12, $0xF  }
0x2a: {  	s12 =	sor.u32 $0x200, s12  }
0x2b: {  	[tilespmem:s12], [sflag:$0x1] =	stream.indirect_vreg.gather [hbm:s6], $0x80, v0, vm0, $0x38;
	[tilespmem:$0x10200] =	vst v63  }
0x2c: {  	s15 =	sadd.s32 $0x10, s14;
	s13 =	sadd.s32 $0x400, s12  }
0x2d: {  	[tilespmem:s13], [sflag:$0x1] =	stream.indirect_vreg.gather [hbm:s6], $0x80, v0, vm1, $0x38;
	[tilespmem:$0x10200] =	vst v63  }
0x2e: {  	s16 =	simm.s32 $0x80;
	v0 =	vld.msk [tilespmem:s15+$0x0 ss:$0x1], $0xffff;
	s15 =	smov.u32 s12  }
.LBB2_3:
0x2f: {  	p1 =	sne.s32 s16, $0x3C0;
	_ =	sdelay $0x4  }
0x30: {  	v1 =	vshrl.u32 v0, $0x4  }
0x31: {  	v2 =	vand.u32 $0xF, v0;
	v1 =	vand.u32 $0x3, v1  }
0x32: {  	v3 =	vshll.u32 v0, $0x1;
	v2 =	vmul.u32 $0x110000, v2;
	v1 =	vmul.u32 $0x44000, v1  }
0x33: {  	vm2 =	veq.s32 v0, $0x80000000;
	v0 =	vand.u32 $0x7FF80, v3  }
0x34: {  	v0 =	vsel vm2, $0xFFFFFF80, v0;
	v1 =	vadd.s32 v2, v1  }
0x35: {  	v2 =	vand.u32 $0xFFFFFC00, v0;
	v1 =	vsel vm2, $0xFFEAC000, v1  }
0x36: {  	v0 =	vand.u32 $0x380, v0;
	v1 =	vadd.s32 v2, v1  }
0x37: {  	v0 =	vor.u32 v0, v1  }
0x38: {  	v0 =	vshrl.u32 v0, $0x3;
	_ =	sdelay $0x3  }
.Ltmp3:
0x39: {  	s17 =	sshra.s32 s16, $0x2;
	s15 =	sadd.s32 $0x800, s15;
	(pc) =	sbr.rel @p1 .LBB2_3-.Ltmp3, $4  }
0x3a: {  	[tilespmem:s15], [sflag:$0x1] =	stream.indirect_vreg.gather [hbm:s6], $0x80, v0, vm0, $0x38;
	[tilespmem:$0x10200] =	vst v63  }
0x3b: {  	s17 =	sadd.s32 s17, s14;
	s18 =	sadd.s32 $0x400, s15  }
0x3c: {  	[tilespmem:s18], [sflag:$0x1] =	stream.indirect_vreg.gather [hbm:s6], $0x80, v0, vm1, $0x38;
	[tilespmem:$0x10200] =	vst v63  }
0x3d: {  	s16 =	sadd.s32 $0x40, s16;
	v0 =	vld.msk [tilespmem:s17+$0x0 ss:$0x1], $0xffff  }
0x3e: {  	_ =	sdelay $0x3  }
0x3f: {  	v1 =	vshrl.u32 v0, $0x4  }
0x40: {  	v2 =	vand.u32 $0xF, v0;
	v1 =	vand.u32 $0x3, v1  }
0x41: {  	v3 =	vshll.u32 v0, $0x1;
	v2 =	vmul.u32 $0x110000, v2;
	v1 =	vmul.u32 $0x44000, v1  }
0x42: {  	vm2 =	veq.s32 v0, $0x80000000;
	v62 =	vand.u32 $0x7FF80, v3  }
0x43: {  	v0 =	vsel vm2, $0xFFFFFF80, v62;
	v1 =	vadd.s32 v2, v1  }
0x44: {  	v63 =	vand.u32 $0xFFFFFC00, v0;
	v1 =	vsel vm2, $0xFFEAC000, v1  }
0x45: {  	v0 =	vand.u32 $0x380, v0;
	v1 =	vadd.s32 v63, v1  }
0x46: {  	v0 =	vor.u32 v0, v1  }
0x47: {  	v0 =	vshrl.u32 v0, $0x3;
	_ =	sdelay $0x3  }
0x48: {  	s14 =	sadd.s32 $0x800, s15  }
0x49: {  	[tilespmem:s14], [sflag:$0x1] =	stream.indirect_vreg.gather [hbm:s6], $0x80, v0, vm0, $0x38;
	[tilespmem:$0x10200] =	vst v63  }
0x4a: {  	s14 =	sadd.s32 $0x400, s14  }
0x4b: {  	[tilespmem:s14], [sflag:$0x1] =	stream.indirect_vreg.gather [hbm:s6], $0x80, v0, vm1, $0x38;
	[tilespmem:$0x10200] =	vst v63  }
0x4c: {  	s11 =	sshll.u32 s11, $0x4;
	_ =	swait.ge [sflag:s3], $0x8000  }
0x4d: {  	s11 =	sadd.s32 s11, s2;
	[sflag:s3] =	ssyncset.done $0x0  }
0x4e: {  	s15 =	sadd.s32 $0x0, s11;
	s14 =	simm.s32 $0x80;
	[sflag:s3] =	ssyncadd.s32 $0xFFFF8000  }
.LBB2_5:
0x4f: {  	[hbm:s15] =	stream.linear.scatter [tilespmem:s12], [sflag:$0x3], $0x400, $0x38;
	[tilespmem:$0x10200] =	vst v63  }
0x50: {  	s15 =	smov.u32 s14;
	s12 =	smov.u32 s13;
	p1 =	sne.s32 s14, $0xF80  }
.Ltmp4:
0x51: {  	s14 =	sadd.s32 $0x80, s14;
	(pc) =	sbr.rel @p1 .LBB2_5-.Ltmp4, $2  }
0x52: {  	_ =	sdelay $0x2  }
0x53: {  	s13 =	sadd.s32 $0x400, s13;
	s15 =	sadd.s32 s15, s11  }
.Ltmp5:
0x54: {  	_ = 	snop;
	(pc) =	sbr.rel .LBB2_6-.Ltmp5, $1  }
0x55: {  	_ =	sdelay $0x3  }
.LBB2_8:
0x56: {  	_ =	sfence.sel $0x180000  }
0x57: {  	s2 =	simm.s32 $0x2;
	[bflag:$0x0] =	sbarrier.arrive $0xFFFF  }
0x58: {  	s30 =	simm.s32 $0x3;
	[sflag:s2] =	ssyncpa.u1 $0x1  }
0x59: {  	s31 =	simm.s32 $0x1;
	[sflag:s30] =	ssyncpa.u1 $0x1  }
0x5a: {  	[sflag:s31] =	ssyncpa.u1 $0x1  }
0x5b: {  	p0 =	sne.s32 s1, $0x0;
	_ =	strace $0x90000059  }
0x5c: {  	s0 =	sadd.s32 @!p0 $0x100000, s0;
	[bflag:$0x2] =	sbarrier.arrive $0xFFFF  }
0x5d: {  	[sflag:s0] =	ssyncadd.tile.s32 @!p0 $0x1;
	_ =	shalt  }
.Lfunc_end2:
_tile_overlayer_lowered:
.L_overlay_start_2:
0x5e: {  	(tag) =	ssettag $0x2  }
0x5f: {  	s0 =	rddreg [dreg:$0x0];
	s2 =	stileid.u32  }
0x60: {  	s1 =	rddreg [dreg:$0x1];
	p0 =	sne.s32 s2, $0x0  }
0x61: {  	s3 =	rddreg [dreg:$0x2];
	[bflag:$0x3] =	sbarrier.arrive $0xFFFF;
	s2 =	simm.s32 @!p0 $0x1C01  }
0x62: {  	[timem:s3], [sflag:s2] =	dma.local @!p0 [hbm:s0], s1  }
0x63: {  	s0 =	simm.s32 @!p0 $0x1  }
0x64: {  	_ =	swait.ge @!p0 [sflag:s0], s1  }
0x65: {  	s1 =	ssub.s32 @!p0 $0x0, s1;
	[sflag:s0] =	ssyncset.done @!p0 $0x0  }
0x66: {  	[sflag:s0] =	ssyncadd.s32 @!p0 s1  }
0x67: {  	[bflag:$0x3] =	sbarrier.arrive $0xFFFF  }
0x68: {  	_ =	shalt  }

// kernel: gather_offload_async_start.4
scs
__scs_entry_jumppad:
0x0: {  	(pc) =	sbr.rel $0x88, $3  }
0x1: {  	(tag) =	ssettag $0x0;
	lr =	simm.s32 $0x1  }
0x2: {  	[smem:$0x3F92] =	sst lr;
	_ =	strace $0xD0000000  }
0x3: {  	_ = 	snop  }
0x4: {  	_ = 	snop  }
0x5: {  	_ = 	snop  }
0x6: {  	_ = 	snop  }
0x7: {  	_ = 	snop  }
__scs_overlays_trampoline_lowered:
0x8: {  	[smem:$0x3FA1] =	sst s0  }
0x9: {  	[smem:$0x3FA2] =	sst s1  }
0xa: {  	[smem:$0x3FA3] =	sst s2  }
0xb: {  	[smem:$0x3FA4] =	sst s3  }
0xc: {  	[smem:$0x3FA5] =	sst s4  }
0xd: {  	[smem:$0x3FA6] =	sst s5  }
0xe: {  	[smem:$0x3FA7] =	sst s6  }
0xf: {  	[smem:$0x3FA8] =	sst s7  }
0x10: {  	[smem:$0x3FA9] =	sst s8  }
0x11: {  	[smem:$0x3FAA] =	sst s9;
	s0 =	simm.s32 @!p0 $0x0  }
0x12: {  	s1 =	sld [smem:$0x3F90];
	s0 =	simm.s32 @p0 $0x1  }
0x13: {  	[smem:$0x3FAB] =	sst s0;
	s0 =	simm.s32 @!p1 $0x0  }
0x14: {  	s2 =	sld [smem:$0x3F8F];
	s0 =	simm.s32 @p1 $0x1  }
0x15: {  	[smem:$0x3FAC] =	sst s0;
	s0 =	simm.s32 @!p2 $0x0  }
0x16: {  	s3 =	sld [smem:$0x3FDB];
	s0 =	simm.s32 @p2 $0x1  }
0x17: {  	s4 =	simm.s32 $0x1BF5;
	[smem:$0x3FAE] =	sst s0  }
0x18: {  	s0 =	sld [smem:$0x3F91];
	_ =	swait.ge [sflag:s4], $0x0  }
0x19: {  	s7 =	sld [smem:$0x3F92]  }
0x1a: {  	s8 =	sadd.s32 $0xFFFFE003, lr  }
0x1b: {  	s9 =	sadd.s32 $0xFFFFFEF7, lr;
	s5 =	simm.s32 $0xFFFFFFFF;
	p2 =	slt.u32 s8, $0xFFFFF086  }
0x1c: {  	p1 =	slt.u32 s9, $0xF7A;
	s5 =	simm.s32 @!p2 $0x0  }
0x1d: {  	s5 =	simm.s32 @p1 $0x1;
	p0 =	seq.s32 s7, s2  }
0x1e: {  	s7 =	smul.u32 @!p0 $0xF7A, s2;
	p2 =	seq.s32 @!p0 s5, $0x0  }
0x1f: {  	s9 =	smul.u32 $0xF7A, s1;
	s8 =	simm.s32 @!p0 $0x1BF5;
	p2 =	por !p2, p0  }
0x20: {  	[sflag:s8] =	ssyncset.s32 @!p0 $0xFFFFF086;
	s6 =	sadd.s32 @!p0 s3, s7;
	s7 =	simm.s32 @!p0 $0x108  }
0x21: {  	s3 =	sadd.s32 s3, s9;
	s6 =	sadd.s32 @!p0 $0x88, s6;
	s7 =	simm.s32 @p2 $0x1082  }
0x22: {  	[simem:s7], [sflag:s8] =	dma.local @!p0 [hbm:s6], $0xF7A  }
0x23: {  	s9 =	sor.u32 $0xD0000000, s2;
	s6 =	simm.s32 $0x108;
	_ =	swait.ge @!p0 [sflag:s8], $0x0  }
0x24: {  	s3 =	sadd.s32 $0x88, s3;
	s6 =	simm.s32 @!p1 $0x1082;
	[sflag:s4] =	ssyncset.s32 $0xFFFFF086  }
0x25: {  	[simem:s6], [sflag:s4] =	dma.local [hbm:s3], $0xF7A  }
0x26: {  	[smem:$0x3F92] =	sst s1;
	(tag) =	ssettag s2;
	_ =	strace s9  }
0x27: {  	s1 =	sld [smem:$0x3FA2]  }
0x28: {  	s2 =	sld [smem:$0x3FA3]  }
0x29: {  	s4 =	sld [smem:$0x3FA5]  }
0x2a: {  	p0 =	seq.s32 s5, $0x0;
	s5 =	sld [smem:$0x3FA6]  }
0x2b: {  	s6 =	sld [smem:$0x3FA7]  }
0x2c: {  	s7 =	sld [smem:$0x3FA8]  }
0x2d: {  	s3 =	simm.s32 $0x108;
	s8 =	sld [smem:$0x3FA9]  }
0x2e: {  	s3 =	simm.s32 @!p0 $0x1082;
	s9 =	sld [smem:$0x3FAA]  }
0x2f: {  	lr =	sadd.s32 s0, s3;
	s0 =	sld [smem:$0x3FA1]  }
0x30: {  	s3 =	sld [smem:$0x3FA4]  }
0x31: {  	[smem:$0x3FAD] =	sst s10  }
0x32: {  	s10 =	sld [smem:$0x3FAB];
	_ =	sdelay $0x3  }
0x33: {  	p0 =	seq.s32 s10, $0x1;
	s10 =	sld [smem:$0x3FAD];
	_ =	sdelay $0x3  }
0x34: {  	[smem:$0x3FAD] =	sst s10  }
0x35: {  	s10 =	sld [smem:$0x3FAC];
	_ =	sdelay $0x3  }
0x36: {  	p1 =	seq.s32 s10, $0x1;
	s10 =	sld [smem:$0x3FAD];
	_ =	sdelay $0x3  }
0x37: {  	[smem:$0x3FAD] =	sst s10  }
0x38: {  	s10 =	sld [smem:$0x3FAE]  }
0x39: {  	_ = 	snop;
	(pc) =	sbr.ind lr, $3  }
0x3a: {  	_ = 	snop  }
0x3b: {  	_ = 	snop  }
0x3c: {  	p2 =	seq.s32 s10, $0x1;
	s10 =	sld [smem:$0x3FAD]  }
0x3d: {  	_ =	shalt  }
0x3e: {  	_ =	shalt  }
0x3f: {  	_ =	shalt  }
0x40: {  	_ =	shalt  }
0x41: {  	_ =	shalt  }
0x42: {  	_ =	shalt  }
0x43: {  	_ =	shalt  }
0x44: {  	_ =	shalt  }
0x45: {  	_ =	shalt  }
0x46: {  	_ =	shalt  }
0x47: {  	_ =	shalt  }
0x48: {  	_ =	shalt  }
0x49: {  	_ =	shalt  }
0x4a: {  	_ =	shalt  }
0x4b: {  	_ =	shalt  }
0x4c: {  	_ =	shalt  }
0x4d: {  	_ =	shalt  }
0x4e: {  	_ =	shalt  }
0x4f: {  	_ =	shalt  }
0x50: {  	_ =	shalt  }
0x51: {  	_ =	shalt  }
0x52: {  	_ =	shalt  }
0x53: {  	_ =	shalt  }
0x54: {  	_ =	shalt  }
0x55: {  	_ =	shalt  }
0x56: {  	_ =	shalt  }
0x57: {  	_ =	shalt  }
0x58: {  	_ =	shalt  }
0x59: {  	_ =	shalt  }
0x5a: {  	_ =	shalt  }
0x5b: {  	_ =	shalt  }
0x5c: {  	_ =	shalt  }
0x5d: {  	_ =	shalt  }
0x5e: {  	_ =	shalt  }
0x5f: {  	_ =	shalt  }
0x60: {  	_ =	shalt  }
0x61: {  	_ =	shalt  }
0x62: {  	_ =	shalt  }
0x63: {  	_ =	shalt  }
0x64: {  	_ =	shalt  }
0x65: {  	_ =	shalt  }
0x66: {  	_ =	shalt  }
0x67: {  	_ =	shalt  }
0x68: {  	_ =	shalt  }
0x69: {  	_ =	shalt  }
0x6a: {  	_ =	shalt  }
0x6b: {  	_ =	shalt  }
0x6c: {  	_ =	shalt  }
0x6d: {  	_ =	shalt  }
0x6e: {  	_ =	shalt  }
0x6f: {  	_ =	shalt  }
0x70: {  	_ =	shalt  }
0x71: {  	_ =	shalt  }
0x72: {  	_ =	shalt  }
0x73: {  	_ =	shalt  }
0x74: {  	_ =	shalt  }
0x75: {  	_ =	shalt  }
0x76: {  	_ =	shalt  }
0x77: {  	_ =	shalt  }
0x78: {  	_ =	shalt  }
0x79: {  	_ =	shalt  }
0x7a: {  	_ =	shalt  }
0x7b: {  	_ =	shalt  }
0x7c: {  	_ =	shalt  }
0x7d: {  	_ =	shalt  }
0x7e: {  	_ =	shalt  }
0x7f: {  	_ =	shalt  }
0x80: {  	_ =	shalt  }
0x81: {  	_ =	shalt  }
0x82: {  	_ =	shalt  }
0x83: {  	_ =	shalt  }
0x84: {  	_ =	shalt  }
0x85: {  	_ =	shalt  }
0x86: {  	_ =	shalt  }
0x87: {  	_ =	shalt  }
.Lfunc_end0:
.L_simem_size_0:
called_computation.8_lowered:
.L_overlay_start_0:
0x88: {  	s2 =	sld [smem:$0x3FD9]  }
0x89: {  	s3 =	sld [smem:$0x3FFE];
	_ =	sdelay $0x1  }
0x8a: {  	s1 =	srdreg.scid  }
0x8b: {  	s0 =	sand.u32 $0x1, s1  }
0x8c: {  	s16 =	sshll.u32 s0, $0xA;
	s2 =	sadd.s32 s3, s2  }
0x8d: {  	s2 =	sadd.s32 s2, s16  }
0x8e: {  	[smem:$0x3FB9] =	sst s2  }
0x8f: {  	_ = 	snop  }
0x90: {  	(tm) =	ssettm $0x1  }
0x91: {  	s17 =	sld [smem:$0x3FFB];
	_ =	sdelay $0x3  }
0x92: {  	_ =	strace s17  }
0x93: {  	s2 =	sld [smem:$0x3FFC];
	_ =	sdelay $0x3  }
0x94: {  	_ =	strace s2  }
0x95: {  	s2 =	sld [smem:$0x3FFD];
	_ =	sdelay $0x3  }
0x96: {  	_ =	strace s2  }
0x97: {  	_ =	strace $0x8FFFFFFF  }
0x98: {  	s18 =	sld [smem:$0x3FDB];
	_ =	sdelay $0x1  }
0x99: {  	s19 =	simm.s32 $_scs_section_size  }
0x9a: {  	s4 =	simm.s32 $_size__tile_overlayer_lowered;
	s5 =	simm.s32 $_tile_overlayer_lowered  }
0x9b: {  	s22 =	simm.s32 $0x1BFF;
	s21 =	sshll.u32 s5, $0x1;
	s2 =	sadd.s32 s19, s18  }
0x9c: {  	s6 =	simm.s32 $0x0;
	s20 =	sshll.u32 s4, $0x1;
	s4 =	sadd.s32 s21, s2  }
0x9d: {  	[timem:s6], [sflag:s22] =	dma.local [hbm:s4], s20  }
0x9e: {  	_ =	swait.ge [sflag:s22], s20  }
0x9f: {  	s3 =	ssub.s32 $0x0, s20;
	[sflag:s22] =	ssyncset.done $0x0  }
0xa0: {  	[sflag:s22] =	ssyncadd.s32 s3;
	_ =	sdelay $0x1  }
0xa1: {  	s23 =	simm.s32 $0x1B8B  }
0xa2: {  	_ =	swait.ge [sflag:s23], $0x1  }
0xa3: {  	[sflag:s23] =	ssyncset.done $0x0  }
0xa4: {  	s25 =	simm.s32 $0x1B8E;
	s24 =	sld [smem:$0x3FFE];
	[sflag:s23] =	ssyncadd.s32 $0xFFFFFFFF  }
0xa5: {  	s26 =	simm.s32 $execute0_lowered;
	[smem:$0x3FD2] =	sst s25  }
0xa6: {  	s4 =	sshll.u32 s26, $0x1;
	_ =	strace $0x80000055;
	[dreg:$0x1] =	wrdreg $0xFFFFFFFF  }
0xa7: {  	s28 =	simm.s32 $_size_execute0_lowered;
	s2 =	sadd.s32 s2, s4;
	[dreg:$0x0] =	wrdreg $0x0  }
0xa8: {  	s4 =	sshll.u32 s28, $0x1;
	[dreg:$0x2] =	wrdreg s2  }
0xa9: {  	[dreg:$0x3] =	wrdreg s4  }
0xaa: {  	[dreg:$0x4] =	wrdreg $0xC0  }
0xab: {  	_ =	task [dreg:s6], $0x5FFFF  }
0xac: {  	[dreg:$0x1] =	wrdreg $0xFFFFFFFF  }
0xad: {  	[dreg:$0x0] =	wrdreg $0x60  }
0xae: {  	[dreg:$0x2] =	wrdreg s24  }
0xaf: {  	[dreg:$0x3] =	wrdreg $0xA  }
0xb0: {  	_ =	task.clear_ibuf [dreg:s6], $0x4FFFF;
	_ =	strace $0x90000055  }
0xb1: {  	s29 =	simm.s32 $0xA;
	_ =	strace $0x80000057  }
0xb2: {  	_ =	swait.ge [sflag:s29], $0x1  }
0xb3: {  	[sflag:s29] =	ssyncadd.s32 $0xFFFFFFFF  }
0xb4: {  	_ =	strace $0x90000057  }
0xb5: {  	_ =	sfence  }
0xb6: {  	s30 =	sld [smem:$0x0];
	_ =	sdelay $0x2  }
0xb7: {  	s31 =	sshll.u32 s1, $0xD;
	s1 =	sshrl.u32 s1, $0x2  }
0xb8: {  	s3 =	sand.u32 $0x4000, s31;
	s1 =	sadd.s32 s1, s30  }
0xb9: {  	s0 =	sor.u32 s3, s0;
	s1 =	sshll.u32 s1, $0x11  }
0xba: {  	s0 =	sor.u32 s1, s0  }
0xbb: {  	s0 =	sadd.s32 $0x8F2B, s0  }
0xbc: {  	[sflag:s0] =	ssyncadd.remote.s32 $0x1  }
0xbd: {  	_ =	sfence.sel $0xFFFF  }
0xbe: {  	[dreg:$0x0] =	wrdreg $0xFFFFFFFF;
	(pc) =	sbr.abs _section_cstart, $3  }
0xbf: {  	[dreg:$0x1] =	wrdreg $0xFFFFFFFF  }
0xc0: {  	_ =	task.clear_ibuf [dreg:s6], $0x2FFFF;
	_ =	strace $0x9FFFFFFF  }
0xc1: {  	(tm) =	ssettm $0x7FFFFFFF  }
tec
execute0_lowered:
.L_overlay_start_1:
0x0: {  	(tag) =	ssettag $0x1  }
0x1: {  	s0 =	srdreg.scid;
	s5 =	rddreg [dreg:$0x0]  }
0x2: {  	s1 =	stileid.u32;
	s6 =	simm.s32 $0x1;
	s9 =	simm.s32 $0x1  }
0x3: {  	s10 =	simm.s32 $0x3;
	s13 =	simm.s32 $0x0;
	s2 =	sshll.u32 s0, $0xC  }
0x4: {  	s12 =	simm.s32 $0x0;
	s3 =	sshll.u32 s1, $0xD;
	s2 =	sand.u32 $0x1000, s2  }
0x5: {  	s0 =	rddreg [dreg:$0x1];
	_ =	strace $0x80000056;
	s2 =	sor.u32 s3, s2  }
0x6: {  	s4 =	sadd.s32 $0x7F800, s5;
	[sflag:s6] =	ssyncpa.u1 $0x0;
	s8 =	ssub.s32 $0x22000, s2  }
.Ltmp0:
0x7: {  	s3 =	sadd.s32 $0x7A200, s5;
	s7 =	sand.u32 $0x1F000, s8;
	(pc) =	sbr.rel .LBB2_1-.Ltmp0, $4  }
0x8: {  	s5 =	sadd.s32 $0xD600, s5;
	s11 =	smov.u32 s2;
	p0 =	sne.s32 s7, $0x0  }
0x9: {  	s8 =	sshrl.u32 s8, $0x11;
	s7 =	simm.s32 $0x2;
	s9 =	simm.s32 @!p0 $0x0  }
0xa: {  	[sflag:s7] =	ssyncpa.u1 $0x0;
	p0 =	por $0x0, $0x0;
	s8 =	sadd.s32 s9, s8  }
0xb: {  	vm0 =	vmmov $0xffff;
	[sflag:s10] =	ssyncpa.u1 $0x0;
	s10 =	simm.s32 $0x0;
	s9 =	sadd.s32 $0x1, s8  }
.LBB2_4:
0xc: {  	v6 =	vand.u32 $0x7F, v4;
	v3 =	vsel vm1, $0xFFFFDE00, v3  }
0xd: {  	v5 =	vmul.u32 $0x2200, v5;
	vm1 =	vmmov vm2;
	v56 =	vshll.u32 v4, $0x2  }
0xe: {  	v7 =	vand.u32 $0xF, v1;
	v2 =	vshll.u32 v2, $0x7;
	v57 =	vshrl.u32 v1, $0x4  }
0xf: {  	v58 =	vshrl.u32 v1, $0x6;
	v3 =	vor.u32 v3, v6;
	v4 =	vand.u32 $0xFFFFFE00, v56  }
0x10: {  	v2 =	vand.u32 $0x180, v2;
	v3 =	vadd.s32 v5, v3;
	v5 =	vand.u32 $0x3, v57  }
0x11: {  	v1 =	vand.u32 $0xFFF, v58;
	v59 =	vmul.u32 $0x2200, v7;
	v5 =	vsel vm1, $0xFFFFFFFF, v5  }
0x12: {  	v1 =	vsel vm1, $0xFFFFFFFF, v1;
	v3 =	vadd.s32 v4, v3;
	v60 =	vshrl.u32 v5, $0x2  }
0x13: {  	v61 =	vand.u32 $0x7F, v1;
	v6 =	vsel vm1, $0xFFFFDE00, v59;
	v4 =	vmul.u32 $0x2200, v60  }
0x14: {  	v1 =	vshll.u32 v1, $0x2;
	v2 =	vor.u32 v2, v3;
	v62 =	vor.u32 v6, v61  }
0x15: {  	v1 =	vand.u32 $0xFFFFFE00, v1;
	v5 =	vshll.u32 v5, $0x7;
	v3 =	vadd.s32 v4, v62  }
0x16: {  	v63 =	vand.u32 $0x180, v5;
	v1 =	vadd.s32 v1, v3  }
0x17: {  	(ifvalue) =	ssetifvalue $0x7FFFFFFF;
	s15 =	sadd.s32 $0x10, s15;
	v1 =	vor.u32 v63, v1  }
0x18: {  	[tilespmem:s15], [sflag:$0x1] =	stream.indirect_vreg.gather [hbm4b:s3+s10], $0x1, v0, vm0, $0x4038;
	[tilespmem:$0x4000] =	vst v63  }
0x19: {  	(ifvalue) =	ssetifvalue $0x7FFFFFFF;
	s15 =	sadd.s32 $0x10, s15  }
0x1a: {  	[tilespmem:s15], [sflag:$0x1] =	stream.indirect_vreg.gather [hbm4b:s3+s10], $0x1, v2, vm0, $0x4038;
	[tilespmem:$0x4000] =	vst v63  }
0x1b: {  	(ifvalue) =	ssetifvalue $0x7FFFFFFF;
	s15 =	sadd.s32 $0x10, s15  }
0x1c: {  	[tilespmem:s15], [sflag:$0x1] =	stream.indirect_vreg.gather [hbm4b:s3+s10], $0x1, v1, vm0, $0x4038;
	[tilespmem:$0x4000] =	vst v63  }
0x1d: {  	_ =	swait.ge [sflag:s6], $0x1000  }
0x1e: {  	s30 =	sshrl.u32 s13, $0x3;
	[sflag:s6] =	ssyncset.done $0x0  }
0x1f: {  	s31 =	sand.u32 $0x7, s13;
	s15 =	sadd.s32 s5, s30;
	[sflag:s6] =	ssyncadd.s32 $0xFFFFF000  }
0x20: {  	[hbm4b:s15+s31] =	stream.linear.scatter [tilespmem:s14], [sflag:$0x3], $0x1000, $0x38;
	[tilespmem:$0x4000] =	vst v63  }
.LBB2_5:
0x21: {  	s15 =	sadd.s32 $0x20000, s11  }
0x22: {  	p2 =	sgt.s32 s15, $0x21FFF  }
0x23: {  	s15 =	smov.u32 @p2 s2;
	p2 =	sne.s32 s12, s9  }
.Ltmp1:
0x24: {  	p1 =	slt.u32 s12, $0x2;
	(pc) =	sbr.rel @!p2 .LBB2_6-.Ltmp1, $4  }
0x25: {  	s14 =	simm.s32 @!p1 $0x3  }
0x26: {  	s16 =	sadd.s32 $0x1, s12;
	_ =	swait.ge @!p1 [sflag:s14], $0x1000  }
0x27: {  	s13 =	smov.u32 s11;
	p0 =	por !p0, !p0;
	[sflag:s14] =	ssyncset.done @!p1 $0x0  }
0x28: {  	s12 =	smov.u32 s16;
	s11 =	smov.u32 s15;
	[sflag:s14] =	ssyncadd.s32 @!p1 $0xFFFFF000  }
.LBB2_1:
0x29: {  	p1 =	sge.u32 s12, s8  }
0x2a: {  	s14 =	sxor.u32 @!p1 $0xFFFFFFFF, s12  }
0x2b: {  	s31 =	sadd.s32 $0xFFFFFFFF, s12;
	s15 =	sshrl.u32 @!p1 s11, $0x3;
	s14 =	sshll.u32 @!p1 s14, $0xC  }
0x2c: {  	s16 =	sand.u32 @!p1 $0x7, s11;
	s15 =	sadd.s32 @!p1 s4, s15;
	s14 =	sand.u32 @!p1 $0x1000, s14  }
0x2d: {  	[tilespmem:s14], [sflag:$0x2] =	stream.linear.gather @!p1 [hbm4b:s15+s16], $0x1000, $0x38;
	[tilespmem:$0x4000] =	vst v63  }
0x2e: {  	p1 =	sge.u32 s31, s8  }
.Ltmp2:
0x2f: {  	_ = 	snop;
	(pc) =	sbr.rel @p1 .LBB2_5-.Ltmp2, $1  }
0x30: {  	_ =	sdelay $0x3  }
0x31: {  	s14 =	simm.s32 $0x1  }
0x32: {  	_ =	swait.ge [sflag:s7], $0x1000;
	s14 =	simm.s32 @!p0 $0x0  }
0x33: {  	[sflag:s7] =	ssyncset.done $0x0;
	s14 =	sshll.u32 s14, $0xC  }
0x34: {  	[sflag:s7] =	ssyncadd.s32 $0xFFFFF000;
	(ifvalue) =	ssetifvalue $0x7FFFFFFF;
	v0 =	vld.msk [tilespmem:s14+$0x0 ss:$0x1], $0xffff;
	_ =	sdelay $0x1  }
0x35: {  	s15 =	sadd.s32 $0x10, s14  }
0x36: {  	v1 =	vld.msk [tilespmem:s15+$0x0 ss:$0x1], $0xffff;
	s15 =	sadd.s32 $0x10, s15  }
0x37: {  	v6 =	vld.msk [tilespmem:s15+$0x0 ss:$0x1], $0xffff  }
0x38: {  	vm1 =	veq.s32 v0, $0x80000000;
	v2 =	vand.u32 $0xF, v0  }
0x39: {  	v3 =	vshrl.u32 v0, $0x4;
	v0 =	vshrl.u32 v0, $0x6;
	vm1 =	vmmov vm1  }
0x3a: {  	v3 =	vand.u32 $0x3, v3;
	v0 =	vand.u32 $0xFFF, v0;
	v2 =	vmul.u32 $0x2200, v2  }
0x3b: {  	vm2 =	veq.s32 v1, $0x80000000;
	v7 =	vand.u32 $0xF, v1;
	v3 =	vsel vm1, $0xFFFFFFFF, v3  }
0x3c: {  	v0 =	vsel vm1, $0xFFFFFFFF, v0;
	v8 =	vand.u32 $0xF, v6;
	v4 =	vshrl.u32 v3, $0x2  }
0x3d: {  	v5 =	vand.u32 $0x7F, v0;
	v2 =	vsel vm1, $0xFFFFDE00, v2;
	vm1 =	vmmov vm2  }
0x3e: {  	v0 =	vshll.u32 v0, $0x2;
	v3 =	vshll.u32 v3, $0x7;
	v4 =	vmul.u32 $0x2200, v4  }
0x3f: {  	v2 =	vor.u32 v2, v5;
	v0 =	vand.u32 $0xFFFFFE00, v0;
	v3 =	vand.u32 $0x180, v3  }
0x40: {  	v2 =	vadd.s32 v4, v2;
	v4 =	vshrl.u32 v1, $0x4;
	v1 =	vshrl.u32 v1, $0x6  }
0x41: {  	v0 =	vadd.s32 v0, v2;
	v2 =	vand.u32 $0x3, v4;
	v1 =	vand.u32 $0xFFF, v1  }
0x42: {  	v0 =	vor.u32 v3, v0;
	v2 =	vsel vm1, $0xFFFFFFFF, v2;
	v3 =	vmul.u32 $0x2200, v7  }
0x43: {  	vm2 =	veq.s32 v6, $0x80000000;
	v4 =	vsel vm1, $0xFFFFFFFF, v1;
	v1 =	vshrl.u32 v2, $0x2  }
0x44: {  	s17 =	sadd.s32 $0x10, s15;
	v5 =	vand.u32 $0x7F, v4;
	v3 =	vsel vm1, $0xFFFFDE00, v3;
	v7 =	vmul.u32 $0x2200, v1  }
0x45: {  	v4 =	vshll.u32 v4, $0x2;
	v2 =	vshll.u32 v2, $0x7;
	v1 =	vld.msk [tilespmem:s17+$0x0 ss:$0x1], $0xffff;
	v3 =	vor.u32 v3, v5  }
0x46: {  	vm1 =	vmmov vm2;
	v4 =	vand.u32 $0xFFFFFE00, v4;
	v3 =	vadd.s32 v7, v3  }
0x47: {  	s31 =	sshll.u32 s12, $0xC;
	s15 =	sor.u32 $0x2000, s14;
	(ifvalue) =	ssetifvalue $0x7FFFFFFF;
	v2 =	vand.u32 $0x180, v2;
	v5 =	vshrl.u32 v6, $0x4;
	v3 =	vadd.s32 v4, v3  }
0x48: {  	[tilespmem:s15], [sflag:$0x1] =	stream.indirect_vreg.gather [hbm4b:s3+s10], $0x1, v0, vm0, $0x4038;
	v4 =	vand.u32 $0x3, v5;
	v5 =	vshrl.u32 v6, $0x6;
	v0 =	vor.u32 v2, v3;
	[tilespmem:$0x4000] =	vst v63  }
0x49: {  	s14 =	sand.u32 $0x1000, s31;
	v2 =	vsel vm1, $0xFFFFFFFF, v4;
	v4 =	vand.u32 $0xFFF, v5;
	v3 =	vmul.u32 $0x2200, v8  }
0x4a: {  	s16 =	simm.s32 $0x30;
	s14 =	sor.u32 $0x2000, s14;
	s17 =	sadd.s32 $0x10, s17;
	vm2 =	veq.s32 v1, $0x80000000;
	v4 =	vsel vm1, $0xFFFFFFFF, v4;
	v5 =	vshrl.u32 v2, $0x2  }
.LBB2_3:
0x4b: {  	v7 =	vand.u32 $0x7F, v4  }
0x4c: {  	v6 =	vld.msk [tilespmem:s17+$0x0 ss:$0x1], $0xffff;
	v3 =	vsel vm1, $0xFFFFDE00, v3;
	v5 =	vmul.u32 $0x2200, v5;
	vm1 =	vmmov vm2;
	s16 =	sadd.s32 $0x10, s16  }
0x4d: {  	v8 =	vand.u32 $0xF, v1;
	v4 =	vshll.u32 v4, $0x2;
	s15 =	sadd.s32 $0x10, s15;
	v3 =	vor.u32 v3, v7;
	(ifvalue) =	ssetifvalue $0x7FFFFFFF;
	p1 =	slt.u32 s16, $0xFF0  }
0x4e: {  	[tilespmem:s15], [sflag:$0x1] =	stream.indirect_vreg.gather [hbm4b:s3+s10], $0x1, v0, vm0, $0x4038;
	[tilespmem:$0x4000] =	vst v63  }
.Ltmp3:
0x4f: {  	v2 =	vshll.u32 v2, $0x7;
	v4 =	vand.u32 $0xFFFFFE00, v4;
	v3 =	vadd.s32 v5, v3;
	(pc) =	sbr.rel @p1 .LBB2_3-.Ltmp3, $4  }
0x50: {  	v2 =	vand.u32 $0x180, v2;
	v0 =	vshrl.u32 v1, $0x4;
	v3 =	vadd.s32 v4, v3  }
0x51: {  	v9 =	vshrl.u32 v1, $0x6;
	v4 =	vand.u32 $0x3, v0;
	v0 =	vor.u32 v2, v3  }
0x52: {  	v7 =	vand.u32 $0xFFF, v9;
	v2 =	vsel vm1, $0xFFFFFFFF, v4;
	v3 =	vmul.u32 $0x2200, v8  }
0x53: {  	s17 =	sadd.s32 $0x10, s17;
	v4 =	vsel vm1, $0xFFFFFFFF, v7;
	vm2 =	veq.s32 v6, $0x80000000;
	v5 =	vshrl.u32 v2, $0x2;
	v1 =	vmovc v6  }
.Ltmp4:
0x54: {  	_ = 	snop;
	(pc) =	sbr.rel .LBB2_4-.Ltmp4, $1  }
0x55: {  	_ =	sdelay $0x3  }
.LBB2_6:
0x56: {  	_ =	sfence.sel $0x180000  }
0x57: {  	s2 =	simm.s32 $0x2;
	[bflag:$0x0] =	sbarrier.arrive $0xFFFF  }
0x58: {  	s30 =	simm.s32 $0x3;
	[sflag:s2] =	ssyncpa.u1 $0x1  }
0x59: {  	s31 =	simm.s32 $0x1;
	[sflag:s30] =	ssyncpa.u1 $0x1  }
0x5a: {  	[sflag:s31] =	ssyncpa.u1 $0x1  }
0x5b: {  	p0 =	sne.s32 s1, $0x0;
	_ =	strace $0x90000056  }
0x5c: {  	s0 =	sadd.s32 @!p0 $0x100000, s0;
	[bflag:$0x2] =	sbarrier.arrive $0xFFFF  }
0x5d: {  	[sflag:s0] =	ssyncadd.tile.s32 @!p0 $0x1;
	_ =	shalt  }
.Lfunc_end2:
_tile_overlayer_lowered:
.L_overlay_start_2:
0x5e: {  	(tag) =	ssettag $0x2  }
0x5f: {  	s0 =	rddreg [dreg:$0x0];
	s2 =	stileid.u32  }
0x60: {  	s1 =	rddreg [dreg:$0x1];
	p0 =	sne.s32 s2, $0x0  }
0x61: {  	s3 =	rddreg [dreg:$0x2];
	[bflag:$0x3] =	sbarrier.arrive $0xFFFF;
	s2 =	simm.s32 @!p0 $0x1C01  }
0x62: {  	[timem:s3], [sflag:s2] =	dma.local @!p0 [hbm:s0], s1  }
0x63: {  	s0 =	simm.s32 @!p0 $0x1  }
0x64: {  	_ =	swait.ge @!p0 [sflag:s0], s1  }
0x65: {  	s1 =	ssub.s32 @!p0 $0x0, s1;
	[sflag:s0] =	ssyncset.done @!p0 $0x0  }
0x66: {  	[sflag:s0] =	ssyncadd.s32 @!p0 s1  }
0x67: {  	[bflag:$0x3] =	sbarrier.arrive $0xFFFF  }
0x68: {  	_ =	shalt  }

// kernel: gather_offload_async_start.5
scs
__scs_entry_jumppad:
0x0: {  	(pc) =	sbr.rel $0x88, $3  }
0x1: {  	(tag) =	ssettag $0x0;
	lr =	simm.s32 $0x1  }
0x2: {  	[smem:$0x3F92] =	sst lr;
	_ =	strace $0xD0000000  }
0x3: {  	_ = 	snop  }
0x4: {  	_ = 	snop  }
0x5: {  	_ = 	snop  }
0x6: {  	_ = 	snop  }
0x7: {  	_ = 	snop  }
__scs_overlays_trampoline_lowered:
0x8: {  	[smem:$0x3FA1] =	sst s0  }
0x9: {  	[smem:$0x3FA2] =	sst s1  }
0xa: {  	[smem:$0x3FA3] =	sst s2  }
0xb: {  	[smem:$0x3FA4] =	sst s3  }
0xc: {  	[smem:$0x3FA5] =	sst s4  }
0xd: {  	[smem:$0x3FA6] =	sst s5  }
0xe: {  	[smem:$0x3FA7] =	sst s6  }
0xf: {  	[smem:$0x3FA8] =	sst s7  }
0x10: {  	[smem:$0x3FA9] =	sst s8  }
0x11: {  	[smem:$0x3FAA] =	sst s9;
	s0 =	simm.s32 @!p0 $0x0  }
0x12: {  	s1 =	sld [smem:$0x3F90];
	s0 =	simm.s32 @p0 $0x1  }
0x13: {  	[smem:$0x3FAB] =	sst s0;
	s0 =	simm.s32 @!p1 $0x0  }
0x14: {  	s2 =	sld [smem:$0x3F8F];
	s0 =	simm.s32 @p1 $0x1  }
0x15: {  	[smem:$0x3FAC] =	sst s0;
	s0 =	simm.s32 @!p2 $0x0  }
0x16: {  	s3 =	sld [smem:$0x3FDB];
	s0 =	simm.s32 @p2 $0x1  }
0x17: {  	s4 =	simm.s32 $0x1BF5;
	[smem:$0x3FAE] =	sst s0  }
0x18: {  	s0 =	sld [smem:$0x3F91];
	_ =	swait.ge [sflag:s4], $0x0  }
0x19: {  	s7 =	sld [smem:$0x3F92]  }
0x1a: {  	s8 =	sadd.s32 $0xFFFFE003, lr  }
0x1b: {  	s9 =	sadd.s32 $0xFFFFFEF7, lr;
	s5 =	simm.s32 $0xFFFFFFFF;
	p2 =	slt.u32 s8, $0xFFFFF086  }
0x1c: {  	p1 =	slt.u32 s9, $0xF7A;
	s5 =	simm.s32 @!p2 $0x0  }
0x1d: {  	s5 =	simm.s32 @p1 $0x1;
	p0 =	seq.s32 s7, s2  }
0x1e: {  	s7 =	smul.u32 @!p0 $0xF7A, s2;
	p2 =	seq.s32 @!p0 s5, $0x0  }
0x1f: {  	s9 =	smul.u32 $0xF7A, s1;
	s8 =	simm.s32 @!p0 $0x1BF5;
	p2 =	por !p2, p0  }
0x20: {  	[sflag:s8] =	ssyncset.s32 @!p0 $0xFFFFF086;
	s6 =	sadd.s32 @!p0 s3, s7;
	s7 =	simm.s32 @!p0 $0x108  }
0x21: {  	s3 =	sadd.s32 s3, s9;
	s6 =	sadd.s32 @!p0 $0x88, s6;
	s7 =	simm.s32 @p2 $0x1082  }
0x22: {  	[simem:s7], [sflag:s8] =	dma.local @!p0 [hbm:s6], $0xF7A  }
0x23: {  	s9 =	sor.u32 $0xD0000000, s2;
	s6 =	simm.s32 $0x108;
	_ =	swait.ge @!p0 [sflag:s8], $0x0  }
0x24: {  	s3 =	sadd.s32 $0x88, s3;
	s6 =	simm.s32 @!p1 $0x1082;
	[sflag:s4] =	ssyncset.s32 $0xFFFFF086  }
0x25: {  	[simem:s6], [sflag:s4] =	dma.local [hbm:s3], $0xF7A  }
0x26: {  	[smem:$0x3F92] =	sst s1;
	(tag) =	ssettag s2;
	_ =	strace s9  }
0x27: {  	s1 =	sld [smem:$0x3FA2]  }
0x28: {  	s2 =	sld [smem:$0x3FA3]  }
0x29: {  	s4 =	sld [smem:$0x3FA5]  }
0x2a: {  	p0 =	seq.s32 s5, $0x0;
	s5 =	sld [smem:$0x3FA6]  }
0x2b: {  	s6 =	sld [smem:$0x3FA7]  }
0x2c: {  	s7 =	sld [smem:$0x3FA8]  }
0x2d: {  	s3 =	simm.s32 $0x108;
	s8 =	sld [smem:$0x3FA9]  }
0x2e: {  	s3 =	simm.s32 @!p0 $0x1082;
	s9 =	sld [smem:$0x3FAA]  }
0x2f: {  	lr =	sadd.s32 s0, s3;
	s0 =	sld [smem:$0x3FA1]  }
0x30: {  	s3 =	sld [smem:$0x3FA4]  }
0x31: {  	[smem:$0x3FAD] =	sst s10  }
0x32: {  	s10 =	sld [smem:$0x3FAB];
	_ =	sdelay $0x3  }
0x33: {  	p0 =	seq.s32 s10, $0x1;
	s10 =	sld [smem:$0x3FAD];
	_ =	sdelay $0x3  }
0x34: {  	[smem:$0x3FAD] =	sst s10  }
0x35: {  	s10 =	sld [smem:$0x3FAC];
	_ =	sdelay $0x3  }
0x36: {  	p1 =	seq.s32 s10, $0x1;
	s10 =	sld [smem:$0x3FAD];
	_ =	sdelay $0x3  }
0x37: {  	[smem:$0x3FAD] =	sst s10  }
0x38: {  	s10 =	sld [smem:$0x3FAE]  }
0x39: {  	_ = 	snop;
	(pc) =	sbr.ind lr, $3  }
0x3a: {  	_ = 	snop  }
0x3b: {  	_ = 	snop  }
0x3c: {  	p2 =	seq.s32 s10, $0x1;
	s10 =	sld [smem:$0x3FAD]  }
0x3d: {  	_ =	shalt  }
0x3e: {  	_ =	shalt  }
0x3f: {  	_ =	shalt  }
0x40: {  	_ =	shalt  }
0x41: {  	_ =	shalt  }
0x42: {  	_ =	shalt  }
0x43: {  	_ =	shalt  }
0x44: {  	_ =	shalt  }
0x45: {  	_ =	shalt  }
0x46: {  	_ =	shalt  }
0x47: {  	_ =	shalt  }
0x48: {  	_ =	shalt  }
0x49: {  	_ =	shalt  }
0x4a: {  	_ =	shalt  }
0x4b: {  	_ =	shalt  }
0x4c: {  	_ =	shalt  }
0x4d: {  	_ =	shalt  }
0x4e: {  	_ =	shalt  }
0x4f: {  	_ =	shalt  }
0x50: {  	_ =	shalt  }
0x51: {  	_ =	shalt  }
0x52: {  	_ =	shalt  }
0x53: {  	_ =	shalt  }
0x54: {  	_ =	shalt  }
0x55: {  	_ =	shalt  }
0x56: {  	_ =	shalt  }
0x57: {  	_ =	shalt  }
0x58: {  	_ =	shalt  }
0x59: {  	_ =	shalt  }
0x5a: {  	_ =	shalt  }
0x5b: {  	_ =	shalt  }
0x5c: {  	_ =	shalt  }
0x5d: {  	_ =	shalt  }
0x5e: {  	_ =	shalt  }
0x5f: {  	_ =	shalt  }
0x60: {  	_ =	shalt  }
0x61: {  	_ =	shalt  }
0x62: {  	_ =	shalt  }
0x63: {  	_ =	shalt  }
0x64: {  	_ =	shalt  }
0x65: {  	_ =	shalt  }
0x66: {  	_ =	shalt  }
0x67: {  	_ =	shalt  }
0x68: {  	_ =	shalt  }
0x69: {  	_ =	shalt  }
0x6a: {  	_ =	shalt  }
0x6b: {  	_ =	shalt  }
0x6c: {  	_ =	shalt  }
0x6d: {  	_ =	shalt  }
0x6e: {  	_ =	shalt  }
0x6f: {  	_ =	shalt  }
0x70: {  	_ =	shalt  }
0x71: {  	_ =	shalt  }
0x72: {  	_ =	shalt  }
0x73: {  	_ =	shalt  }
0x74: {  	_ =	shalt  }
0x75: {  	_ =	shalt  }
0x76: {  	_ =	shalt  }
0x77: {  	_ =	shalt  }
0x78: {  	_ =	shalt  }
0x79: {  	_ =	shalt  }
0x7a: {  	_ =	shalt  }
0x7b: {  	_ =	shalt  }
0x7c: {  	_ =	shalt  }
0x7d: {  	_ =	shalt  }
0x7e: {  	_ =	shalt  }
0x7f: {  	_ =	shalt  }
0x80: {  	_ =	shalt  }
0x81: {  	_ =	shalt  }
0x82: {  	_ =	shalt  }
0x83: {  	_ =	shalt  }
0x84: {  	_ =	shalt  }
0x85: {  	_ =	shalt  }
0x86: {  	_ =	shalt  }
0x87: {  	_ =	shalt  }
.Lfunc_end0:
.L_simem_size_0:
called_computation.9_lowered:
.L_overlay_start_0:
0x88: {  	s2 =	sld [smem:$0x3FD9]  }
0x89: {  	s3 =	sld [smem:$0x3FFE];
	_ =	sdelay $0x1  }
0x8a: {  	s1 =	srdreg.scid  }
0x8b: {  	s0 =	sand.u32 $0x1, s1  }
0x8c: {  	s17 =	sshll.u32 s0, $0xA;
	s2 =	sadd.s32 s3, s2  }
0x8d: {  	s2 =	sadd.s32 s2, s17  }
0x8e: {  	[smem:$0x3FB9] =	sst s2  }
0x8f: {  	_ = 	snop  }
0x90: {  	s18 =	sld [smem:$0x3FD0];
	(tm) =	ssettm $0x1  }
0x91: {  	s19 =	sld [smem:$0x3FFB];
	_ =	sdelay $0x3  }
0x92: {  	_ =	strace s19  }
0x93: {  	s2 =	sld [smem:$0x3FFC];
	_ =	sdelay $0x3  }
0x94: {  	_ =	strace s2  }
0x95: {  	s2 =	sld [smem:$0x3FFD];
	_ =	sdelay $0x3  }
0x96: {  	_ =	strace s2  }
0x97: {  	_ =	strace $0x8FFFFFFF  }
0x98: {  	s20 =	sld [smem:$0x3FDB];
	_ =	sdelay $0x1  }
0x99: {  	s4 =	simm.s32 $_scs_section_size  }
0x9a: {  	s5 =	simm.s32 $_size__tile_overlayer_lowered;
	s6 =	simm.s32 $_tile_overlayer_lowered  }
0x9b: {  	s7 =	simm.s32 $0x1BFF;
	s21 =	sshll.u32 s6, $0x1;
	s4 =	sadd.s32 s4, s20  }
0x9c: {  	s22 =	simm.s32 $0x0;
	s5 =	sshll.u32 s5, $0x1;
	s6 =	sadd.s32 s21, s4  }
0x9d: {  	[timem:s22], [sflag:s7] =	dma.local [hbm:s6], s5  }
0x9e: {  	_ =	swait.ge [sflag:s7], s5  }
0x9f: {  	s5 =	ssub.s32 $0x0, s5;
	[sflag:s7] =	ssyncset.done $0x0  }
0xa0: {  	[sflag:s7] =	ssyncadd.s32 s5;
	_ =	sdelay $0x1  }
0xa1: {  	s23 =	simm.s32 $0x1B8B  }
0xa2: {  	_ =	swait.ge [sflag:s23], $0x1  }
0xa3: {  	[sflag:s23] =	ssyncset.done $0x0  }
0xa4: {  	[sflag:s23] =	ssyncadd.s32 $0xFFFFFFFF  }
0xa5: {  	s5 =	sld [smem:$0x0]  }
0xa6: {  	s6 =	sand.u32 $0xFFFFFFFE, s1  }
0xa7: {  	p0 =	sne.s32 s1, s6  }
0xa8: {  	s6 =	sshll.u32 @p0 s6, $0xE  }
0xa9: {  	s6 =	sadd.s32 @p0 $0x11B8D, s6;
	s7 =	sshll.u32 @p0 s5, $0x11  }
0xaa: {  	s6 =	sor.u32 @p0 s7, s6  }
0xab: {  	[sflag:s6] =	ssyncadd.remote.s32 @p0 $0x1;
	_ =	sdelay $0x1  }
0xac: {  	s6 =	simm.s32 @p0 $0x1B8D  }
0xad: {  	_ =	swait.eq @p0 [sflag:s6], $0x1  }
0xae: {  	[sflag:s6] =	ssyncadd.s32 @p0 $0xFFFFFFFF  }
0xaf: {  	s7 =	sshll.u32 @!p0 s1, $0xE  }
0xb0: {  	s7 =	sor.u32 @!p0 $0x4000, s7;
	s6 =	simm.s32 @!p0 $0x1B8D  }
0xb1: {  	s5 =	sshll.u32 @!p0 s5, $0x11;
	s7 =	sadd.s32 @!p0 $0x11B8D, s7;
	_ =	swait.eq @!p0 [sflag:s6], $0x1  }
0xb2: {  	s5 =	sor.u32 @!p0 s5, s7;
	[sflag:s6] =	ssyncadd.s32 @!p0 $0xFFFFFFFF  }
0xb3: {  	s25 =	simm.s32 $0x1B8E;
	s24 =	sld [smem:$0x3FFE];
	[sflag:s5] =	ssyncadd.remote.s32 @!p0 $0x1  }
0xb4: {  	s26 =	simm.s32 $execute0_lowered;
	[smem:$0x3FD2] =	sst s25  }
0xb5: {  	s6 =	sshll.u32 s26, $0x1;
	_ =	strace $0x80000061;
	[dreg:$0x1] =	wrdreg $0xFFFFFFFF  }
0xb6: {  	s28 =	simm.s32 $_size_execute0_lowered;
	s4 =	sadd.s32 s4, s6;
	[dreg:$0x0] =	wrdreg $0x0  }
0xb7: {  	s6 =	sshll.u32 s28, $0x1;
	[dreg:$0x2] =	wrdreg s4  }
0xb8: {  	[dreg:$0x3] =	wrdreg s6  }
0xb9: {  	[dreg:$0x4] =	wrdreg $0xC0  }
0xba: {  	_ =	task [dreg:s22], $0x5FFFF  }
0xbb: {  	[dreg:$0x1] =	wrdreg $0xFFFFFFFF  }
0xbc: {  	[dreg:$0x0] =	wrdreg $0x60  }
0xbd: {  	[dreg:$0x2] =	wrdreg s24  }
0xbe: {  	[dreg:$0x3] =	wrdreg s18  }
0xbf: {  	[dreg:$0x4] =	wrdreg $0x9  }
0xc0: {  	_ =	task.clear_ibuf [dreg:s22], $0x5FFFF;
	_ =	strace $0x90000061  }
0xc1: {  	s29 =	simm.s32 $0x9;
	_ =	strace $0x80000063  }
0xc2: {  	_ =	swait.ge [sflag:s29], $0x1  }
0xc3: {  	[sflag:s29] =	ssyncadd.s32 $0xFFFFFFFF  }
0xc4: {  	_ =	strace $0x90000063  }
0xc5: {  	_ =	sfence  }
0xc6: {  	s30 =	sld [smem:$0x0];
	_ =	sdelay $0x2  }
0xc7: {  	s31 =	sshll.u32 s1, $0xD;
	s1 =	sshrl.u32 s1, $0x2  }
0xc8: {  	s4 =	sand.u32 $0x4000, s31;
	s1 =	sadd.s32 s1, s30  }
0xc9: {  	s0 =	sor.u32 s4, s0;
	s1 =	sshll.u32 s1, $0x11  }
0xca: {  	s0 =	sor.u32 s1, s0  }
0xcb: {  	s0 =	sadd.s32 $0x8F2B, s0  }
0xcc: {  	[sflag:s0] =	ssyncadd.remote.s32 $0x1  }
0xcd: {  	_ =	sfence.sel $0xFFFF  }
0xce: {  	[dreg:$0x0] =	wrdreg $0xFFFFFFFF;
	(pc) =	sbr.abs _section_cstart, $3  }
0xcf: {  	[dreg:$0x1] =	wrdreg $0xFFFFFFFF  }
0xd0: {  	_ =	task.clear_ibuf [dreg:s22], $0x2FFFF;
	_ =	strace $0x9FFFFFFF  }
0xd1: {  	(tm) =	ssettm $0x7FFFFFFF  }
tec
execute0_lowered:
.L_overlay_start_1:
0x0: {  	(tag) =	ssettag $0x1  }
0x1: {  	s7 =	rddreg [dreg:$0x0]  }
0x2: {  	s0 =	srdreg.scid;
	s2 =	rddreg [dreg:$0x1]  }
0x3: {  	s1 =	stileid.u32;
	s5 =	simm.s32 $0x2;
	s9 =	simm.s32 $0x3  }
0x4: {  	s3 =	sshll.u32 s0, $0x4;
	s0 =	rddreg [dreg:$0x2];
	_ =	strace $0x80000062  }
.Ltmp0:
0x5: {  	s4 =	sand.u32 $0x10, s3;
	s3 =	simm.s32 $0x1;
	(pc) =	sbr.rel .LBB2_1-.Ltmp0, $4  }
0x6: {  	s11 =	simm.s32 $0x0;
	s4 =	sor.u32 s1, s4;
	[sflag:s3] =	ssyncpa.u1 $0x0  }
0x7: {  	p0 =	por $0x0, $0x0;
	s4 =	smul.u32 $0x1100, s4;
	[sflag:s5] =	ssyncpa.u1 $0x0  }
0x8: {  	s6 =	sadd.s32 $0x46EE00, s7;
	s7 =	sadd.s32 $0x7A200, s7;
	[sflag:s9] =	ssyncpa.u1 $0x0  }
0x9: {  	vm0 =	vmmov $0xff;
	vm1 =	vcmask $0x3F20;
	s9 =	simm.s32 $0x0;
	s8 =	sadd.s32 $0x1100, s4;
	s10 =	smov.u32 s4  }
.LBB2_6:
0xa: {  	[hbm:s15] =	stream.linear.scatter [tilespmem:s12], [sflag:$0x3], $0x400, $0x38;
	[tilespmem:$0x10200] =	vst v63  }
.LBB2_7:
0xb: {  	p1 =	slt.u32 s9, $0x2;
	s11 =	sadd.s32 $0x100, s10  }
0xc: {  	s13 =	smov.u32 s4;
	s9 =	sadd.s32 $0x1, s9;
	p2 =	slt.s32 s11, s8  }
0xd: {  	s13 =	smov.u32 @p2 s11;
	p2 =	sne.s32 s9, $0x13  }
.Ltmp1:
0xe: {  	_ = 	snop;
	(pc) =	sbr.rel @!p2 .LBB2_8-.Ltmp1, $4  }
0xf: {  	s12 =	simm.s32 @!p1 $0x3  }
0x10: {  	_ =	swait.ge @!p1 [sflag:s12], $0x8000  }
0x11: {  	p0 =	por !p0, !p0;
	[sflag:s12] =	ssyncset.done @!p1 $0x0  }
0x12: {  	s11 =	smov.u32 s10;
	s10 =	smov.u32 s13;
	[sflag:s12] =	ssyncadd.s32 @!p1 $0xFFFF8000  }
.LBB2_1:
0x13: {  	p1 =	sgt.u32 s9, $0x10  }
0x14: {  	s12 =	sxor.u32 @!p1 $0xFFFFFFFF, s9  }
0x15: {  	s31 =	sadd.s32 $0xFFFFFFFF, s9;
	s13 =	sshrl.u32 @!p1 s10, $0x3;
	s12 =	sshll.u32 @!p1 s12, $0x8  }
0x16: {  	s14 =	sand.u32 @!p1 $0x7, s10;
	s13 =	sadd.s32 @!p1 s7, s13;
	s12 =	sand.u32 @!p1 $0x100, s12  }
0x17: {  	[tilespmem:s12], [sflag:$0x2] =	stream.linear.gather @!p1 [hbm4b:s13+s14], $0x100, $0x38;
	[tilespmem:$0x10200] =	vst v63  }
0x18: {  	p1 =	sgt.u32 s31, $0x10  }
.Ltmp2:
0x19: {  	_ = 	snop;
	(pc) =	sbr.rel @p1 .LBB2_7-.Ltmp2, $1  }
0x1a: {  	_ =	sdelay $0x3  }
0x1b: {  	s12 =	simm.s32 $0x1  }
0x1c: {  	_ =	swait.ge [sflag:s5], $0x100;
	s12 =	simm.s32 @!p0 $0x0  }
0x1d: {  	[sflag:s5] =	ssyncset.done $0x0;
	s14 =	sshll.u32 s12, $0x8  }
0x1e: {  	[sflag:s5] =	ssyncadd.s32 $0xFFFFFF00;
	s13 =	sadd.s32 $0x0, s14  }
0x1f: {  	v0 =	vld.msk [tilespmem:s13+$0x0 ss:$0x1], $0xffff;
	_ =	sdelay $0x4  }
0x20: {  	v1 =	vshrl.u32 v0, $0x4  }
0x21: {  	v2 =	vand.u32 $0xF, v0;
	v1 =	vand.u32 $0x3, v1  }
0x22: {  	v3 =	vshll.u32 v0, $0x1;
	v2 =	vmul.u32 $0x110000, v2;
	v1 =	vmul.u32 $0x44000, v1  }
0x23: {  	vm2 =	veq.s32 v0, $0x80000000;
	v0 =	vand.u32 $0x7FF80, v3  }
0x24: {  	v0 =	vsel vm2, $0xFFFFFF80, v0;
	v1 =	vadd.s32 v2, v1  }
0x25: {  	v2 =	vand.u32 $0xFFFFFC00, v0;
	v1 =	vsel vm2, $0xFFEAC000, v1  }
0x26: {  	v0 =	vand.u32 $0x380, v0;
	v1 =	vadd.s32 v2, v1  }
0x27: {  	v0 =	vor.u32 v0, v1  }
0x28: {  	v0 =	vshrl.u32 v0, $0x3;
	_ =	sdelay $0x2  }
0x29: {  	s12 =	sshll.u32 s12, $0xF  }
0x2a: {  	s12 =	sor.u32 $0x200, s12  }
0x2b: {  	[tilespmem:s12], [sflag:$0x1] =	stream.indirect_vreg.gather [hbm:s6], $0x80, v0, vm0, $0x38;
	[tilespmem:$0x10200] =	vst v63  }
0x2c: {  	s15 =	sadd.s32 $0x10, s14;
	s13 =	sadd.s32 $0x400, s12  }
0x2d: {  	[tilespmem:s13], [sflag:$0x1] =	stream.indirect_vreg.gather [hbm:s6], $0x80, v0, vm1, $0x38;
	[tilespmem:$0x10200] =	vst v63  }
0x2e: {  	s16 =	simm.s32 $0x80;
	v0 =	vld.msk [tilespmem:s15+$0x0 ss:$0x1], $0xffff;
	s15 =	smov.u32 s12  }
.LBB2_3:
0x2f: {  	p1 =	sne.s32 s16, $0x3C0;
	_ =	sdelay $0x4  }
0x30: {  	v1 =	vshrl.u32 v0, $0x4  }
0x31: {  	v2 =	vand.u32 $0xF, v0;
	v1 =	vand.u32 $0x3, v1  }
0x32: {  	v3 =	vshll.u32 v0, $0x1;
	v2 =	vmul.u32 $0x110000, v2;
	v1 =	vmul.u32 $0x44000, v1  }
0x33: {  	vm2 =	veq.s32 v0, $0x80000000;
	v0 =	vand.u32 $0x7FF80, v3  }
0x34: {  	v0 =	vsel vm2, $0xFFFFFF80, v0;
	v1 =	vadd.s32 v2, v1  }
0x35: {  	v2 =	vand.u32 $0xFFFFFC00, v0;
	v1 =	vsel vm2, $0xFFEAC000, v1  }
0x36: {  	v0 =	vand.u32 $0x380, v0;
	v1 =	vadd.s32 v2, v1  }
0x37: {  	v0 =	vor.u32 v0, v1  }
0x38: {  	v0 =	vshrl.u32 v0, $0x3;
	_ =	sdelay $0x3  }
.Ltmp3:
0x39: {  	s17 =	sshra.s32 s16, $0x2;
	s15 =	sadd.s32 $0x800, s15;
	(pc) =	sbr.rel @p1 .LBB2_3-.Ltmp3, $4  }
0x3a: {  	[tilespmem:s15], [sflag:$0x1] =	stream.indirect_vreg.gather [hbm:s6], $0x80, v0, vm0, $0x38;
	[tilespmem:$0x10200] =	vst v63  }
0x3b: {  	s17 =	sadd.s32 s17, s14;
	s18 =	sadd.s32 $0x400, s15  }
0x3c: {  	[tilespmem:s18], [sflag:$0x1] =	stream.indirect_vreg.gather [hbm:s6], $0x80, v0, vm1, $0x38;
	[tilespmem:$0x10200] =	vst v63  }
0x3d: {  	s16 =	sadd.s32 $0x40, s16;
	v0 =	vld.msk [tilespmem:s17+$0x0 ss:$0x1], $0xffff  }
0x3e: {  	_ =	sdelay $0x3  }
0x3f: {  	v1 =	vshrl.u32 v0, $0x4  }
0x40: {  	v2 =	vand.u32 $0xF, v0;
	v1 =	vand.u32 $0x3, v1  }
0x41: {  	v3 =	vshll.u32 v0, $0x1;
	v2 =	vmul.u32 $0x110000, v2;
	v1 =	vmul.u32 $0x44000, v1  }
0x42: {  	vm2 =	veq.s32 v0, $0x80000000;
	v62 =	vand.u32 $0x7FF80, v3  }
0x43: {  	v0 =	vsel vm2, $0xFFFFFF80, v62;
	v1 =	vadd.s32 v2, v1  }
0x44: {  	v63 =	vand.u32 $0xFFFFFC00, v0;
	v1 =	vsel vm2, $0xFFEAC000, v1  }
0x45: {  	v0 =	vand.u32 $0x380, v0;
	v1 =	vadd.s32 v63, v1  }
0x46: {  	v0 =	vor.u32 v0, v1  }
0x47: {  	v0 =	vshrl.u32 v0, $0x3;
	_ =	sdelay $0x3  }
0x48: {  	s14 =	sadd.s32 $0x800, s15  }
0x49: {  	[tilespmem:s14], [sflag:$0x1] =	stream.indirect_vreg.gather [hbm:s6], $0x80, v0, vm0, $0x38;
	[tilespmem:$0x10200] =	vst v63  }
0x4a: {  	s14 =	sadd.s32 $0x400, s14  }
0x4b: {  	[tilespmem:s14], [sflag:$0x1] =	stream.indirect_vreg.gather [hbm:s6], $0x80, v0, vm1, $0x38;
	[tilespmem:$0x10200] =	vst v63  }
0x4c: {  	s11 =	sshll.u32 s11, $0x4;
	_ =	swait.ge [sflag:s3], $0x8000  }
0x4d: {  	s11 =	sadd.s32 s11, s2;
	[sflag:s3] =	ssyncset.done $0x0  }
0x4e: {  	s15 =	sadd.s32 $0x0, s11;
	s14 =	simm.s32 $0x80;
	[sflag:s3] =	ssyncadd.s32 $0xFFFF8000  }
.LBB2_5:
0x4f: {  	[hbm:s15] =	stream.linear.scatter [tilespmem:s12], [sflag:$0x3], $0x400, $0x38;
	[tilespmem:$0x10200] =	vst v63  }
0x50: {  	s15 =	smov.u32 s14;
	s12 =	smov.u32 s13;
	p1 =	sne.s32 s14, $0xF80  }
.Ltmp4:
0x51: {  	s14 =	sadd.s32 $0x80, s14;
	(pc) =	sbr.rel @p1 .LBB2_5-.Ltmp4, $2  }
0x52: {  	_ =	sdelay $0x2  }
0x53: {  	s13 =	sadd.s32 $0x400, s13;
	s15 =	sadd.s32 s15, s11  }
.Ltmp5:
0x54: {  	_ = 	snop;
	(pc) =	sbr.rel .LBB2_6-.Ltmp5, $1  }
0x55: {  	_ =	sdelay $0x3  }
.LBB2_8:
0x56: {  	_ =	sfence.sel $0x180000  }
0x57: {  	s2 =	simm.s32 $0x2;
	[bflag:$0x0] =	sbarrier.arrive $0xFFFF  }
0x58: {  	s30 =	simm.s32 $0x3;
	[sflag:s2] =	ssyncpa.u1 $0x1  }
0x59: {  	s31 =	simm.s32 $0x1;
	[sflag:s30] =	ssyncpa.u1 $0x1  }
0x5a: {  	[sflag:s31] =	ssyncpa.u1 $0x1  }
0x5b: {  	p0 =	sne.s32 s1, $0x0;
	_ =	strace $0x90000062  }
0x5c: {  	s0 =	sadd.s32 @!p0 $0x100000, s0;
	[bflag:$0x2] =	sbarrier.arrive $0xFFFF  }
0x5d: {  	[sflag:s0] =	ssyncadd.tile.s32 @!p0 $0x1;
	_ =	shalt  }
.Lfunc_end2:
_tile_overlayer_lowered:
.L_overlay_start_2:
0x5e: {  	(tag) =	ssettag $0x2  }
0x5f: {  	s0 =	rddreg [dreg:$0x0];
	s2 =	stileid.u32  }
0x60: {  	s1 =	rddreg [dreg:$0x1];
	p0 =	sne.s32 s2, $0x0  }
0x61: {  	s3 =	rddreg [dreg:$0x2];
	[bflag:$0x3] =	sbarrier.arrive $0xFFFF;
	s2 =	simm.s32 @!p0 $0x1C01  }
0x62: {  	[timem:s3], [sflag:s2] =	dma.local @!p0 [hbm:s0], s1  }
0x63: {  	s0 =	simm.s32 @!p0 $0x1  }
0x64: {  	_ =	swait.ge @!p0 [sflag:s0], s1  }
0x65: {  	s1 =	ssub.s32 @!p0 $0x0, s1;
	[sflag:s0] =	ssyncset.done @!p0 $0x0  }
0x66: {  	[sflag:s0] =	ssyncadd.s32 @!p0 s1  }
0x67: {  	[bflag:$0x3] =	sbarrier.arrive $0xFFFF  }
0x68: {  	_ =	shalt  }

// kernel: gather_offload_async_start.6
scs
__scs_entry_jumppad:
0x0: {  	(pc) =	sbr.rel $0x88, $3  }
0x1: {  	(tag) =	ssettag $0x0;
	lr =	simm.s32 $0x1  }
0x2: {  	[smem:$0x3F92] =	sst lr;
	_ =	strace $0xD0000000  }
0x3: {  	_ = 	snop  }
0x4: {  	_ = 	snop  }
0x5: {  	_ = 	snop  }
0x6: {  	_ = 	snop  }
0x7: {  	_ = 	snop  }
__scs_overlays_trampoline_lowered:
0x8: {  	[smem:$0x3FA1] =	sst s0  }
0x9: {  	[smem:$0x3FA2] =	sst s1  }
0xa: {  	[smem:$0x3FA3] =	sst s2  }
0xb: {  	[smem:$0x3FA4] =	sst s3  }
0xc: {  	[smem:$0x3FA5] =	sst s4  }
0xd: {  	[smem:$0x3FA6] =	sst s5  }
0xe: {  	[smem:$0x3FA7] =	sst s6  }
0xf: {  	[smem:$0x3FA8] =	sst s7  }
0x10: {  	[smem:$0x3FA9] =	sst s8  }
0x11: {  	[smem:$0x3FAA] =	sst s9;
	s0 =	simm.s32 @!p0 $0x0  }
0x12: {  	s1 =	sld [smem:$0x3F90];
	s0 =	simm.s32 @p0 $0x1  }
0x13: {  	[smem:$0x3FAB] =	sst s0;
	s0 =	simm.s32 @!p1 $0x0  }
0x14: {  	s2 =	sld [smem:$0x3F8F];
	s0 =	simm.s32 @p1 $0x1  }
0x15: {  	[smem:$0x3FAC] =	sst s0;
	s0 =	simm.s32 @!p2 $0x0  }
0x16: {  	s3 =	sld [smem:$0x3FDB];
	s0 =	simm.s32 @p2 $0x1  }
0x17: {  	s4 =	simm.s32 $0x1BF5;
	[smem:$0x3FAE] =	sst s0  }
0x18: {  	s0 =	sld [smem:$0x3F91];
	_ =	swait.ge [sflag:s4], $0x0  }
0x19: {  	s7 =	sld [smem:$0x3F92]  }
0x1a: {  	s8 =	sadd.s32 $0xFFFFE003, lr  }
0x1b: {  	s9 =	sadd.s32 $0xFFFFFEF7, lr;
	s5 =	simm.s32 $0xFFFFFFFF;
	p2 =	slt.u32 s8, $0xFFFFF086  }
0x1c: {  	p1 =	slt.u32 s9, $0xF7A;
	s5 =	simm.s32 @!p2 $0x0  }
0x1d: {  	s5 =	simm.s32 @p1 $0x1;
	p0 =	seq.s32 s7, s2  }
0x1e: {  	s7 =	smul.u32 @!p0 $0xF7A, s2;
	p2 =	seq.s32 @!p0 s5, $0x0  }
0x1f: {  	s9 =	smul.u32 $0xF7A, s1;
	s8 =	simm.s32 @!p0 $0x1BF5;
	p2 =	por !p2, p0  }
0x20: {  	[sflag:s8] =	ssyncset.s32 @!p0 $0xFFFFF086;
	s6 =	sadd.s32 @!p0 s3, s7;
	s7 =	simm.s32 @!p0 $0x108  }
0x21: {  	s3 =	sadd.s32 s3, s9;
	s6 =	sadd.s32 @!p0 $0x88, s6;
	s7 =	simm.s32 @p2 $0x1082  }
0x22: {  	[simem:s7], [sflag:s8] =	dma.local @!p0 [hbm:s6], $0xF7A  }
0x23: {  	s9 =	sor.u32 $0xD0000000, s2;
	s6 =	simm.s32 $0x108;
	_ =	swait.ge @!p0 [sflag:s8], $0x0  }
0x24: {  	s3 =	sadd.s32 $0x88, s3;
	s6 =	simm.s32 @!p1 $0x1082;
	[sflag:s4] =	ssyncset.s32 $0xFFFFF086  }
0x25: {  	[simem:s6], [sflag:s4] =	dma.local [hbm:s3], $0xF7A  }
0x26: {  	[smem:$0x3F92] =	sst s1;
	(tag) =	ssettag s2;
	_ =	strace s9  }
0x27: {  	s1 =	sld [smem:$0x3FA2]  }
0x28: {  	s2 =	sld [smem:$0x3FA3]  }
0x29: {  	s4 =	sld [smem:$0x3FA5]  }
0x2a: {  	p0 =	seq.s32 s5, $0x0;
	s5 =	sld [smem:$0x3FA6]  }
0x2b: {  	s6 =	sld [smem:$0x3FA7]  }
0x2c: {  	s7 =	sld [smem:$0x3FA8]  }
0x2d: {  	s3 =	simm.s32 $0x108;
	s8 =	sld [smem:$0x3FA9]  }
0x2e: {  	s3 =	simm.s32 @!p0 $0x1082;
	s9 =	sld [smem:$0x3FAA]  }
0x2f: {  	lr =	sadd.s32 s0, s3;
	s0 =	sld [smem:$0x3FA1]  }
0x30: {  	s3 =	sld [smem:$0x3FA4]  }
0x31: {  	[smem:$0x3FAD] =	sst s10  }
0x32: {  	s10 =	sld [smem:$0x3FAB];
	_ =	sdelay $0x3  }
0x33: {  	p0 =	seq.s32 s10, $0x1;
	s10 =	sld [smem:$0x3FAD];
	_ =	sdelay $0x3  }
0x34: {  	[smem:$0x3FAD] =	sst s10  }
0x35: {  	s10 =	sld [smem:$0x3FAC];
	_ =	sdelay $0x3  }
0x36: {  	p1 =	seq.s32 s10, $0x1;
	s10 =	sld [smem:$0x3FAD];
	_ =	sdelay $0x3  }
0x37: {  	[smem:$0x3FAD] =	sst s10  }
0x38: {  	s10 =	sld [smem:$0x3FAE]  }
0x39: {  	_ = 	snop;
	(pc) =	sbr.ind lr, $3  }
0x3a: {  	_ = 	snop  }
0x3b: {  	_ = 	snop  }
0x3c: {  	p2 =	seq.s32 s10, $0x1;
	s10 =	sld [smem:$0x3FAD]  }
0x3d: {  	_ =	shalt  }
0x3e: {  	_ =	shalt  }
0x3f: {  	_ =	shalt  }
0x40: {  	_ =	shalt  }
0x41: {  	_ =	shalt  }
0x42: {  	_ =	shalt  }
0x43: {  	_ =	shalt  }
0x44: {  	_ =	shalt  }
0x45: {  	_ =	shalt  }
0x46: {  	_ =	shalt  }
0x47: {  	_ =	shalt  }
0x48: {  	_ =	shalt  }
0x49: {  	_ =	shalt  }
0x4a: {  	_ =	shalt  }
0x4b: {  	_ =	shalt  }
0x4c: {  	_ =	shalt  }
0x4d: {  	_ =	shalt  }
0x4e: {  	_ =	shalt  }
0x4f: {  	_ =	shalt  }
0x50: {  	_ =	shalt  }
0x51: {  	_ =	shalt  }
0x52: {  	_ =	shalt  }
0x53: {  	_ =	shalt  }
0x54: {  	_ =	shalt  }
0x55: {  	_ =	shalt  }
0x56: {  	_ =	shalt  }
0x57: {  	_ =	shalt  }
0x58: {  	_ =	shalt  }
0x59: {  	_ =	shalt  }
0x5a: {  	_ =	shalt  }
0x5b: {  	_ =	shalt  }
0x5c: {  	_ =	shalt  }
0x5d: {  	_ =	shalt  }
0x5e: {  	_ =	shalt  }
0x5f: {  	_ =	shalt  }
0x60: {  	_ =	shalt  }
0x61: {  	_ =	shalt  }
0x62: {  	_ =	shalt  }
0x63: {  	_ =	shalt  }
0x64: {  	_ =	shalt  }
0x65: {  	_ =	shalt  }
0x66: {  	_ =	shalt  }
0x67: {  	_ =	shalt  }
0x68: {  	_ =	shalt  }
0x69: {  	_ =	shalt  }
0x6a: {  	_ =	shalt  }
0x6b: {  	_ =	shalt  }
0x6c: {  	_ =	shalt  }
0x6d: {  	_ =	shalt  }
0x6e: {  	_ =	shalt  }
0x6f: {  	_ =	shalt  }
0x70: {  	_ =	shalt  }
0x71: {  	_ =	shalt  }
0x72: {  	_ =	shalt  }
0x73: {  	_ =	shalt  }
0x74: {  	_ =	shalt  }
0x75: {  	_ =	shalt  }
0x76: {  	_ =	shalt  }
0x77: {  	_ =	shalt  }
0x78: {  	_ =	shalt  }
0x79: {  	_ =	shalt  }
0x7a: {  	_ =	shalt  }
0x7b: {  	_ =	shalt  }
0x7c: {  	_ =	shalt  }
0x7d: {  	_ =	shalt  }
0x7e: {  	_ =	shalt  }
0x7f: {  	_ =	shalt  }
0x80: {  	_ =	shalt  }
0x81: {  	_ =	shalt  }
0x82: {  	_ =	shalt  }
0x83: {  	_ =	shalt  }
0x84: {  	_ =	shalt  }
0x85: {  	_ =	shalt  }
0x86: {  	_ =	shalt  }
0x87: {  	_ =	shalt  }
.Lfunc_end0:
.L_simem_size_0:
called_computation.10_lowered:
.L_overlay_start_0:
0x88: {  	s2 =	sld [smem:$0x3FD9]  }
0x89: {  	s3 =	sld [smem:$0x3FFE];
	_ =	sdelay $0x1  }
0x8a: {  	s1 =	srdreg.scid  }
0x8b: {  	s0 =	sand.u32 $0x1, s1  }
0x8c: {  	s16 =	sshll.u32 s0, $0xA;
	s2 =	sadd.s32 s3, s2  }
0x8d: {  	s2 =	sadd.s32 s2, s16  }
0x8e: {  	[smem:$0x3FB9] =	sst s2  }
0x8f: {  	_ = 	snop  }
0x90: {  	(tm) =	ssettm $0x1  }
0x91: {  	s17 =	sld [smem:$0x3FFB];
	_ =	sdelay $0x3  }
0x92: {  	_ =	strace s17  }
0x93: {  	s2 =	sld [smem:$0x3FFC];
	_ =	sdelay $0x3  }
0x94: {  	_ =	strace s2  }
0x95: {  	s2 =	sld [smem:$0x3FFD];
	_ =	sdelay $0x3  }
0x96: {  	_ =	strace s2  }
0x97: {  	_ =	strace $0x8FFFFFFF  }
0x98: {  	s18 =	sld [smem:$0x3FDB];
	_ =	sdelay $0x1  }
0x99: {  	s19 =	simm.s32 $_scs_section_size  }
0x9a: {  	s4 =	simm.s32 $_size__tile_overlayer_lowered;
	s5 =	simm.s32 $_tile_overlayer_lowered  }
0x9b: {  	s22 =	simm.s32 $0x1BFF;
	s21 =	sshll.u32 s5, $0x1;
	s2 =	sadd.s32 s19, s18  }
0x9c: {  	s6 =	simm.s32 $0x0;
	s20 =	sshll.u32 s4, $0x1;
	s4 =	sadd.s32 s21, s2  }
0x9d: {  	[timem:s6], [sflag:s22] =	dma.local [hbm:s4], s20  }
0x9e: {  	_ =	swait.ge [sflag:s22], s20  }
0x9f: {  	s3 =	ssub.s32 $0x0, s20;
	[sflag:s22] =	ssyncset.done $0x0  }
0xa0: {  	[sflag:s22] =	ssyncadd.s32 s3;
	_ =	sdelay $0x1  }
0xa1: {  	s23 =	simm.s32 $0x1B8B  }
0xa2: {  	_ =	swait.ge [sflag:s23], $0x1  }
0xa3: {  	[sflag:s23] =	ssyncset.done $0x0  }
0xa4: {  	s25 =	simm.s32 $0x1B8E;
	s24 =	sld [smem:$0x3FFE];
	[sflag:s23] =	ssyncadd.s32 $0xFFFFFFFF  }
0xa5: {  	s26 =	simm.s32 $execute0_lowered;
	[smem:$0x3FD2] =	sst s25  }
0xa6: {  	s4 =	sshll.u32 s26, $0x1;
	_ =	strace $0x8000005E;
	[dreg:$0x1] =	wrdreg $0xFFFFFFFF  }
0xa7: {  	s28 =	simm.s32 $_size_execute0_lowered;
	s2 =	sadd.s32 s2, s4;
	[dreg:$0x0] =	wrdreg $0x0  }
0xa8: {  	s4 =	sshll.u32 s28, $0x1;
	[dreg:$0x2] =	wrdreg s2  }
0xa9: {  	[dreg:$0x3] =	wrdreg s4  }
0xaa: {  	[dreg:$0x4] =	wrdreg $0xC0  }
0xab: {  	_ =	task [dreg:s6], $0x5FFFF  }
0xac: {  	[dreg:$0x1] =	wrdreg $0xFFFFFFFF  }
0xad: {  	[dreg:$0x0] =	wrdreg $0x60  }
0xae: {  	[dreg:$0x2] =	wrdreg s24  }
0xaf: {  	[dreg:$0x3] =	wrdreg $0xA  }
0xb0: {  	_ =	task.clear_ibuf [dreg:s6], $0x4FFFF;
	_ =	strace $0x9000005E  }
0xb1: {  	s29 =	simm.s32 $0xA;
	_ =	strace $0x80000060  }
0xb2: {  	_ =	swait.ge [sflag:s29], $0x1  }
0xb3: {  	[sflag:s29] =	ssyncadd.s32 $0xFFFFFFFF  }
0xb4: {  	_ =	strace $0x90000060  }
0xb5: {  	_ =	sfence  }
0xb6: {  	s30 =	sld [smem:$0x0];
	_ =	sdelay $0x2  }
0xb7: {  	s31 =	sshll.u32 s1, $0xD;
	s1 =	sshrl.u32 s1, $0x2  }
0xb8: {  	s3 =	sand.u32 $0x4000, s31;
	s1 =	sadd.s32 s1, s30  }
0xb9: {  	s0 =	sor.u32 s3, s0;
	s1 =	sshll.u32 s1, $0x11  }
0xba: {  	s0 =	sor.u32 s1, s0  }
0xbb: {  	s0 =	sadd.s32 $0x8F2B, s0  }
0xbc: {  	[sflag:s0] =	ssyncadd.remote.s32 $0x1  }
0xbd: {  	_ =	sfence.sel $0xFFFF  }
0xbe: {  	[dreg:$0x0] =	wrdreg $0xFFFFFFFF;
	(pc) =	sbr.abs _section_cstart, $3  }
0xbf: {  	[dreg:$0x1] =	wrdreg $0xFFFFFFFF  }
0xc0: {  	_ =	task.clear_ibuf [dreg:s6], $0x2FFFF;
	_ =	strace $0x9FFFFFFF  }
0xc1: {  	(tm) =	ssettm $0x7FFFFFFF  }
tec
execute0_lowered:
.L_overlay_start_1:
0x0: {  	(tag) =	ssettag $0x1  }
0x1: {  	s0 =	srdreg.scid;
	s5 =	rddreg [dreg:$0x0]  }
0x2: {  	s1 =	stileid.u32;
	s6 =	simm.s32 $0x1;
	s9 =	simm.s32 $0x1  }
0x3: {  	s10 =	simm.s32 $0x3;
	s13 =	simm.s32 $0x0;
	s2 =	sshll.u32 s0, $0xC  }
0x4: {  	s12 =	simm.s32 $0x0;
	s3 =	sshll.u32 s1, $0xD;
	s2 =	sand.u32 $0x1000, s2  }
0x5: {  	s0 =	rddreg [dreg:$0x1];
	_ =	strace $0x8000005F;
	s2 =	sor.u32 s3, s2  }
0x6: {  	s4 =	sadd.s32 $0x75E00, s5;
	[sflag:s6] =	ssyncpa.u1 $0x0;
	s8 =	ssub.s32 $0x22000, s2  }
.Ltmp0:
0x7: {  	s3 =	sadd.s32 $0xD600, s5;
	s7 =	sand.u32 $0x1F000, s8;
	(pc) =	sbr.rel .LBB2_1-.Ltmp0, $4  }
0x8: {  	s5 =	sadd.s32 $0x11A00, s5;
	s11 =	smov.u32 s2;
	p0 =	sne.s32 s7, $0x0  }
0x9: {  	s8 =	sshrl.u32 s8, $0x11;
	s7 =	simm.s32 $0x2;
	s9 =	simm.s32 @!p0 $0x0  }
0xa: {  	[sflag:s7] =	ssyncpa.u1 $0x0;
	p0 =	por $0x0, $0x0;
	s8 =	sadd.s32 s9, s8  }
0xb: {  	vm0 =	vmmov $0xffff;
	[sflag:s10] =	ssyncpa.u1 $0x0;
	s10 =	simm.s32 $0x0;
	s9 =	sadd.s32 $0x1, s8  }
.LBB2_4:
0xc: {  	v6 =	vand.u32 $0x7F, v4;
	v3 =	vsel vm1, $0xFFFFDE00, v3  }
0xd: {  	v5 =	vmul.u32 $0x2200, v5;
	vm1 =	vmmov vm2;
	v56 =	vshll.u32 v4, $0x2  }
0xe: {  	v7 =	vand.u32 $0xF, v1;
	v2 =	vshll.u32 v2, $0x7;
	v57 =	vshrl.u32 v1, $0x4  }
0xf: {  	v58 =	vshrl.u32 v1, $0x6;
	v3 =	vor.u32 v3, v6;
	v4 =	vand.u32 $0xFFFFFE00, v56  }
0x10: {  	v2 =	vand.u32 $0x180, v2;
	v3 =	vadd.s32 v5, v3;
	v5 =	vand.u32 $0x3, v57  }
0x11: {  	v1 =	vand.u32 $0xFFF, v58;
	v59 =	vmul.u32 $0x2200, v7;
	v5 =	vsel vm1, $0xFFFFFFFF, v5  }
0x12: {  	v1 =	vsel vm1, $0xFFFFFFFF, v1;
	v3 =	vadd.s32 v4, v3;
	v60 =	vshrl.u32 v5, $0x2  }
0x13: {  	v61 =	vand.u32 $0x7F, v1;
	v6 =	vsel vm1, $0xFFFFDE00, v59;
	v4 =	vmul.u32 $0x2200, v60  }
0x14: {  	v1 =	vshll.u32 v1, $0x2;
	v2 =	vor.u32 v2, v3;
	v62 =	vor.u32 v6, v61  }
0x15: {  	v1 =	vand.u32 $0xFFFFFE00, v1;
	v5 =	vshll.u32 v5, $0x7;
	v3 =	vadd.s32 v4, v62  }
0x16: {  	v63 =	vand.u32 $0x180, v5;
	v1 =	vadd.s32 v1, v3  }
0x17: {  	(ifvalue) =	ssetifvalue $0x7FFFFFFF;
	s15 =	sadd.s32 $0x10, s15;
	v1 =	vor.u32 v63, v1  }
0x18: {  	[tilespmem:s15], [sflag:$0x1] =	stream.indirect_vreg.gather [hbm4b:s3+s10], $0x1, v0, vm0, $0x4038;
	[tilespmem:$0x4000] =	vst v63  }
0x19: {  	(ifvalue) =	ssetifvalue $0x7FFFFFFF;
	s15 =	sadd.s32 $0x10, s15  }
0x1a: {  	[tilespmem:s15], [sflag:$0x1] =	stream.indirect_vreg.gather [hbm4b:s3+s10], $0x1, v2, vm0, $0x4038;
	[tilespmem:$0x4000] =	vst v63  }
0x1b: {  	(ifvalue) =	ssetifvalue $0x7FFFFFFF;
	s15 =	sadd.s32 $0x10, s15  }
0x1c: {  	[tilespmem:s15], [sflag:$0x1] =	stream.indirect_vreg.gather [hbm4b:s3+s10], $0x1, v1, vm0, $0x4038;
	[tilespmem:$0x4000] =	vst v63  }
0x1d: {  	_ =	swait.ge [sflag:s6], $0x1000  }
0x1e: {  	s30 =	sshrl.u32 s13, $0x3;
	[sflag:s6] =	ssyncset.done $0x0  }
0x1f: {  	s31 =	sand.u32 $0x7, s13;
	s15 =	sadd.s32 s5, s30;
	[sflag:s6] =	ssyncadd.s32 $0xFFFFF000  }
0x20: {  	[hbm4b:s15+s31] =	stream.linear.scatter [tilespmem:s14], [sflag:$0x3], $0x1000, $0x38;
	[tilespmem:$0x4000] =	vst v63  }
.LBB2_5:
0x21: {  	s15 =	sadd.s32 $0x20000, s11  }
0x22: {  	p2 =	sgt.s32 s15, $0x21FFF  }
0x23: {  	s15 =	smov.u32 @p2 s2;
	p2 =	sne.s32 s12, s9  }
.Ltmp1:
0x24: {  	p1 =	slt.u32 s12, $0x2;
	(pc) =	sbr.rel @!p2 .LBB2_6-.Ltmp1, $4  }
0x25: {  	s14 =	simm.s32 @!p1 $0x3  }
0x26: {  	s16 =	sadd.s32 $0x1, s12;
	_ =	swait.ge @!p1 [sflag:s14], $0x1000  }
0x27: {  	s13 =	smov.u32 s11;
	p0 =	por !p0, !p0;
	[sflag:s14] =	ssyncset.done @!p1 $0x0  }
0x28: {  	s12 =	smov.u32 s16;
	s11 =	smov.u32 s15;
	[sflag:s14] =	ssyncadd.s32 @!p1 $0xFFFFF000  }
.LBB2_1:
0x29: {  	p1 =	sge.u32 s12, s8  }
0x2a: {  	s14 =	sxor.u32 @!p1 $0xFFFFFFFF, s12  }
0x2b: {  	s31 =	sadd.s32 $0xFFFFFFFF, s12;
	s15 =	sshrl.u32 @!p1 s11, $0x3;
	s14 =	sshll.u32 @!p1 s14, $0xC  }
0x2c: {  	s16 =	sand.u32 @!p1 $0x7, s11;
	s15 =	sadd.s32 @!p1 s4, s15;
	s14 =	sand.u32 @!p1 $0x1000, s14  }
0x2d: {  	[tilespmem:s14], [sflag:$0x2] =	stream.linear.gather @!p1 [hbm4b:s15+s16], $0x1000, $0x38;
	[tilespmem:$0x4000] =	vst v63  }
0x2e: {  	p1 =	sge.u32 s31, s8  }
.Ltmp2:
0x2f: {  	_ = 	snop;
	(pc) =	sbr.rel @p1 .LBB2_5-.Ltmp2, $1  }
0x30: {  	_ =	sdelay $0x3  }
0x31: {  	s14 =	simm.s32 $0x1  }
0x32: {  	_ =	swait.ge [sflag:s7], $0x1000;
	s14 =	simm.s32 @!p0 $0x0  }
0x33: {  	[sflag:s7] =	ssyncset.done $0x0;
	s14 =	sshll.u32 s14, $0xC  }
0x34: {  	[sflag:s7] =	ssyncadd.s32 $0xFFFFF000;
	(ifvalue) =	ssetifvalue $0x7FFFFFFF;
	v0 =	vld.msk [tilespmem:s14+$0x0 ss:$0x1], $0xffff;
	_ =	sdelay $0x1  }
0x35: {  	s15 =	sadd.s32 $0x10, s14  }
0x36: {  	v1 =	vld.msk [tilespmem:s15+$0x0 ss:$0x1], $0xffff;
	s15 =	sadd.s32 $0x10, s15  }
0x37: {  	v6 =	vld.msk [tilespmem:s15+$0x0 ss:$0x1], $0xffff  }
0x38: {  	vm1 =	veq.s32 v0, $0x80000000;
	v2 =	vand.u32 $0xF, v0  }
0x39: {  	v3 =	vshrl.u32 v0, $0x4;
	v0 =	vshrl.u32 v0, $0x6;
	vm1 =	vmmov vm1  }
0x3a: {  	v3 =	vand.u32 $0x3, v3;
	v0 =	vand.u32 $0xFFF, v0;
	v2 =	vmul.u32 $0x2200, v2  }
0x3b: {  	vm2 =	veq.s32 v1, $0x80000000;
	v7 =	vand.u32 $0xF, v1;
	v3 =	vsel vm1, $0xFFFFFFFF, v3  }
0x3c: {  	v0 =	vsel vm1, $0xFFFFFFFF, v0;
	v8 =	vand.u32 $0xF, v6;
	v4 =	vshrl.u32 v3, $0x2  }
0x3d: {  	v5 =	vand.u32 $0x7F, v0;
	v2 =	vsel vm1, $0xFFFFDE00, v2;
	vm1 =	vmmov vm2  }
0x3e: {  	v0 =	vshll.u32 v0, $0x2;
	v3 =	vshll.u32 v3, $0x7;
	v4 =	vmul.u32 $0x2200, v4  }
0x3f: {  	v2 =	vor.u32 v2, v5;
	v0 =	vand.u32 $0xFFFFFE00, v0;
	v3 =	vand.u32 $0x180, v3  }
0x40: {  	v2 =	vadd.s32 v4, v2;
	v4 =	vshrl.u32 v1, $0x4;
	v1 =	vshrl.u32 v1, $0x6  }
0x41: {  	v0 =	vadd.s32 v0, v2;
	v2 =	vand.u32 $0x3, v4;
	v1 =	vand.u32 $0xFFF, v1  }
0x42: {  	v0 =	vor.u32 v3, v0;
	v2 =	vsel vm1, $0xFFFFFFFF, v2;
	v3 =	vmul.u32 $0x2200, v7  }
0x43: {  	vm2 =	veq.s32 v6, $0x80000000;
	v4 =	vsel vm1, $0xFFFFFFFF, v1;
	v1 =	vshrl.u32 v2, $0x2  }
0x44: {  	s17 =	sadd.s32 $0x10, s15;
	v5 =	vand.u32 $0x7F, v4;
	v3 =	vsel vm1, $0xFFFFDE00, v3;
	v7 =	vmul.u32 $0x2200, v1  }
0x45: {  	v4 =	vshll.u32 v4, $0x2;
	v2 =	vshll.u32 v2, $0x7;
	v1 =	vld.msk [tilespmem:s17+$0x0 ss:$0x1], $0xffff;
	v3 =	vor.u32 v3, v5  }
0x46: {  	vm1 =	vmmov vm2;
	v4 =	vand.u32 $0xFFFFFE00, v4;
	v3 =	vadd.s32 v7, v3  }
0x47: {  	s31 =	sshll.u32 s12, $0xC;
	s15 =	sor.u32 $0x2000, s14;
	(ifvalue) =	ssetifvalue $0x7FFFFFFF;
	v2 =	vand.u32 $0x180, v2;
	v5 =	vshrl.u32 v6, $0x4;
	v3 =	vadd.s32 v4, v3  }
0x48: {  	[tilespmem:s15], [sflag:$0x1] =	stream.indirect_vreg.gather [hbm4b:s3+s10], $0x1, v0, vm0, $0x4038;
	v4 =	vand.u32 $0x3, v5;
	v5 =	vshrl.u32 v6, $0x6;
	v0 =	vor.u32 v2, v3;
	[tilespmem:$0x4000] =	vst v63  }
0x49: {  	s14 =	sand.u32 $0x1000, s31;
	v2 =	vsel vm1, $0xFFFFFFFF, v4;
	v4 =	vand.u32 $0xFFF, v5;
	v3 =	vmul.u32 $0x2200, v8  }
0x4a: {  	s16 =	simm.s32 $0x30;
	s14 =	sor.u32 $0x2000, s14;
	s17 =	sadd.s32 $0x10, s17;
	vm2 =	veq.s32 v1, $0x80000000;
	v4 =	vsel vm1, $0xFFFFFFFF, v4;
	v5 =	vshrl.u32 v2, $0x2  }
.LBB2_3:
0x4b: {  	v7 =	vand.u32 $0x7F, v4  }
0x4c: {  	v6 =	vld.msk [tilespmem:s17+$0x0 ss:$0x1], $0xffff;
	v3 =	vsel vm1, $0xFFFFDE00, v3;
	v5 =	vmul.u32 $0x2200, v5;
	vm1 =	vmmov vm2;
	s16 =	sadd.s32 $0x10, s16  }
0x4d: {  	v8 =	vand.u32 $0xF, v1;
	v4 =	vshll.u32 v4, $0x2;
	s15 =	sadd.s32 $0x10, s15;
	v3 =	vor.u32 v3, v7;
	(ifvalue) =	ssetifvalue $0x7FFFFFFF;
	p1 =	slt.u32 s16, $0xFF0  }
0x4e: {  	[tilespmem:s15], [sflag:$0x1] =	stream.indirect_vreg.gather [hbm4b:s3+s10], $0x1, v0, vm0, $0x4038;
	[tilespmem:$0x4000] =	vst v63  }
.Ltmp3:
0x4f: {  	v2 =	vshll.u32 v2, $0x7;
	v4 =	vand.u32 $0xFFFFFE00, v4;
	v3 =	vadd.s32 v5, v3;
	(pc) =	sbr.rel @p1 .LBB2_3-.Ltmp3, $4  }
0x50: {  	v2 =	vand.u32 $0x180, v2;
	v0 =	vshrl.u32 v1, $0x4;
	v3 =	vadd.s32 v4, v3  }
0x51: {  	v9 =	vshrl.u32 v1, $0x6;
	v4 =	vand.u32 $0x3, v0;
	v0 =	vor.u32 v2, v3  }
0x52: {  	v7 =	vand.u32 $0xFFF, v9;
	v2 =	vsel vm1, $0xFFFFFFFF, v4;
	v3 =	vmul.u32 $0x2200, v8  }
0x53: {  	s17 =	sadd.s32 $0x10, s17;
	v4 =	vsel vm1, $0xFFFFFFFF, v7;
	vm2 =	veq.s32 v6, $0x80000000;
	v5 =	vshrl.u32 v2, $0x2;
	v1 =	vmovc v6  }
.Ltmp4:
0x54: {  	_ = 	snop;
	(pc) =	sbr.rel .LBB2_4-.Ltmp4, $1  }
0x55: {  	_ =	sdelay $0x3  }
.LBB2_6:
0x56: {  	_ =	sfence.sel $0x180000  }
0x57: {  	s2 =	simm.s32 $0x2;
	[bflag:$0x0] =	sbarrier.arrive $0xFFFF  }
0x58: {  	s30 =	simm.s32 $0x3;
	[sflag:s2] =	ssyncpa.u1 $0x1  }
0x59: {  	s31 =	simm.s32 $0x1;
	[sflag:s30] =	ssyncpa.u1 $0x1  }
0x5a: {  	[sflag:s31] =	ssyncpa.u1 $0x1  }
0x5b: {  	p0 =	sne.s32 s1, $0x0;
	_ =	strace $0x9000005F  }
0x5c: {  	s0 =	sadd.s32 @!p0 $0x100000, s0;
	[bflag:$0x2] =	sbarrier.arrive $0xFFFF  }
0x5d: {  	[sflag:s0] =	ssyncadd.tile.s32 @!p0 $0x1;
	_ =	shalt  }
.Lfunc_end2:
_tile_overlayer_lowered:
.L_overlay_start_2:
0x5e: {  	(tag) =	ssettag $0x2  }
0x5f: {  	s0 =	rddreg [dreg:$0x0];
	s2 =	stileid.u32  }
0x60: {  	s1 =	rddreg [dreg:$0x1];
	p0 =	sne.s32 s2, $0x0  }
0x61: {  	s3 =	rddreg [dreg:$0x2];
	[bflag:$0x3] =	sbarrier.arrive $0xFFFF;
	s2 =	simm.s32 @!p0 $0x1C01  }
0x62: {  	[timem:s3], [sflag:s2] =	dma.local @!p0 [hbm:s0], s1  }
0x63: {  	s0 =	simm.s32 @!p0 $0x1  }
0x64: {  	_ =	swait.ge @!p0 [sflag:s0], s1  }
0x65: {  	s1 =	ssub.s32 @!p0 $0x0, s1;
	[sflag:s0] =	ssyncset.done @!p0 $0x0  }
0x66: {  	[sflag:s0] =	ssyncadd.s32 @!p0 s1  }
0x67: {  	[bflag:$0x3] =	sbarrier.arrive $0xFFFF  }
0x68: {  	_ =	shalt  }

// kernel: gather_offload_async_start.7
scs
__scs_entry_jumppad:
0x0: {  	(pc) =	sbr.rel $0x88, $3  }
0x1: {  	(tag) =	ssettag $0x0;
	lr =	simm.s32 $0x1  }
0x2: {  	[smem:$0x3F92] =	sst lr;
	_ =	strace $0xD0000000  }
0x3: {  	_ = 	snop  }
0x4: {  	_ = 	snop  }
0x5: {  	_ = 	snop  }
0x6: {  	_ = 	snop  }
0x7: {  	_ = 	snop  }
__scs_overlays_trampoline_lowered:
0x8: {  	[smem:$0x3FA1] =	sst s0  }
0x9: {  	[smem:$0x3FA2] =	sst s1  }
0xa: {  	[smem:$0x3FA3] =	sst s2  }
0xb: {  	[smem:$0x3FA4] =	sst s3  }
0xc: {  	[smem:$0x3FA5] =	sst s4  }
0xd: {  	[smem:$0x3FA6] =	sst s5  }
0xe: {  	[smem:$0x3FA7] =	sst s6  }
0xf: {  	[smem:$0x3FA8] =	sst s7  }
0x10: {  	[smem:$0x3FA9] =	sst s8  }
0x11: {  	[smem:$0x3FAA] =	sst s9;
	s0 =	simm.s32 @!p0 $0x0  }
0x12: {  	s1 =	sld [smem:$0x3F90];
	s0 =	simm.s32 @p0 $0x1  }
0x13: {  	[smem:$0x3FAB] =	sst s0;
	s0 =	simm.s32 @!p1 $0x0  }
0x14: {  	s2 =	sld [smem:$0x3F8F];
	s0 =	simm.s32 @p1 $0x1  }
0x15: {  	[smem:$0x3FAC] =	sst s0;
	s0 =	simm.s32 @!p2 $0x0  }
0x16: {  	s3 =	sld [smem:$0x3FDB];
	s0 =	simm.s32 @p2 $0x1  }
0x17: {  	s4 =	simm.s32 $0x1BF5;
	[smem:$0x3FAE] =	sst s0  }
0x18: {  	s0 =	sld [smem:$0x3F91];
	_ =	swait.ge [sflag:s4], $0x0  }
0x19: {  	s7 =	sld [smem:$0x3F92]  }
0x1a: {  	s8 =	sadd.s32 $0xFFFFE003, lr  }
0x1b: {  	s9 =	sadd.s32 $0xFFFFFEF7, lr;
	s5 =	simm.s32 $0xFFFFFFFF;
	p2 =	slt.u32 s8, $0xFFFFF086  }
0x1c: {  	p1 =	slt.u32 s9, $0xF7A;
	s5 =	simm.s32 @!p2 $0x0  }
0x1d: {  	s5 =	simm.s32 @p1 $0x1;
	p0 =	seq.s32 s7, s2  }
0x1e: {  	s7 =	smul.u32 @!p0 $0xF7A, s2;
	p2 =	seq.s32 @!p0 s5, $0x0  }
0x1f: {  	s9 =	smul.u32 $0xF7A, s1;
	s8 =	simm.s32 @!p0 $0x1BF5;
	p2 =	por !p2, p0  }
0x20: {  	[sflag:s8] =	ssyncset.s32 @!p0 $0xFFFFF086;
	s6 =	sadd.s32 @!p0 s3, s7;
	s7 =	simm.s32 @!p0 $0x108  }
0x21: {  	s3 =	sadd.s32 s3, s9;
	s6 =	sadd.s32 @!p0 $0x88, s6;
	s7 =	simm.s32 @p2 $0x1082  }
0x22: {  	[simem:s7], [sflag:s8] =	dma.local @!p0 [hbm:s6], $0xF7A  }
0x23: {  	s9 =	sor.u32 $0xD0000000, s2;
	s6 =	simm.s32 $0x108;
	_ =	swait.ge @!p0 [sflag:s8], $0x0  }
0x24: {  	s3 =	sadd.s32 $0x88, s3;
	s6 =	simm.s32 @!p1 $0x1082;
	[sflag:s4] =	ssyncset.s32 $0xFFFFF086  }
0x25: {  	[simem:s6], [sflag:s4] =	dma.local [hbm:s3], $0xF7A  }
0x26: {  	[smem:$0x3F92] =	sst s1;
	(tag) =	ssettag s2;
	_ =	strace s9  }
0x27: {  	s1 =	sld [smem:$0x3FA2]  }
0x28: {  	s2 =	sld [smem:$0x3FA3]  }
0x29: {  	s4 =	sld [smem:$0x3FA5]  }
0x2a: {  	p0 =	seq.s32 s5, $0x0;
	s5 =	sld [smem:$0x3FA6]  }
0x2b: {  	s6 =	sld [smem:$0x3FA7]  }
0x2c: {  	s7 =	sld [smem:$0x3FA8]  }
0x2d: {  	s3 =	simm.s32 $0x108;
	s8 =	sld [smem:$0x3FA9]  }
0x2e: {  	s3 =	simm.s32 @!p0 $0x1082;
	s9 =	sld [smem:$0x3FAA]  }
0x2f: {  	lr =	sadd.s32 s0, s3;
	s0 =	sld [smem:$0x3FA1]  }
0x30: {  	s3 =	sld [smem:$0x3FA4]  }
0x31: {  	[smem:$0x3FAD] =	sst s10  }
0x32: {  	s10 =	sld [smem:$0x3FAB];
	_ =	sdelay $0x3  }
0x33: {  	p0 =	seq.s32 s10, $0x1;
	s10 =	sld [smem:$0x3FAD];
	_ =	sdelay $0x3  }
0x34: {  	[smem:$0x3FAD] =	sst s10  }
0x35: {  	s10 =	sld [smem:$0x3FAC];
	_ =	sdelay $0x3  }
0x36: {  	p1 =	seq.s32 s10, $0x1;
	s10 =	sld [smem:$0x3FAD];
	_ =	sdelay $0x3  }
0x37: {  	[smem:$0x3FAD] =	sst s10  }
0x38: {  	s10 =	sld [smem:$0x3FAE]  }
0x39: {  	_ = 	snop;
	(pc) =	sbr.ind lr, $3  }
0x3a: {  	_ = 	snop  }
0x3b: {  	_ = 	snop  }
0x3c: {  	p2 =	seq.s32 s10, $0x1;
	s10 =	sld [smem:$0x3FAD]  }
0x3d: {  	_ =	shalt  }
0x3e: {  	_ =	shalt  }
0x3f: {  	_ =	shalt  }
0x40: {  	_ =	shalt  }
0x41: {  	_ =	shalt  }
0x42: {  	_ =	shalt  }
0x43: {  	_ =	shalt  }
0x44: {  	_ =	shalt  }
0x45: {  	_ =	shalt  }
0x46: {  	_ =	shalt  }
0x47: {  	_ =	shalt  }
0x48: {  	_ =	shalt  }
0x49: {  	_ =	shalt  }
0x4a: {  	_ =	shalt  }
0x4b: {  	_ =	shalt  }
0x4c: {  	_ =	shalt  }
0x4d: {  	_ =	shalt  }
0x4e: {  	_ =	shalt  }
0x4f: {  	_ =	shalt  }
0x50: {  	_ =	shalt  }
0x51: {  	_ =	shalt  }
0x52: {  	_ =	shalt  }
0x53: {  	_ =	shalt  }
0x54: {  	_ =	shalt  }
0x55: {  	_ =	shalt  }
0x56: {  	_ =	shalt  }
0x57: {  	_ =	shalt  }
0x58: {  	_ =	shalt  }
0x59: {  	_ =	shalt  }
0x5a: {  	_ =	shalt  }
0x5b: {  	_ =	shalt  }
0x5c: {  	_ =	shalt  }
0x5d: {  	_ =	shalt  }
0x5e: {  	_ =	shalt  }
0x5f: {  	_ =	shalt  }
0x60: {  	_ =	shalt  }
0x61: {  	_ =	shalt  }
0x62: {  	_ =	shalt  }
0x63: {  	_ =	shalt  }
0x64: {  	_ =	shalt  }
0x65: {  	_ =	shalt  }
0x66: {  	_ =	shalt  }
0x67: {  	_ =	shalt  }
0x68: {  	_ =	shalt  }
0x69: {  	_ =	shalt  }
0x6a: {  	_ =	shalt  }
0x6b: {  	_ =	shalt  }
0x6c: {  	_ =	shalt  }
0x6d: {  	_ =	shalt  }
0x6e: {  	_ =	shalt  }
0x6f: {  	_ =	shalt  }
0x70: {  	_ =	shalt  }
0x71: {  	_ =	shalt  }
0x72: {  	_ =	shalt  }
0x73: {  	_ =	shalt  }
0x74: {  	_ =	shalt  }
0x75: {  	_ =	shalt  }
0x76: {  	_ =	shalt  }
0x77: {  	_ =	shalt  }
0x78: {  	_ =	shalt  }
0x79: {  	_ =	shalt  }
0x7a: {  	_ =	shalt  }
0x7b: {  	_ =	shalt  }
0x7c: {  	_ =	shalt  }
0x7d: {  	_ =	shalt  }
0x7e: {  	_ =	shalt  }
0x7f: {  	_ =	shalt  }
0x80: {  	_ =	shalt  }
0x81: {  	_ =	shalt  }
0x82: {  	_ =	shalt  }
0x83: {  	_ =	shalt  }
0x84: {  	_ =	shalt  }
0x85: {  	_ =	shalt  }
0x86: {  	_ =	shalt  }
0x87: {  	_ =	shalt  }
.Lfunc_end0:
.L_simem_size_0:
called_computation.11_lowered:
.L_overlay_start_0:
0x88: {  	s2 =	sld [smem:$0x3FD9]  }
0x89: {  	s3 =	sld [smem:$0x3FFE];
	_ =	sdelay $0x1  }
0x8a: {  	s1 =	srdreg.scid  }
0x8b: {  	s0 =	sand.u32 $0x1, s1  }
0x8c: {  	s17 =	sshll.u32 s0, $0xA;
	s2 =	sadd.s32 s3, s2  }
0x8d: {  	s2 =	sadd.s32 s2, s17  }
0x8e: {  	[smem:$0x3FB9] =	sst s2  }
0x8f: {  	_ = 	snop  }
0x90: {  	s18 =	sld [smem:$0x3FD0];
	(tm) =	ssettm $0x1  }
0x91: {  	s19 =	sld [smem:$0x3FFB];
	_ =	sdelay $0x3  }
0x92: {  	_ =	strace s19  }
0x93: {  	s2 =	sld [smem:$0x3FFC];
	_ =	sdelay $0x3  }
0x94: {  	_ =	strace s2  }
0x95: {  	s2 =	sld [smem:$0x3FFD];
	_ =	sdelay $0x3  }
0x96: {  	_ =	strace s2  }
0x97: {  	_ =	strace $0x8FFFFFFF  }
0x98: {  	s20 =	sld [smem:$0x3FDB];
	_ =	sdelay $0x1  }
0x99: {  	s4 =	simm.s32 $_scs_section_size  }
0x9a: {  	s5 =	simm.s32 $_size__tile_overlayer_lowered;
	s6 =	simm.s32 $_tile_overlayer_lowered  }
0x9b: {  	s7 =	simm.s32 $0x1BFF;
	s21 =	sshll.u32 s6, $0x1;
	s4 =	sadd.s32 s4, s20  }
0x9c: {  	s22 =	simm.s32 $0x0;
	s5 =	sshll.u32 s5, $0x1;
	s6 =	sadd.s32 s21, s4  }
0x9d: {  	[timem:s22], [sflag:s7] =	dma.local [hbm:s6], s5  }
0x9e: {  	_ =	swait.ge [sflag:s7], s5  }
0x9f: {  	s5 =	ssub.s32 $0x0, s5;
	[sflag:s7] =	ssyncset.done $0x0  }
0xa0: {  	[sflag:s7] =	ssyncadd.s32 s5;
	_ =	sdelay $0x1  }
0xa1: {  	s23 =	simm.s32 $0x1B8B  }
0xa2: {  	_ =	swait.ge [sflag:s23], $0x1  }
0xa3: {  	[sflag:s23] =	ssyncset.done $0x0  }
0xa4: {  	[sflag:s23] =	ssyncadd.s32 $0xFFFFFFFF  }
0xa5: {  	s5 =	sld [smem:$0x0]  }
0xa6: {  	s6 =	sand.u32 $0xFFFFFFFE, s1  }
0xa7: {  	p0 =	sne.s32 s1, s6  }
0xa8: {  	s6 =	sshll.u32 @p0 s6, $0xE  }
0xa9: {  	s6 =	sadd.s32 @p0 $0x11B8D, s6;
	s7 =	sshll.u32 @p0 s5, $0x11  }
0xaa: {  	s6 =	sor.u32 @p0 s7, s6  }
0xab: {  	[sflag:s6] =	ssyncadd.remote.s32 @p0 $0x1;
	_ =	sdelay $0x1  }
0xac: {  	s6 =	simm.s32 @p0 $0x1B8D  }
0xad: {  	_ =	swait.eq @p0 [sflag:s6], $0x1  }
0xae: {  	[sflag:s6] =	ssyncadd.s32 @p0 $0xFFFFFFFF  }
0xaf: {  	s7 =	sshll.u32 @!p0 s1, $0xE  }
0xb0: {  	s7 =	sor.u32 @!p0 $0x4000, s7;
	s6 =	simm.s32 @!p0 $0x1B8D  }
0xb1: {  	s5 =	sshll.u32 @!p0 s5, $0x11;
	s7 =	sadd.s32 @!p0 $0x11B8D, s7;
	_ =	swait.eq @!p0 [sflag:s6], $0x1  }
0xb2: {  	s5 =	sor.u32 @!p0 s5, s7;
	[sflag:s6] =	ssyncadd.s32 @!p0 $0xFFFFFFFF  }
0xb3: {  	s25 =	simm.s32 $0x1B8E;
	s24 =	sld [smem:$0x3FFE];
	[sflag:s5] =	ssyncadd.remote.s32 @!p0 $0x1  }
0xb4: {  	s26 =	simm.s32 $execute0_lowered;
	[smem:$0x3FD2] =	sst s25  }
0xb5: {  	s6 =	sshll.u32 s26, $0x1;
	_ =	strace $0x8000006A;
	[dreg:$0x1] =	wrdreg $0xFFFFFFFF  }
0xb6: {  	s28 =	simm.s32 $_size_execute0_lowered;
	s4 =	sadd.s32 s4, s6;
	[dreg:$0x0] =	wrdreg $0x0  }
0xb7: {  	s6 =	sshll.u32 s28, $0x1;
	[dreg:$0x2] =	wrdreg s4  }
0xb8: {  	[dreg:$0x3] =	wrdreg s6  }
0xb9: {  	[dreg:$0x4] =	wrdreg $0xC0  }
0xba: {  	_ =	task [dreg:s22], $0x5FFFF  }
0xbb: {  	[dreg:$0x1] =	wrdreg $0xFFFFFFFF  }
0xbc: {  	[dreg:$0x0] =	wrdreg $0x60  }
0xbd: {  	[dreg:$0x2] =	wrdreg s24  }
0xbe: {  	[dreg:$0x3] =	wrdreg s18  }
0xbf: {  	[dreg:$0x4] =	wrdreg $0x9  }
0xc0: {  	_ =	task.clear_ibuf [dreg:s22], $0x5FFFF;
	_ =	strace $0x9000006A  }
0xc1: {  	s29 =	simm.s32 $0x9;
	_ =	strace $0x8000006C  }
0xc2: {  	_ =	swait.ge [sflag:s29], $0x1  }
0xc3: {  	[sflag:s29] =	ssyncadd.s32 $0xFFFFFFFF  }
0xc4: {  	_ =	strace $0x9000006C  }
0xc5: {  	_ =	sfence  }
0xc6: {  	s30 =	sld [smem:$0x0];
	_ =	sdelay $0x2  }
0xc7: {  	s31 =	sshll.u32 s1, $0xD;
	s1 =	sshrl.u32 s1, $0x2  }
0xc8: {  	s4 =	sand.u32 $0x4000, s31;
	s1 =	sadd.s32 s1, s30  }
0xc9: {  	s0 =	sor.u32 s4, s0;
	s1 =	sshll.u32 s1, $0x11  }
0xca: {  	s0 =	sor.u32 s1, s0  }
0xcb: {  	s0 =	sadd.s32 $0x8F2B, s0  }
0xcc: {  	[sflag:s0] =	ssyncadd.remote.s32 $0x1  }
0xcd: {  	_ =	sfence.sel $0xFFFF  }
0xce: {  	[dreg:$0x0] =	wrdreg $0xFFFFFFFF;
	(pc) =	sbr.abs _section_cstart, $3  }
0xcf: {  	[dreg:$0x1] =	wrdreg $0xFFFFFFFF  }
0xd0: {  	_ =	task.clear_ibuf [dreg:s22], $0x2FFFF;
	_ =	strace $0x9FFFFFFF  }
0xd1: {  	(tm) =	ssettm $0x7FFFFFFF  }
tec
execute0_lowered:
.L_overlay_start_1:
0x0: {  	(tag) =	ssettag $0x1  }
0x1: {  	s7 =	rddreg [dreg:$0x0]  }
0x2: {  	s0 =	srdreg.scid;
	s2 =	rddreg [dreg:$0x1]  }
0x3: {  	s1 =	stileid.u32;
	s5 =	simm.s32 $0x2;
	s9 =	simm.s32 $0x3  }
0x4: {  	s3 =	sshll.u32 s0, $0x4;
	s0 =	rddreg [dreg:$0x2];
	_ =	strace $0x8000006B  }
.Ltmp0:
0x5: {  	s4 =	sand.u32 $0x10, s3;
	s3 =	simm.s32 $0x1;
	(pc) =	sbr.rel .LBB2_1-.Ltmp0, $4  }
0x6: {  	s11 =	simm.s32 $0x0;
	s4 =	sor.u32 s1, s4;
	[sflag:s3] =	ssyncpa.u1 $0x0  }
0x7: {  	p0 =	por $0x0, $0x0;
	s4 =	smul.u32 $0x1100, s4;
	[sflag:s5] =	ssyncpa.u1 $0x0  }
0x8: {  	s6 =	sadd.s32 $0x46EE00, s7;
	s7 =	sadd.s32 $0x54200, s7;
	[sflag:s9] =	ssyncpa.u1 $0x0  }
0x9: {  	vm0 =	vmmov $0xff;
	vm1 =	vcmask $0x3F20;
	s9 =	simm.s32 $0x0;
	s8 =	sadd.s32 $0x1100, s4;
	s10 =	smov.u32 s4  }
.LBB2_6:
0xa: {  	[hbm:s15] =	stream.linear.scatter [tilespmem:s12], [sflag:$0x3], $0x400, $0x38;
	[tilespmem:$0x10200] =	vst v63  }
.LBB2_7:
0xb: {  	p1 =	slt.u32 s9, $0x2;
	s11 =	sadd.s32 $0x100, s10  }
0xc: {  	s13 =	smov.u32 s4;
	s9 =	sadd.s32 $0x1, s9;
	p2 =	slt.s32 s11, s8  }
0xd: {  	s13 =	smov.u32 @p2 s11;
	p2 =	sne.s32 s9, $0x13  }
.Ltmp1:
0xe: {  	_ = 	snop;
	(pc) =	sbr.rel @!p2 .LBB2_8-.Ltmp1, $4  }
0xf: {  	s12 =	simm.s32 @!p1 $0x3  }
0x10: {  	_ =	swait.ge @!p1 [sflag:s12], $0x8000  }
0x11: {  	p0 =	por !p0, !p0;
	[sflag:s12] =	ssyncset.done @!p1 $0x0  }
0x12: {  	s11 =	smov.u32 s10;
	s10 =	smov.u32 s13;
	[sflag:s12] =	ssyncadd.s32 @!p1 $0xFFFF8000  }
.LBB2_1:
0x13: {  	p1 =	sgt.u32 s9, $0x10  }
0x14: {  	s12 =	sxor.u32 @!p1 $0xFFFFFFFF, s9  }
0x15: {  	s31 =	sadd.s32 $0xFFFFFFFF, s9;
	s13 =	sshrl.u32 @!p1 s10, $0x3;
	s12 =	sshll.u32 @!p1 s12, $0x8  }
0x16: {  	s14 =	sand.u32 @!p1 $0x7, s10;
	s13 =	sadd.s32 @!p1 s7, s13;
	s12 =	sand.u32 @!p1 $0x100, s12  }
0x17: {  	[tilespmem:s12], [sflag:$0x2] =	stream.linear.gather @!p1 [hbm4b:s13+s14], $0x100, $0x38;
	[tilespmem:$0x10200] =	vst v63  }
0x18: {  	p1 =	sgt.u32 s31, $0x10  }
.Ltmp2:
0x19: {  	_ = 	snop;
	(pc) =	sbr.rel @p1 .LBB2_7-.Ltmp2, $1  }
0x1a: {  	_ =	sdelay $0x3  }
0x1b: {  	s12 =	simm.s32 $0x1  }
0x1c: {  	_ =	swait.ge [sflag:s5], $0x100;
	s12 =	simm.s32 @!p0 $0x0  }
0x1d: {  	[sflag:s5] =	ssyncset.done $0x0;
	s14 =	sshll.u32 s12, $0x8  }
0x1e: {  	[sflag:s5] =	ssyncadd.s32 $0xFFFFFF00;
	s13 =	sadd.s32 $0x0, s14  }
0x1f: {  	v0 =	vld.msk [tilespmem:s13+$0x0 ss:$0x1], $0xffff;
	_ =	sdelay $0x4  }
0x20: {  	v1 =	vshrl.u32 v0, $0x4  }
0x21: {  	v2 =	vand.u32 $0xF, v0;
	v1 =	vand.u32 $0x3, v1  }
0x22: {  	v3 =	vshll.u32 v0, $0x1;
	v2 =	vmul.u32 $0x110000, v2;
	v1 =	vmul.u32 $0x44000, v1  }
0x23: {  	vm2 =	veq.s32 v0, $0x80000000;
	v0 =	vand.u32 $0x7FF80, v3  }
0x24: {  	v0 =	vsel vm2, $0xFFFFFF80, v0;
	v1 =	vadd.s32 v2, v1  }
0x25: {  	v2 =	vand.u32 $0xFFFFFC00, v0;
	v1 =	vsel vm2, $0xFFEAC000, v1  }
0x26: {  	v0 =	vand.u32 $0x380, v0;
	v1 =	vadd.s32 v2, v1  }
0x27: {  	v0 =	vor.u32 v0, v1  }
0x28: {  	v0 =	vshrl.u32 v0, $0x3;
	_ =	sdelay $0x2  }
0x29: {  	s12 =	sshll.u32 s12, $0xF  }
0x2a: {  	s12 =	sor.u32 $0x200, s12  }
0x2b: {  	[tilespmem:s12], [sflag:$0x1] =	stream.indirect_vreg.gather [hbm:s6], $0x80, v0, vm0, $0x38;
	[tilespmem:$0x10200] =	vst v63  }
0x2c: {  	s15 =	sadd.s32 $0x10, s14;
	s13 =	sadd.s32 $0x400, s12  }
0x2d: {  	[tilespmem:s13], [sflag:$0x1] =	stream.indirect_vreg.gather [hbm:s6], $0x80, v0, vm1, $0x38;
	[tilespmem:$0x10200] =	vst v63  }
0x2e: {  	s16 =	simm.s32 $0x80;
	v0 =	vld.msk [tilespmem:s15+$0x0 ss:$0x1], $0xffff;
	s15 =	smov.u32 s12  }
.LBB2_3:
0x2f: {  	p1 =	sne.s32 s16, $0x3C0;
	_ =	sdelay $0x4  }
0x30: {  	v1 =	vshrl.u32 v0, $0x4  }
0x31: {  	v2 =	vand.u32 $0xF, v0;
	v1 =	vand.u32 $0x3, v1  }
0x32: {  	v3 =	vshll.u32 v0, $0x1;
	v2 =	vmul.u32 $0x110000, v2;
	v1 =	vmul.u32 $0x44000, v1  }
0x33: {  	vm2 =	veq.s32 v0, $0x80000000;
	v0 =	vand.u32 $0x7FF80, v3  }
0x34: {  	v0 =	vsel vm2, $0xFFFFFF80, v0;
	v1 =	vadd.s32 v2, v1  }
0x35: {  	v2 =	vand.u32 $0xFFFFFC00, v0;
	v1 =	vsel vm2, $0xFFEAC000, v1  }
0x36: {  	v0 =	vand.u32 $0x380, v0;
	v1 =	vadd.s32 v2, v1  }
0x37: {  	v0 =	vor.u32 v0, v1  }
0x38: {  	v0 =	vshrl.u32 v0, $0x3;
	_ =	sdelay $0x3  }
.Ltmp3:
0x39: {  	s17 =	sshra.s32 s16, $0x2;
	s15 =	sadd.s32 $0x800, s15;
	(pc) =	sbr.rel @p1 .LBB2_3-.Ltmp3, $4  }
0x3a: {  	[tilespmem:s15], [sflag:$0x1] =	stream.indirect_vreg.gather [hbm:s6], $0x80, v0, vm0, $0x38;
	[tilespmem:$0x10200] =	vst v63  }
0x3b: {  	s17 =	sadd.s32 s17, s14;
	s18 =	sadd.s32 $0x400, s15  }
0x3c: {  	[tilespmem:s18], [sflag:$0x1] =	stream.indirect_vreg.gather [hbm:s6], $0x80, v0, vm1, $0x38;
	[tilespmem:$0x10200] =	vst v63  }
0x3d: {  	s16 =	sadd.s32 $0x40, s16;
	v0 =	vld.msk [tilespmem:s17+$0x0 ss:$0x1], $0xffff  }
0x3e: {  	_ =	sdelay $0x3  }
0x3f: {  	v1 =	vshrl.u32 v0, $0x4  }
0x40: {  	v2 =	vand.u32 $0xF, v0;
	v1 =	vand.u32 $0x3, v1  }
0x41: {  	v3 =	vshll.u32 v0, $0x1;
	v2 =	vmul.u32 $0x110000, v2;
	v1 =	vmul.u32 $0x44000, v1  }
0x42: {  	vm2 =	veq.s32 v0, $0x80000000;
	v62 =	vand.u32 $0x7FF80, v3  }
0x43: {  	v0 =	vsel vm2, $0xFFFFFF80, v62;
	v1 =	vadd.s32 v2, v1  }
0x44: {  	v63 =	vand.u32 $0xFFFFFC00, v0;
	v1 =	vsel vm2, $0xFFEAC000, v1  }
0x45: {  	v0 =	vand.u32 $0x380, v0;
	v1 =	vadd.s32 v63, v1  }
0x46: {  	v0 =	vor.u32 v0, v1  }
0x47: {  	v0 =	vshrl.u32 v0, $0x3;
	_ =	sdelay $0x3  }
0x48: {  	s14 =	sadd.s32 $0x800, s15  }
0x49: {  	[tilespmem:s14], [sflag:$0x1] =	stream.indirect_vreg.gather [hbm:s6], $0x80, v0, vm0, $0x38;
	[tilespmem:$0x10200] =	vst v63  }
0x4a: {  	s14 =	sadd.s32 $0x400, s14  }
0x4b: {  	[tilespmem:s14], [sflag:$0x1] =	stream.indirect_vreg.gather [hbm:s6], $0x80, v0, vm1, $0x38;
	[tilespmem:$0x10200] =	vst v63  }
0x4c: {  	s11 =	sshll.u32 s11, $0x4;
	_ =	swait.ge [sflag:s3], $0x8000  }
0x4d: {  	s11 =	sadd.s32 s11, s2;
	[sflag:s3] =	ssyncset.done $0x0  }
0x4e: {  	s15 =	sadd.s32 $0x0, s11;
	s14 =	simm.s32 $0x80;
	[sflag:s3] =	ssyncadd.s32 $0xFFFF8000  }
.LBB2_5:
0x4f: {  	[hbm:s15] =	stream.linear.scatter [tilespmem:s12], [sflag:$0x3], $0x400, $0x38;
	[tilespmem:$0x10200] =	vst v63  }
0x50: {  	s15 =	smov.u32 s14;
	s12 =	smov.u32 s13;
	p1 =	sne.s32 s14, $0xF80  }
.Ltmp4:
0x51: {  	s14 =	sadd.s32 $0x80, s14;
	(pc) =	sbr.rel @p1 .LBB2_5-.Ltmp4, $2  }
0x52: {  	_ =	sdelay $0x2  }
0x53: {  	s13 =	sadd.s32 $0x400, s13;
	s15 =	sadd.s32 s15, s11  }
.Ltmp5:
0x54: {  	_ = 	snop;
	(pc) =	sbr.rel .LBB2_6-.Ltmp5, $1  }
0x55: {  	_ =	sdelay $0x3  }
.LBB2_8:
0x56: {  	_ =	sfence.sel $0x180000  }
0x57: {  	s2 =	simm.s32 $0x2;
	[bflag:$0x0] =	sbarrier.arrive $0xFFFF  }
0x58: {  	s30 =	simm.s32 $0x3;
	[sflag:s2] =	ssyncpa.u1 $0x1  }
0x59: {  	s31 =	simm.s32 $0x1;
	[sflag:s30] =	ssyncpa.u1 $0x1  }
0x5a: {  	[sflag:s31] =	ssyncpa.u1 $0x1  }
0x5b: {  	p0 =	sne.s32 s1, $0x0;
	_ =	strace $0x9000006B  }
0x5c: {  	s0 =	sadd.s32 @!p0 $0x100000, s0;
	[bflag:$0x2] =	sbarrier.arrive $0xFFFF  }
0x5d: {  	[sflag:s0] =	ssyncadd.tile.s32 @!p0 $0x1;
	_ =	shalt  }
.Lfunc_end2:
_tile_overlayer_lowered:
.L_overlay_start_2:
0x5e: {  	(tag) =	ssettag $0x2  }
0x5f: {  	s0 =	rddreg [dreg:$0x0];
	s2 =	stileid.u32  }
0x60: {  	s1 =	rddreg [dreg:$0x1];
	p0 =	sne.s32 s2, $0x0  }
0x61: {  	s3 =	rddreg [dreg:$0x2];
	[bflag:$0x3] =	sbarrier.arrive $0xFFFF;
	s2 =	simm.s32 @!p0 $0x1C01  }
0x62: {  	[timem:s3], [sflag:s2] =	dma.local @!p0 [hbm:s0], s1  }
0x63: {  	s0 =	simm.s32 @!p0 $0x1  }
0x64: {  	_ =	swait.ge @!p0 [sflag:s0], s1  }
0x65: {  	s1 =	ssub.s32 @!p0 $0x0, s1;
	[sflag:s0] =	ssyncset.done @!p0 $0x0  }
0x66: {  	[sflag:s0] =	ssyncadd.s32 @!p0 s1  }
0x67: {  	[bflag:$0x3] =	sbarrier.arrive $0xFFFF  }
0x68: {  	_ =	shalt  }

// kernel: gather_offload_async_start.8
scs
__scs_entry_jumppad:
0x0: {  	(pc) =	sbr.rel $0x88, $3  }
0x1: {  	(tag) =	ssettag $0x0;
	lr =	simm.s32 $0x1  }
0x2: {  	[smem:$0x3F92] =	sst lr;
	_ =	strace $0xD0000000  }
0x3: {  	_ = 	snop  }
0x4: {  	_ = 	snop  }
0x5: {  	_ = 	snop  }
0x6: {  	_ = 	snop  }
0x7: {  	_ = 	snop  }
__scs_overlays_trampoline_lowered:
0x8: {  	[smem:$0x3FA1] =	sst s0  }
0x9: {  	[smem:$0x3FA2] =	sst s1  }
0xa: {  	[smem:$0x3FA3] =	sst s2  }
0xb: {  	[smem:$0x3FA4] =	sst s3  }
0xc: {  	[smem:$0x3FA5] =	sst s4  }
0xd: {  	[smem:$0x3FA6] =	sst s5  }
0xe: {  	[smem:$0x3FA7] =	sst s6  }
0xf: {  	[smem:$0x3FA8] =	sst s7  }
0x10: {  	[smem:$0x3FA9] =	sst s8  }
0x11: {  	[smem:$0x3FAA] =	sst s9;
	s0 =	simm.s32 @!p0 $0x0  }
0x12: {  	s1 =	sld [smem:$0x3F90];
	s0 =	simm.s32 @p0 $0x1  }
0x13: {  	[smem:$0x3FAB] =	sst s0;
	s0 =	simm.s32 @!p1 $0x0  }
0x14: {  	s2 =	sld [smem:$0x3F8F];
	s0 =	simm.s32 @p1 $0x1  }
0x15: {  	[smem:$0x3FAC] =	sst s0;
	s0 =	simm.s32 @!p2 $0x0  }
0x16: {  	s3 =	sld [smem:$0x3FDB];
	s0 =	simm.s32 @p2 $0x1  }
0x17: {  	s4 =	simm.s32 $0x1BF5;
	[smem:$0x3FAE] =	sst s0  }
0x18: {  	s0 =	sld [smem:$0x3F91];
	_ =	swait.ge [sflag:s4], $0x0  }
0x19: {  	s7 =	sld [smem:$0x3F92]  }
0x1a: {  	s8 =	sadd.s32 $0xFFFFE003, lr  }
0x1b: {  	s9 =	sadd.s32 $0xFFFFFEF7, lr;
	s5 =	simm.s32 $0xFFFFFFFF;
	p2 =	slt.u32 s8, $0xFFFFF086  }
0x1c: {  	p1 =	slt.u32 s9, $0xF7A;
	s5 =	simm.s32 @!p2 $0x0  }
0x1d: {  	s5 =	simm.s32 @p1 $0x1;
	p0 =	seq.s32 s7, s2  }
0x1e: {  	s7 =	smul.u32 @!p0 $0xF7A, s2;
	p2 =	seq.s32 @!p0 s5, $0x0  }
0x1f: {  	s9 =	smul.u32 $0xF7A, s1;
	s8 =	simm.s32 @!p0 $0x1BF5;
	p2 =	por !p2, p0  }
0x20: {  	[sflag:s8] =	ssyncset.s32 @!p0 $0xFFFFF086;
	s6 =	sadd.s32 @!p0 s3, s7;
	s7 =	simm.s32 @!p0 $0x108  }
0x21: {  	s3 =	sadd.s32 s3, s9;
	s6 =	sadd.s32 @!p0 $0x88, s6;
	s7 =	simm.s32 @p2 $0x1082  }
0x22: {  	[simem:s7], [sflag:s8] =	dma.local @!p0 [hbm:s6], $0xF7A  }
0x23: {  	s9 =	sor.u32 $0xD0000000, s2;
	s6 =	simm.s32 $0x108;
	_ =	swait.ge @!p0 [sflag:s8], $0x0  }
0x24: {  	s3 =	sadd.s32 $0x88, s3;
	s6 =	simm.s32 @!p1 $0x1082;
	[sflag:s4] =	ssyncset.s32 $0xFFFFF086  }
0x25: {  	[simem:s6], [sflag:s4] =	dma.local [hbm:s3], $0xF7A  }
0x26: {  	[smem:$0x3F92] =	sst s1;
	(tag) =	ssettag s2;
	_ =	strace s9  }
0x27: {  	s1 =	sld [smem:$0x3FA2]  }
0x28: {  	s2 =	sld [smem:$0x3FA3]  }
0x29: {  	s4 =	sld [smem:$0x3FA5]  }
0x2a: {  	p0 =	seq.s32 s5, $0x0;
	s5 =	sld [smem:$0x3FA6]  }
0x2b: {  	s6 =	sld [smem:$0x3FA7]  }
0x2c: {  	s7 =	sld [smem:$0x3FA8]  }
0x2d: {  	s3 =	simm.s32 $0x108;
	s8 =	sld [smem:$0x3FA9]  }
0x2e: {  	s3 =	simm.s32 @!p0 $0x1082;
	s9 =	sld [smem:$0x3FAA]  }
0x2f: {  	lr =	sadd.s32 s0, s3;
	s0 =	sld [smem:$0x3FA1]  }
0x30: {  	s3 =	sld [smem:$0x3FA4]  }
0x31: {  	[smem:$0x3FAD] =	sst s10  }
0x32: {  	s10 =	sld [smem:$0x3FAB];
	_ =	sdelay $0x3  }
0x33: {  	p0 =	seq.s32 s10, $0x1;
	s10 =	sld [smem:$0x3FAD];
	_ =	sdelay $0x3  }
0x34: {  	[smem:$0x3FAD] =	sst s10  }
0x35: {  	s10 =	sld [smem:$0x3FAC];
	_ =	sdelay $0x3  }
0x36: {  	p1 =	seq.s32 s10, $0x1;
	s10 =	sld [smem:$0x3FAD];
	_ =	sdelay $0x3  }
0x37: {  	[smem:$0x3FAD] =	sst s10  }
0x38: {  	s10 =	sld [smem:$0x3FAE]  }
0x39: {  	_ = 	snop;
	(pc) =	sbr.ind lr, $3  }
0x3a: {  	_ = 	snop  }
0x3b: {  	_ = 	snop  }
0x3c: {  	p2 =	seq.s32 s10, $0x1;
	s10 =	sld [smem:$0x3FAD]  }
0x3d: {  	_ =	shalt  }
0x3e: {  	_ =	shalt  }
0x3f: {  	_ =	shalt  }
0x40: {  	_ =	shalt  }
0x41: {  	_ =	shalt  }
0x42: {  	_ =	shalt  }
0x43: {  	_ =	shalt  }
0x44: {  	_ =	shalt  }
0x45: {  	_ =	shalt  }
0x46: {  	_ =	shalt  }
0x47: {  	_ =	shalt  }
0x48: {  	_ =	shalt  }
0x49: {  	_ =	shalt  }
0x4a: {  	_ =	shalt  }
0x4b: {  	_ =	shalt  }
0x4c: {  	_ =	shalt  }
0x4d: {  	_ =	shalt  }
0x4e: {  	_ =	shalt  }
0x4f: {  	_ =	shalt  }
0x50: {  	_ =	shalt  }
0x51: {  	_ =	shalt  }
0x52: {  	_ =	shalt  }
0x53: {  	_ =	shalt  }
0x54: {  	_ =	shalt  }
0x55: {  	_ =	shalt  }
0x56: {  	_ =	shalt  }
0x57: {  	_ =	shalt  }
0x58: {  	_ =	shalt  }
0x59: {  	_ =	shalt  }
0x5a: {  	_ =	shalt  }
0x5b: {  	_ =	shalt  }
0x5c: {  	_ =	shalt  }
0x5d: {  	_ =	shalt  }
0x5e: {  	_ =	shalt  }
0x5f: {  	_ =	shalt  }
0x60: {  	_ =	shalt  }
0x61: {  	_ =	shalt  }
0x62: {  	_ =	shalt  }
0x63: {  	_ =	shalt  }
0x64: {  	_ =	shalt  }
0x65: {  	_ =	shalt  }
0x66: {  	_ =	shalt  }
0x67: {  	_ =	shalt  }
0x68: {  	_ =	shalt  }
0x69: {  	_ =	shalt  }
0x6a: {  	_ =	shalt  }
0x6b: {  	_ =	shalt  }
0x6c: {  	_ =	shalt  }
0x6d: {  	_ =	shalt  }
0x6e: {  	_ =	shalt  }
0x6f: {  	_ =	shalt  }
0x70: {  	_ =	shalt  }
0x71: {  	_ =	shalt  }
0x72: {  	_ =	shalt  }
0x73: {  	_ =	shalt  }
0x74: {  	_ =	shalt  }
0x75: {  	_ =	shalt  }
0x76: {  	_ =	shalt  }
0x77: {  	_ =	shalt  }
0x78: {  	_ =	shalt  }
0x79: {  	_ =	shalt  }
0x7a: {  	_ =	shalt  }
0x7b: {  	_ =	shalt  }
0x7c: {  	_ =	shalt  }
0x7d: {  	_ =	shalt  }
0x7e: {  	_ =	shalt  }
0x7f: {  	_ =	shalt  }
0x80: {  	_ =	shalt  }
0x81: {  	_ =	shalt  }
0x82: {  	_ =	shalt  }
0x83: {  	_ =	shalt  }
0x84: {  	_ =	shalt  }
0x85: {  	_ =	shalt  }
0x86: {  	_ =	shalt  }
0x87: {  	_ =	shalt  }
.Lfunc_end0:
.L_simem_size_0:
called_computation.12_lowered:
.L_overlay_start_0:
0x88: {  	s2 =	sld [smem:$0x3FD9]  }
0x89: {  	s3 =	sld [smem:$0x3FFE];
	_ =	sdelay $0x1  }
0x8a: {  	s1 =	srdreg.scid  }
0x8b: {  	s0 =	sand.u32 $0x1, s1  }
0x8c: {  	s16 =	sshll.u32 s0, $0xA;
	s2 =	sadd.s32 s3, s2  }
0x8d: {  	s2 =	sadd.s32 s2, s16  }
0x8e: {  	[smem:$0x3FB9] =	sst s2  }
0x8f: {  	_ = 	snop  }
0x90: {  	(tm) =	ssettm $0x1  }
0x91: {  	s17 =	sld [smem:$0x3FFB];
	_ =	sdelay $0x3  }
0x92: {  	_ =	strace s17  }
0x93: {  	s2 =	sld [smem:$0x3FFC];
	_ =	sdelay $0x3  }
0x94: {  	_ =	strace s2  }
0x95: {  	s2 =	sld [smem:$0x3FFD];
	_ =	sdelay $0x3  }
0x96: {  	_ =	strace s2  }
0x97: {  	_ =	strace $0x8FFFFFFF  }
0x98: {  	s18 =	sld [smem:$0x3FDB];
	_ =	sdelay $0x1  }
0x99: {  	s19 =	simm.s32 $_scs_section_size  }
0x9a: {  	s4 =	simm.s32 $_size__tile_overlayer_lowered;
	s5 =	simm.s32 $_tile_overlayer_lowered  }
0x9b: {  	s22 =	simm.s32 $0x1BFF;
	s21 =	sshll.u32 s5, $0x1;
	s2 =	sadd.s32 s19, s18  }
0x9c: {  	s6 =	simm.s32 $0x0;
	s20 =	sshll.u32 s4, $0x1;
	s4 =	sadd.s32 s21, s2  }
0x9d: {  	[timem:s6], [sflag:s22] =	dma.local [hbm:s4], s20  }
0x9e: {  	_ =	swait.ge [sflag:s22], s20  }
0x9f: {  	s3 =	ssub.s32 $0x0, s20;
	[sflag:s22] =	ssyncset.done $0x0  }
0xa0: {  	[sflag:s22] =	ssyncadd.s32 s3;
	_ =	sdelay $0x1  }
0xa1: {  	s23 =	simm.s32 $0x1B8B  }
0xa2: {  	_ =	swait.ge [sflag:s23], $0x1  }
0xa3: {  	[sflag:s23] =	ssyncset.done $0x0  }
0xa4: {  	s25 =	simm.s32 $0x1B8E;
	s24 =	sld [smem:$0x3FFE];
	[sflag:s23] =	ssyncadd.s32 $0xFFFFFFFF  }
0xa5: {  	s26 =	simm.s32 $execute0_lowered;
	[smem:$0x3FD2] =	sst s25  }
0xa6: {  	s4 =	sshll.u32 s26, $0x1;
	_ =	strace $0x80000067;
	[dreg:$0x1] =	wrdreg $0xFFFFFFFF  }
0xa7: {  	s28 =	simm.s32 $_size_execute0_lowered;
	s2 =	sadd.s32 s2, s4;
	[dreg:$0x0] =	wrdreg $0x0  }
0xa8: {  	s4 =	sshll.u32 s28, $0x1;
	[dreg:$0x2] =	wrdreg s2  }
0xa9: {  	[dreg:$0x3] =	wrdreg s4  }
0xaa: {  	[dreg:$0x4] =	wrdreg $0xC0  }
0xab: {  	_ =	task [dreg:s6], $0x5FFFF  }
0xac: {  	[dreg:$0x1] =	wrdreg $0xFFFFFFFF  }
0xad: {  	[dreg:$0x0] =	wrdreg $0x60  }
0xae: {  	[dreg:$0x2] =	wrdreg s24  }
0xaf: {  	[dreg:$0x3] =	wrdreg $0xA  }
0xb0: {  	_ =	task.clear_ibuf [dreg:s6], $0x4FFFF;
	_ =	strace $0x90000067  }
0xb1: {  	s29 =	simm.s32 $0xA;
	_ =	strace $0x80000069  }
0xb2: {  	_ =	swait.ge [sflag:s29], $0x1  }
0xb3: {  	[sflag:s29] =	ssyncadd.s32 $0xFFFFFFFF  }
0xb4: {  	_ =	strace $0x90000069  }
0xb5: {  	_ =	sfence  }
0xb6: {  	s30 =	sld [smem:$0x0];
	_ =	sdelay $0x2  }
0xb7: {  	s31 =	sshll.u32 s1, $0xD;
	s1 =	sshrl.u32 s1, $0x2  }
0xb8: {  	s3 =	sand.u32 $0x4000, s31;
	s1 =	sadd.s32 s1, s30  }
0xb9: {  	s0 =	sor.u32 s3, s0;
	s1 =	sshll.u32 s1, $0x11  }
0xba: {  	s0 =	sor.u32 s1, s0  }
0xbb: {  	s0 =	sadd.s32 $0x8F2B, s0  }
0xbc: {  	[sflag:s0] =	ssyncadd.remote.s32 $0x1  }
0xbd: {  	_ =	sfence.sel $0xFFFF  }
0xbe: {  	[dreg:$0x0] =	wrdreg $0xFFFFFFFF;
	(pc) =	sbr.abs _section_cstart, $3  }
0xbf: {  	[dreg:$0x1] =	wrdreg $0xFFFFFFFF  }
0xc0: {  	_ =	task.clear_ibuf [dreg:s6], $0x2FFFF;
	_ =	strace $0x9FFFFFFF  }
0xc1: {  	(tm) =	ssettm $0x7FFFFFFF  }
tec
execute0_lowered:
.L_overlay_start_1:
0x0: {  	(tag) =	ssettag $0x1  }
0x1: {  	s0 =	srdreg.scid;
	s5 =	rddreg [dreg:$0x0]  }
0x2: {  	s1 =	stileid.u32;
	s6 =	simm.s32 $0x1;
	s9 =	simm.s32 $0x1  }
0x3: {  	s10 =	simm.s32 $0x3;
	s13 =	simm.s32 $0x0;
	s2 =	sshll.u32 s0, $0xC  }
0x4: {  	s12 =	simm.s32 $0x0;
	s3 =	sshll.u32 s1, $0xD;
	s2 =	sand.u32 $0x1000, s2  }
0x5: {  	s0 =	rddreg [dreg:$0x1];
	_ =	strace $0x80000068;
	s2 =	sor.u32 s3, s2  }
0x6: {  	s4 =	sadd.s32 $0x4FE00, s5;
	[sflag:s6] =	ssyncpa.u1 $0x0;
	s8 =	ssub.s32 $0x22000, s2  }
.Ltmp0:
0x7: {  	s3 =	sadd.s32 $0x58600, s5;
	s7 =	sand.u32 $0x1F000, s8;
	(pc) =	sbr.rel .LBB2_1-.Ltmp0, $4  }
0x8: {  	s5 =	sadd.s32 $0x5CA00, s5;
	s11 =	smov.u32 s2;
	p0 =	sne.s32 s7, $0x0  }
0x9: {  	s8 =	sshrl.u32 s8, $0x11;
	s7 =	simm.s32 $0x2;
	s9 =	simm.s32 @!p0 $0x0  }
0xa: {  	[sflag:s7] =	ssyncpa.u1 $0x0;
	p0 =	por $0x0, $0x0;
	s8 =	sadd.s32 s9, s8  }
0xb: {  	vm0 =	vmmov $0xffff;
	[sflag:s10] =	ssyncpa.u1 $0x0;
	s10 =	simm.s32 $0x0;
	s9 =	sadd.s32 $0x1, s8  }
.LBB2_4:
0xc: {  	v6 =	vand.u32 $0x7F, v4;
	v3 =	vsel vm1, $0xFFFFDE00, v3  }
0xd: {  	v5 =	vmul.u32 $0x2200, v5;
	vm1 =	vmmov vm2;
	v56 =	vshll.u32 v4, $0x2  }
0xe: {  	v7 =	vand.u32 $0xF, v1;
	v2 =	vshll.u32 v2, $0x7;
	v57 =	vshrl.u32 v1, $0x4  }
0xf: {  	v58 =	vshrl.u32 v1, $0x6;
	v3 =	vor.u32 v3, v6;
	v4 =	vand.u32 $0xFFFFFE00, v56  }
0x10: {  	v2 =	vand.u32 $0x180, v2;
	v3 =	vadd.s32 v5, v3;
	v5 =	vand.u32 $0x3, v57  }
0x11: {  	v1 =	vand.u32 $0xFFF, v58;
	v59 =	vmul.u32 $0x2200, v7;
	v5 =	vsel vm1, $0xFFFFFFFF, v5  }
0x12: {  	v1 =	vsel vm1, $0xFFFFFFFF, v1;
	v3 =	vadd.s32 v4, v3;
	v60 =	vshrl.u32 v5, $0x2  }
0x13: {  	v61 =	vand.u32 $0x7F, v1;
	v6 =	vsel vm1, $0xFFFFDE00, v59;
	v4 =	vmul.u32 $0x2200, v60  }
0x14: {  	v1 =	vshll.u32 v1, $0x2;
	v2 =	vor.u32 v2, v3;
	v62 =	vor.u32 v6, v61  }
0x15: {  	v1 =	vand.u32 $0xFFFFFE00, v1;
	v5 =	vshll.u32 v5, $0x7;
	v3 =	vadd.s32 v4, v62  }
0x16: {  	v63 =	vand.u32 $0x180, v5;
	v1 =	vadd.s32 v1, v3  }
0x17: {  	(ifvalue) =	ssetifvalue $0x7FFFFFFF;
	s15 =	sadd.s32 $0x10, s15;
	v1 =	vor.u32 v63, v1  }
0x18: {  	[tilespmem:s15], [sflag:$0x1] =	stream.indirect_vreg.gather [hbm4b:s3+s10], $0x1, v0, vm0, $0x4038;
	[tilespmem:$0x4000] =	vst v63  }
0x19: {  	(ifvalue) =	ssetifvalue $0x7FFFFFFF;
	s15 =	sadd.s32 $0x10, s15  }
0x1a: {  	[tilespmem:s15], [sflag:$0x1] =	stream.indirect_vreg.gather [hbm4b:s3+s10], $0x1, v2, vm0, $0x4038;
	[tilespmem:$0x4000] =	vst v63  }
0x1b: {  	(ifvalue) =	ssetifvalue $0x7FFFFFFF;
	s15 =	sadd.s32 $0x10, s15  }
0x1c: {  	[tilespmem:s15], [sflag:$0x1] =	stream.indirect_vreg.gather [hbm4b:s3+s10], $0x1, v1, vm0, $0x4038;
	[tilespmem:$0x4000] =	vst v63  }
0x1d: {  	_ =	swait.ge [sflag:s6], $0x1000  }
0x1e: {  	s30 =	sshrl.u32 s13, $0x3;
	[sflag:s6] =	ssyncset.done $0x0  }
0x1f: {  	s31 =	sand.u32 $0x7, s13;
	s15 =	sadd.s32 s5, s30;
	[sflag:s6] =	ssyncadd.s32 $0xFFFFF000  }
0x20: {  	[hbm4b:s15+s31] =	stream.linear.scatter [tilespmem:s14], [sflag:$0x3], $0x1000, $0x38;
	[tilespmem:$0x4000] =	vst v63  }
.LBB2_5:
0x21: {  	s15 =	sadd.s32 $0x20000, s11  }
0x22: {  	p2 =	sgt.s32 s15, $0x21FFF  }
0x23: {  	s15 =	smov.u32 @p2 s2;
	p2 =	sne.s32 s12, s9  }
.Ltmp1:
0x24: {  	p1 =	slt.u32 s12, $0x2;
	(pc) =	sbr.rel @!p2 .LBB2_6-.Ltmp1, $4  }
0x25: {  	s14 =	simm.s32 @!p1 $0x3  }
0x26: {  	s16 =	sadd.s32 $0x1, s12;
	_ =	swait.ge @!p1 [sflag:s14], $0x1000  }
0x27: {  	s13 =	smov.u32 s11;
	p0 =	por !p0, !p0;
	[sflag:s14] =	ssyncset.done @!p1 $0x0  }
0x28: {  	s12 =	smov.u32 s16;
	s11 =	smov.u32 s15;
	[sflag:s14] =	ssyncadd.s32 @!p1 $0xFFFFF000  }
.LBB2_1:
0x29: {  	p1 =	sge.u32 s12, s8  }
0x2a: {  	s14 =	sxor.u32 @!p1 $0xFFFFFFFF, s12  }
0x2b: {  	s31 =	sadd.s32 $0xFFFFFFFF, s12;
	s15 =	sshrl.u32 @!p1 s11, $0x3;
	s14 =	sshll.u32 @!p1 s14, $0xC  }
0x2c: {  	s16 =	sand.u32 @!p1 $0x7, s11;
	s15 =	sadd.s32 @!p1 s4, s15;
	s14 =	sand.u32 @!p1 $0x1000, s14  }
0x2d: {  	[tilespmem:s14], [sflag:$0x2] =	stream.linear.gather @!p1 [hbm4b:s15+s16], $0x1000, $0x38;
	[tilespmem:$0x4000] =	vst v63  }
0x2e: {  	p1 =	sge.u32 s31, s8  }
.Ltmp2:
0x2f: {  	_ = 	snop;
	(pc) =	sbr.rel @p1 .LBB2_5-.Ltmp2, $1  }
0x30: {  	_ =	sdelay $0x3  }
0x31: {  	s14 =	simm.s32 $0x1  }
0x32: {  	_ =	swait.ge [sflag:s7], $0x1000;
	s14 =	simm.s32 @!p0 $0x0  }
0x33: {  	[sflag:s7] =	ssyncset.done $0x0;
	s14 =	sshll.u32 s14, $0xC  }
0x34: {  	[sflag:s7] =	ssyncadd.s32 $0xFFFFF000;
	(ifvalue) =	ssetifvalue $0x7FFFFFFF;
	v0 =	vld.msk [tilespmem:s14+$0x0 ss:$0x1], $0xffff;
	_ =	sdelay $0x1  }
0x35: {  	s15 =	sadd.s32 $0x10, s14  }
0x36: {  	v1 =	vld.msk [tilespmem:s15+$0x0 ss:$0x1], $0xffff;
	s15 =	sadd.s32 $0x10, s15  }
0x37: {  	v6 =	vld.msk [tilespmem:s15+$0x0 ss:$0x1], $0xffff  }
0x38: {  	vm1 =	veq.s32 v0, $0x80000000;
	v2 =	vand.u32 $0xF, v0  }
0x39: {  	v3 =	vshrl.u32 v0, $0x4;
	v0 =	vshrl.u32 v0, $0x6;
	vm1 =	vmmov vm1  }
0x3a: {  	v3 =	vand.u32 $0x3, v3;
	v0 =	vand.u32 $0xFFF, v0;
	v2 =	vmul.u32 $0x2200, v2  }
0x3b: {  	vm2 =	veq.s32 v1, $0x80000000;
	v7 =	vand.u32 $0xF, v1;
	v3 =	vsel vm1, $0xFFFFFFFF, v3  }
0x3c: {  	v0 =	vsel vm1, $0xFFFFFFFF, v0;
	v8 =	vand.u32 $0xF, v6;
	v4 =	vshrl.u32 v3, $0x2  }
0x3d: {  	v5 =	vand.u32 $0x7F, v0;
	v2 =	vsel vm1, $0xFFFFDE00, v2;
	vm1 =	vmmov vm2  }
0x3e: {  	v0 =	vshll.u32 v0, $0x2;
	v3 =	vshll.u32 v3, $0x7;
	v4 =	vmul.u32 $0x2200, v4  }
0x3f: {  	v2 =	vor.u32 v2, v5;
	v0 =	vand.u32 $0xFFFFFE00, v0;
	v3 =	vand.u32 $0x180, v3  }
0x40: {  	v2 =	vadd.s32 v4, v2;
	v4 =	vshrl.u32 v1, $0x4;
	v1 =	vshrl.u32 v1, $0x6  }
0x41: {  	v0 =	vadd.s32 v0, v2;
	v2 =	vand.u32 $0x3, v4;
	v1 =	vand.u32 $0xFFF, v1  }
0x42: {  	v0 =	vor.u32 v3, v0;
	v2 =	vsel vm1, $0xFFFFFFFF, v2;
	v3 =	vmul.u32 $0x2200, v7  }
0x43: {  	vm2 =	veq.s32 v6, $0x80000000;
	v4 =	vsel vm1, $0xFFFFFFFF, v1;
	v1 =	vshrl.u32 v2, $0x2  }
0x44: {  	s17 =	sadd.s32 $0x10, s15;
	v5 =	vand.u32 $0x7F, v4;
	v3 =	vsel vm1, $0xFFFFDE00, v3;
	v7 =	vmul.u32 $0x2200, v1  }
0x45: {  	v4 =	vshll.u32 v4, $0x2;
	v2 =	vshll.u32 v2, $0x7;
	v1 =	vld.msk [tilespmem:s17+$0x0 ss:$0x1], $0xffff;
	v3 =	vor.u32 v3, v5  }
0x46: {  	vm1 =	vmmov vm2;
	v4 =	vand.u32 $0xFFFFFE00, v4;
	v3 =	vadd.s32 v7, v3  }
0x47: {  	s31 =	sshll.u32 s12, $0xC;
	s15 =	sor.u32 $0x2000, s14;
	(ifvalue) =	ssetifvalue $0x7FFFFFFF;
	v2 =	vand.u32 $0x180, v2;
	v5 =	vshrl.u32 v6, $0x4;
	v3 =	vadd.s32 v4, v3  }
0x48: {  	[tilespmem:s15], [sflag:$0x1] =	stream.indirect_vreg.gather [hbm4b:s3+s10], $0x1, v0, vm0, $0x4038;
	v4 =	vand.u32 $0x3, v5;
	v5 =	vshrl.u32 v6, $0x6;
	v0 =	vor.u32 v2, v3;
	[tilespmem:$0x4000] =	vst v63  }
0x49: {  	s14 =	sand.u32 $0x1000, s31;
	v2 =	vsel vm1, $0xFFFFFFFF, v4;
	v4 =	vand.u32 $0xFFF, v5;
	v3 =	vmul.u32 $0x2200, v8  }
0x4a: {  	s16 =	simm.s32 $0x30;
	s14 =	sor.u32 $0x2000, s14;
	s17 =	sadd.s32 $0x10, s17;
	vm2 =	veq.s32 v1, $0x80000000;
	v4 =	vsel vm1, $0xFFFFFFFF, v4;
	v5 =	vshrl.u32 v2, $0x2  }
.LBB2_3:
0x4b: {  	v7 =	vand.u32 $0x7F, v4  }
0x4c: {  	v6 =	vld.msk [tilespmem:s17+$0x0 ss:$0x1], $0xffff;
	v3 =	vsel vm1, $0xFFFFDE00, v3;
	v5 =	vmul.u32 $0x2200, v5;
	vm1 =	vmmov vm2;
	s16 =	sadd.s32 $0x10, s16  }
0x4d: {  	v8 =	vand.u32 $0xF, v1;
	v4 =	vshll.u32 v4, $0x2;
	s15 =	sadd.s32 $0x10, s15;
	v3 =	vor.u32 v3, v7;
	(ifvalue) =	ssetifvalue $0x7FFFFFFF;
	p1 =	slt.u32 s16, $0xFF0  }
0x4e: {  	[tilespmem:s15], [sflag:$0x1] =	stream.indirect_vreg.gather [hbm4b:s3+s10], $0x1, v0, vm0, $0x4038;
	[tilespmem:$0x4000] =	vst v63  }
.Ltmp3:
0x4f: {  	v2 =	vshll.u32 v2, $0x7;
	v4 =	vand.u32 $0xFFFFFE00, v4;
	v3 =	vadd.s32 v5, v3;
	(pc) =	sbr.rel @p1 .LBB2_3-.Ltmp3, $4  }
0x50: {  	v2 =	vand.u32 $0x180, v2;
	v0 =	vshrl.u32 v1, $0x4;
	v3 =	vadd.s32 v4, v3  }
0x51: {  	v9 =	vshrl.u32 v1, $0x6;
	v4 =	vand.u32 $0x3, v0;
	v0 =	vor.u32 v2, v3  }
0x52: {  	v7 =	vand.u32 $0xFFF, v9;
	v2 =	vsel vm1, $0xFFFFFFFF, v4;
	v3 =	vmul.u32 $0x2200, v8  }
0x53: {  	s17 =	sadd.s32 $0x10, s17;
	v4 =	vsel vm1, $0xFFFFFFFF, v7;
	vm2 =	veq.s32 v6, $0x80000000;
	v5 =	vshrl.u32 v2, $0x2;
	v1 =	vmovc v6  }
.Ltmp4:
0x54: {  	_ = 	snop;
	(pc) =	sbr.rel .LBB2_4-.Ltmp4, $1  }
0x55: {  	_ =	sdelay $0x3  }
.LBB2_6:
0x56: {  	_ =	sfence.sel $0x180000  }
0x57: {  	s2 =	simm.s32 $0x2;
	[bflag:$0x0] =	sbarrier.arrive $0xFFFF  }
0x58: {  	s30 =	simm.s32 $0x3;
	[sflag:s2] =	ssyncpa.u1 $0x1  }
0x59: {  	s31 =	simm.s32 $0x1;
	[sflag:s30] =	ssyncpa.u1 $0x1  }
0x5a: {  	[sflag:s31] =	ssyncpa.u1 $0x1  }
0x5b: {  	p0 =	sne.s32 s1, $0x0;
	_ =	strace $0x90000068  }
0x5c: {  	s0 =	sadd.s32 @!p0 $0x100000, s0;
	[bflag:$0x2] =	sbarrier.arrive $0xFFFF  }
0x5d: {  	[sflag:s0] =	ssyncadd.tile.s32 @!p0 $0x1;
	_ =	shalt  }
.Lfunc_end2:
_tile_overlayer_lowered:
.L_overlay_start_2:
0x5e: {  	(tag) =	ssettag $0x2  }
0x5f: {  	s0 =	rddreg [dreg:$0x0];
	s2 =	stileid.u32  }
0x60: {  	s1 =	rddreg [dreg:$0x1];
	p0 =	sne.s32 s2, $0x0  }
0x61: {  	s3 =	rddreg [dreg:$0x2];
	[bflag:$0x3] =	sbarrier.arrive $0xFFFF;
	s2 =	simm.s32 @!p0 $0x1C01  }
0x62: {  	[timem:s3], [sflag:s2] =	dma.local @!p0 [hbm:s0], s1  }
0x63: {  	s0 =	simm.s32 @!p0 $0x1  }
0x64: {  	_ =	swait.ge @!p0 [sflag:s0], s1  }
0x65: {  	s1 =	ssub.s32 @!p0 $0x0, s1;
	[sflag:s0] =	ssyncset.done @!p0 $0x0  }
0x66: {  	[sflag:s0] =	ssyncadd.s32 @!p0 s1  }
0x67: {  	[bflag:$0x3] =	sbarrier.arrive $0xFFFF  }
0x68: {  	_ =	shalt  }

// kernel: gather_offload_async_start
scs
__scs_entry_jumppad:
0x0: {  	(pc) =	sbr.rel $0x88, $3  }
0x1: {  	(tag) =	ssettag $0x0;
	lr =	simm.s32 $0x1  }
0x2: {  	[smem:$0x3F92] =	sst lr;
	_ =	strace $0xD0000000  }
0x3: {  	_ = 	snop  }
0x4: {  	_ = 	snop  }
0x5: {  	_ = 	snop  }
0x6: {  	_ = 	snop  }
0x7: {  	_ = 	snop  }
__scs_overlays_trampoline_lowered:
0x8: {  	[smem:$0x3FA1] =	sst s0  }
0x9: {  	[smem:$0x3FA2] =	sst s1  }
0xa: {  	[smem:$0x3FA3] =	sst s2  }
0xb: {  	[smem:$0x3FA4] =	sst s3  }
0xc: {  	[smem:$0x3FA5] =	sst s4  }
0xd: {  	[smem:$0x3FA6] =	sst s5  }
0xe: {  	[smem:$0x3FA7] =	sst s6  }
0xf: {  	[smem:$0x3FA8] =	sst s7  }
0x10: {  	[smem:$0x3FA9] =	sst s8  }
0x11: {  	[smem:$0x3FAA] =	sst s9;
	s0 =	simm.s32 @!p0 $0x0  }
0x12: {  	s1 =	sld [smem:$0x3F90];
	s0 =	simm.s32 @p0 $0x1  }
0x13: {  	[smem:$0x3FAB] =	sst s0;
	s0 =	simm.s32 @!p1 $0x0  }
0x14: {  	s2 =	sld [smem:$0x3F8F];
	s0 =	simm.s32 @p1 $0x1  }
0x15: {  	[smem:$0x3FAC] =	sst s0;
	s0 =	simm.s32 @!p2 $0x0  }
0x16: {  	s3 =	sld [smem:$0x3FDB];
	s0 =	simm.s32 @p2 $0x1  }
0x17: {  	s4 =	simm.s32 $0x1BF5;
	[smem:$0x3FAE] =	sst s0  }
0x18: {  	s0 =	sld [smem:$0x3F91];
	_ =	swait.ge [sflag:s4], $0x0  }
0x19: {  	s7 =	sld [smem:$0x3F92]  }
0x1a: {  	s8 =	sadd.s32 $0xFFFFE003, lr  }
0x1b: {  	s9 =	sadd.s32 $0xFFFFFEF7, lr;
	s5 =	simm.s32 $0xFFFFFFFF;
	p2 =	slt.u32 s8, $0xFFFFF086  }
0x1c: {  	p1 =	slt.u32 s9, $0xF7A;
	s5 =	simm.s32 @!p2 $0x0  }
0x1d: {  	s5 =	simm.s32 @p1 $0x1;
	p0 =	seq.s32 s7, s2  }
0x1e: {  	s7 =	smul.u32 @!p0 $0xF7A, s2;
	p2 =	seq.s32 @!p0 s5, $0x0  }
0x1f: {  	s9 =	smul.u32 $0xF7A, s1;
	s8 =	simm.s32 @!p0 $0x1BF5;
	p2 =	por !p2, p0  }
0x20: {  	[sflag:s8] =	ssyncset.s32 @!p0 $0xFFFFF086;
	s6 =	sadd.s32 @!p0 s3, s7;
	s7 =	simm.s32 @!p0 $0x108  }
0x21: {  	s3 =	sadd.s32 s3, s9;
	s6 =	sadd.s32 @!p0 $0x88, s6;
	s7 =	simm.s32 @p2 $0x1082  }
0x22: {  	[simem:s7], [sflag:s8] =	dma.local @!p0 [hbm:s6], $0xF7A  }
0x23: {  	s9 =	sor.u32 $0xD0000000, s2;
	s6 =	simm.s32 $0x108;
	_ =	swait.ge @!p0 [sflag:s8], $0x0  }
0x24: {  	s3 =	sadd.s32 $0x88, s3;
	s6 =	simm.s32 @!p1 $0x1082;
	[sflag:s4] =	ssyncset.s32 $0xFFFFF086  }
0x25: {  	[simem:s6], [sflag:s4] =	dma.local [hbm:s3], $0xF7A  }
0x26: {  	[smem:$0x3F92] =	sst s1;
	(tag) =	ssettag s2;
	_ =	strace s9  }
0x27: {  	s1 =	sld [smem:$0x3FA2]  }
0x28: {  	s2 =	sld [smem:$0x3FA3]  }
0x29: {  	s4 =	sld [smem:$0x3FA5]  }
0x2a: {  	p0 =	seq.s32 s5, $0x0;
	s5 =	sld [smem:$0x3FA6]  }
0x2b: {  	s6 =	sld [smem:$0x3FA7]  }
0x2c: {  	s7 =	sld [smem:$0x3FA8]  }
0x2d: {  	s3 =	simm.s32 $0x108;
	s8 =	sld [smem:$0x3FA9]  }
0x2e: {  	s3 =	simm.s32 @!p0 $0x1082;
	s9 =	sld [smem:$0x3FAA]  }
0x2f: {  	lr =	sadd.s32 s0, s3;
	s0 =	sld [smem:$0x3FA1]  }
0x30: {  	s3 =	sld [smem:$0x3FA4]  }
0x31: {  	[smem:$0x3FAD] =	sst s10  }
0x32: {  	s10 =	sld [smem:$0x3FAB];
	_ =	sdelay $0x3  }
0x33: {  	p0 =	seq.s32 s10, $0x1;
	s10 =	sld [smem:$0x3FAD];
	_ =	sdelay $0x3  }
0x34: {  	[smem:$0x3FAD] =	sst s10  }
0x35: {  	s10 =	sld [smem:$0x3FAC];
	_ =	sdelay $0x3  }
0x36: {  	p1 =	seq.s32 s10, $0x1;
	s10 =	sld [smem:$0x3FAD];
	_ =	sdelay $0x3  }
0x37: {  	[smem:$0x3FAD] =	sst s10  }
0x38: {  	s10 =	sld [smem:$0x3FAE]  }
0x39: {  	_ = 	snop;
	(pc) =	sbr.ind lr, $3  }
0x3a: {  	_ = 	snop  }
0x3b: {  	_ = 	snop  }
0x3c: {  	p2 =	seq.s32 s10, $0x1;
	s10 =	sld [smem:$0x3FAD]  }
0x3d: {  	_ =	shalt  }
0x3e: {  	_ =	shalt  }
0x3f: {  	_ =	shalt  }
0x40: {  	_ =	shalt  }
0x41: {  	_ =	shalt  }
0x42: {  	_ =	shalt  }
0x43: {  	_ =	shalt  }
0x44: {  	_ =	shalt  }
0x45: {  	_ =	shalt  }
0x46: {  	_ =	shalt  }
0x47: {  	_ =	shalt  }
0x48: {  	_ =	shalt  }
0x49: {  	_ =	shalt  }
0x4a: {  	_ =	shalt  }
0x4b: {  	_ =	shalt  }
0x4c: {  	_ =	shalt  }
0x4d: {  	_ =	shalt  }
0x4e: {  	_ =	shalt  }
0x4f: {  	_ =	shalt  }
0x50: {  	_ =	shalt  }
0x51: {  	_ =	shalt  }
0x52: {  	_ =	shalt  }
0x53: {  	_ =	shalt  }
0x54: {  	_ =	shalt  }
0x55: {  	_ =	shalt  }
0x56: {  	_ =	shalt  }
0x57: {  	_ =	shalt  }
0x58: {  	_ =	shalt  }
0x59: {  	_ =	shalt  }
0x5a: {  	_ =	shalt  }
0x5b: {  	_ =	shalt  }
0x5c: {  	_ =	shalt  }
0x5d: {  	_ =	shalt  }
0x5e: {  	_ =	shalt  }
0x5f: {  	_ =	shalt  }
0x60: {  	_ =	shalt  }
0x61: {  	_ =	shalt  }
0x62: {  	_ =	shalt  }
0x63: {  	_ =	shalt  }
0x64: {  	_ =	shalt  }
0x65: {  	_ =	shalt  }
0x66: {  	_ =	shalt  }
0x67: {  	_ =	shalt  }
0x68: {  	_ =	shalt  }
0x69: {  	_ =	shalt  }
0x6a: {  	_ =	shalt  }
0x6b: {  	_ =	shalt  }
0x6c: {  	_ =	shalt  }
0x6d: {  	_ =	shalt  }
0x6e: {  	_ =	shalt  }
0x6f: {  	_ =	shalt  }
0x70: {  	_ =	shalt  }
0x71: {  	_ =	shalt  }
0x72: {  	_ =	shalt  }
0x73: {  	_ =	shalt  }
0x74: {  	_ =	shalt  }
0x75: {  	_ =	shalt  }
0x76: {  	_ =	shalt  }
0x77: {  	_ =	shalt  }
0x78: {  	_ =	shalt  }
0x79: {  	_ =	shalt  }
0x7a: {  	_ =	shalt  }
0x7b: {  	_ =	shalt  }
0x7c: {  	_ =	shalt  }
0x7d: {  	_ =	shalt  }
0x7e: {  	_ =	shalt  }
0x7f: {  	_ =	shalt  }
0x80: {  	_ =	shalt  }
0x81: {  	_ =	shalt  }
0x82: {  	_ =	shalt  }
0x83: {  	_ =	shalt  }
0x84: {  	_ =	shalt  }
0x85: {  	_ =	shalt  }
0x86: {  	_ =	shalt  }
0x87: {  	_ =	shalt  }
.Lfunc_end0:
.L_simem_size_0:
called_computation.4_lowered:
.L_overlay_start_0:
0x88: {  	s2 =	sld [smem:$0x3FD9]  }
0x89: {  	s3 =	sld [smem:$0x3FFE];
	_ =	sdelay $0x1  }
0x8a: {  	s1 =	srdreg.scid  }
0x8b: {  	s0 =	sand.u32 $0x1, s1  }
0x8c: {  	s17 =	sshll.u32 s0, $0xA;
	s2 =	sadd.s32 s3, s2  }
0x8d: {  	s2 =	sadd.s32 s2, s17  }
0x8e: {  	[smem:$0x3FB9] =	sst s2  }
0x8f: {  	_ = 	snop  }
0x90: {  	s2 =	sld [smem:$0x3FC8]  }
0x91: {  	s18 =	sld [smem:$0x3FD0];
	(tm) =	ssettm $0x1  }
0x92: {  	s4 =	sld [smem:$0x3FFB];
	_ =	sdelay $0x3  }
0x93: {  	_ =	strace s4  }
0x94: {  	s4 =	sld [smem:$0x3FFC];
	_ =	sdelay $0x3  }
0x95: {  	_ =	strace s4  }
0x96: {  	s4 =	sld [smem:$0x3FFD];
	_ =	sdelay $0x3  }
0x97: {  	_ =	strace s4  }
0x98: {  	_ =	strace $0x8FFFFFFF  }
0x99: {  	s19 =	sld [smem:$0x3FDB];
	_ =	sdelay $0x1  }
0x9a: {  	s5 =	simm.s32 $_scs_section_size  }
0x9b: {  	s6 =	simm.s32 $_size__tile_overlayer_lowered;
	s7 =	simm.s32 $_tile_overlayer_lowered  }
0x9c: {  	s22 =	simm.s32 $0x1BFF;
	s21 =	sshll.u32 s7, $0x1;
	s4 =	sadd.s32 s5, s19  }
0x9d: {  	s8 =	simm.s32 $0x0;
	s20 =	sshll.u32 s6, $0x1;
	s6 =	sadd.s32 s21, s4  }
0x9e: {  	[timem:s8], [sflag:s22] =	dma.local [hbm:s6], s20  }
0x9f: {  	_ =	swait.ge [sflag:s22], s20  }
0xa0: {  	s5 =	ssub.s32 $0x0, s20;
	[sflag:s22] =	ssyncset.done $0x0  }
0xa1: {  	[sflag:s22] =	ssyncadd.s32 s5;
	_ =	sdelay $0x1  }
0xa2: {  	s23 =	simm.s32 $0x1B8B  }
0xa3: {  	_ =	swait.ge [sflag:s23], $0x1  }
0xa4: {  	[sflag:s23] =	ssyncset.done $0x0  }
0xa5: {  	s25 =	simm.s32 $0x1B8E;
	s24 =	sld [smem:$0x3FFE];
	[sflag:s23] =	ssyncadd.s32 $0xFFFFFFFF  }
0xa6: {  	s26 =	simm.s32 $execute0_lowered;
	[smem:$0x3FD2] =	sst s25  }
0xa7: {  	s6 =	sshll.u32 s26, $0x1;
	_ =	strace $0x80000046;
	[dreg:$0x1] =	wrdreg $0xFFFFFFFF  }
0xa8: {  	s28 =	simm.s32 $_size_execute0_lowered;
	s4 =	sadd.s32 s4, s6;
	[dreg:$0x0] =	wrdreg $0x0  }
0xa9: {  	s6 =	sshll.u32 s28, $0x1;
	[dreg:$0x2] =	wrdreg s4  }
0xaa: {  	[dreg:$0x3] =	wrdreg s6  }
0xab: {  	[dreg:$0x4] =	wrdreg $0xC0  }
0xac: {  	_ =	task [dreg:s8], $0x5FFFF  }
0xad: {  	[dreg:$0x1] =	wrdreg $0xFFFFFFFF  }
0xae: {  	[dreg:$0x0] =	wrdreg $0x60  }
0xaf: {  	[dreg:$0x2] =	wrdreg s2  }
0xb0: {  	[dreg:$0x3] =	wrdreg s24  }
0xb1: {  	[dreg:$0x4] =	wrdreg s18  }
0xb2: {  	[dreg:$0x5] =	wrdreg $0x9  }
0xb3: {  	_ =	task.clear_ibuf [dreg:s8], $0x6FFFF;
	_ =	strace $0x90000046  }
0xb4: {  	s29 =	simm.s32 $0x9;
	_ =	strace $0x80000048  }
0xb5: {  	_ =	swait.ge [sflag:s29], $0x1  }
0xb6: {  	[sflag:s29] =	ssyncadd.s32 $0xFFFFFFFF  }
0xb7: {  	_ =	strace $0x90000048  }
0xb8: {  	_ =	sfence  }
0xb9: {  	s30 =	sld [smem:$0x0];
	_ =	sdelay $0x2  }
0xba: {  	s31 =	sshll.u32 s1, $0xD;
	s1 =	sshrl.u32 s1, $0x2  }
0xbb: {  	s3 =	sand.u32 $0x4000, s31;
	s1 =	sadd.s32 s1, s30  }
0xbc: {  	s0 =	sor.u32 s3, s0;
	s1 =	sshll.u32 s1, $0x11  }
0xbd: {  	s0 =	sor.u32 s1, s0  }
0xbe: {  	s0 =	sadd.s32 $0x8F2B, s0  }
0xbf: {  	[sflag:s0] =	ssyncadd.remote.s32 $0x1  }
0xc0: {  	_ =	sfence.sel $0xFFFF  }
0xc1: {  	[dreg:$0x0] =	wrdreg $0xFFFFFFFF;
	(pc) =	sbr.abs _section_cstart, $3  }
0xc2: {  	[dreg:$0x1] =	wrdreg $0xFFFFFFFF  }
0xc3: {  	_ =	task.clear_ibuf [dreg:s8], $0x2FFFF;
	_ =	strace $0x9FFFFFFF  }
0xc4: {  	(tm) =	ssettm $0x7FFFFFFF  }
0xc5: {  	_ =	shalt  }
tec
execute0_lowered:
.L_overlay_start_1:
0x0: {  	(tag) =	ssettag $0x1  }
0x1: {  	s2 =	rddreg [dreg:$0x0]  }
0x2: {  	s7 =	rddreg [dreg:$0x1]  }
0x3: {  	s3 =	rddreg [dreg:$0x2]  }
0x4: {  	s0 =	rddreg [dreg:$0x3];
	s1 =	srdreg.scid;
	_ =	strace $0x80000047  }
0x5: {  	s4 =	simm.s32 $0x1;
	s9 =	simm.s32 $0x3;
	s5 =	sshll.u32 s1, $0x4  }
.Ltmp0:
0x6: {  	s1 =	stileid.u32;
	s5 =	sand.u32 $0x10, s5;
	(pc) =	sbr.rel .LBB2_1-.Ltmp0, $4  }
0x7: {  	s11 =	simm.s32 $0x0;
	p0 =	por $0x0, $0x0;
	s6 =	sor.u32 s1, s5  }
0x8: {  	[sflag:s4] =	ssyncpa.u1 $0x0;
	s5 =	simm.s32 $0x2;
	s6 =	sshll.u32 s6, $0x6  }
0x9: {  	s7 =	sadd.s32 $0x1400, s7;
	[sflag:s5] =	ssyncpa.u1 $0x0;
	s8 =	sadd.s32 $0x40, s6  }
0xa: {  	vm0 =	vmmov $0xff;
	vm1 =	vcmask $0x3F20;
	[sflag:s9] =	ssyncpa.u1 $0x0;
	s10 =	smov.u32 s6;
	s9 =	simm.s32 $0x0  }
.LBB2_9:
0xb: {  	p1 =	slt.u32 s9, $0x2;
	s11 =	sadd.s32 $0x20, s10  }
0xc: {  	s13 =	smov.u32 s6;
	s9 =	sadd.s32 $0x1, s9;
	p2 =	slt.s32 s11, s8  }
0xd: {  	s13 =	smov.u32 @p2 s11;
	p2 =	sne.s32 s9, $0x4  }
.Ltmp1:
0xe: {  	_ = 	snop;
	(pc) =	sbr.rel @!p2 .LBB2_10-.Ltmp1, $4  }
0xf: {  	s12 =	simm.s32 @!p1 $0x3  }
0x10: {  	_ =	swait.ge @!p1 [sflag:s12], $0x8000  }
0x11: {  	p0 =	por !p0, !p0;
	[sflag:s12] =	ssyncset.done @!p1 $0x0  }
0x12: {  	s11 =	smov.u32 s10;
	s10 =	smov.u32 s13;
	[sflag:s12] =	ssyncadd.s32 @!p1 $0xFFFF8000  }
.LBB2_1:
0x13: {  	p1 =	sgt.u32 s9, $0x1  }
0x14: {  	s12 =	sshll.u32 @!p1 s9, $0x5;
	s13 =	sshrl.u32 @!p1 s10, $0x3  }
0x15: {  	s14 =	sand.u32 @!p1 $0x7, s10;
	s12 =	sxor.u32 @!p1 $0x20, s12;
	s13 =	sadd.s32 @!p1 s7, s13  }
0x16: {  	[tilespmem:s12], [sflag:$0x2] =	stream.linear.gather @!p1 [hbm4b:s13+s14], $0x20, $0x38;
	[tilespmem:$0x10040] =	vst v63  }
0x17: {  	p1 =	seq.s32 s9, $0x0  }
0x18: {  	p2 =	seq.s32 @!p1 s9, $0x3  }
0x19: {  	p1 =	por p1, p2  }
.Ltmp2:
0x1a: {  	_ = 	snop;
	(pc) =	sbr.rel @p1 .LBB2_9-.Ltmp2, $1  }
0x1b: {  	_ =	sdelay $0x3  }
0x1c: {  	s12 =	simm.s32 $0x1  }
0x1d: {  	_ =	swait.ge [sflag:s5], $0x20;
	s13 =	sand.u32 $0x1, s9;
	s12 =	simm.s32 @!p0 $0x0  }
0x1e: {  	s15 =	simm.s32 $0x0;
	p2 =	por $0x1, $0x1;
	s12 =	sshll.u32 s12, $0x11  }
0x1f: {  	[sflag:s5] =	ssyncset.done $0x0;
	s13 =	sshll.u32 s13, $0x5;
	s14 =	sshrl.u32 s12, $0x2  }
0x20: {  	[sflag:s5] =	ssyncadd.s32 $0xFFFFFFE0;
	s12 =	sor.u32 $0x40, s14;
	s14 =	sadd.s32 $0x40, s14  }
.LBB2_3:
0x21: {  	s16 =	sshll.u32 s15, $0x4  }
0x22: {  	s16 =	sand.u32 $0x3FFFFFF0, s16  }
0x23: {  	s16 =	sadd.s32 s16, s13  }
0x24: {  	v0 =	vld.msk [tilespmem:s16+$0x0 ss:$0x1], $0xffff;
	_ =	sdelay $0x4  }
0x25: {  	vm2 =	vgt.s32 v0, $0x0  }
0x26: {  	v0 =	vnsel vm2, $0x0, v0  }
0x27: {  	v0 =	vmin.u32 v0, $0x4000  }
0x28: {  	v1 =	vshll.u32 v0, $0x7;
	v0 =	vshll.u32 v0, $0x4  }
0x29: {  	v1 =	vand.u32 $0x3FFC00, v1;
	v0 =	vand.u32 $0x70, v0  }
0x2a: {  	v0 =	vor.u32 v0, v1  }
0x2b: {  	s31 =	sshll.u32 s15, $0x10  }
0x2c: {  	s15 =	sshra.s32 s31, $0x2  }
0x2d: {  	s15 =	sadd.s32 s15, s14  }
0x2e: {  	s17 =	sadd.s32 $0x0, s15  }
0x2f: {  	[tilespmem:s17], [sflag:$0x1] =	stream.indirect_vreg.gather [hbm:s2], $0x80, v0, vm0, $0x38;
	[tilespmem:$0x10040] =	vst v63  }
0x30: {  	p1 =	por p2, p2;
	s16 =	simm.s32 $0x1000;
	v1 =	vadd.s32 $0x80, v0;
	s17 =	sadd.s32 $0x2000, s17  }
.LBB2_4:
0x31: {  	[tilespmem:s17], [sflag:$0x1] =	stream.indirect_vreg.gather [hbm:s2], $0x80, v0, vm1, $0x38;
	[tilespmem:$0x10040] =	vst v63  }
0x32: {  	v0 =	vmov v1;
	s17 =	smov.u32 s16;
	p2 =	sne.s32 s16, $0x7000  }
.Ltmp3:
0x33: {  	s16 =	sadd.s32 $0x1000, s16;
	(pc) =	sbr.rel @p2 .LBB2_4-.Ltmp3, $4  }
0x34: {  	s17 =	sshra.s32 s17, $0x2  }
0x35: {  	s17 =	sadd.s32 s17, s15  }
0x36: {  	[tilespmem:s17], [sflag:$0x1] =	stream.indirect_vreg.gather [hbm:s2], $0x80, v1, vm0, $0x38;
	[tilespmem:$0x10040] =	vst v63  }
0x37: {  	s17 =	sadd.s32 $0x2000, s17;
	v1 =	vadd.s32 $0x80, v1  }
0x38: {  	_ = 	snop  }
.Ltmp4:
0x39: {  	_ = 	snop;
	(pc) =	sbr.rel @p1 .LBB2_3-.Ltmp4, $3  }
0x3a: {  	_ =	sdelay $0x1  }
0x3b: {  	[tilespmem:s17], [sflag:$0x1] =	stream.indirect_vreg.gather [hbm:s2], $0x80, v0, vm1, $0x38;
	[tilespmem:$0x10040] =	vst v63  }
0x3c: {  	s15 =	simm.s32 $0x1;
	p2 =	por $0x0, $0x0  }
0x3d: {  	s13 =	sshll.u32 s11, $0x7  }
0x3e: {  	s31 =	sshll.u32 s11, $0x4;
	s13 =	sand.u32 $0xFFFFFC00, s13  }
0x3f: {  	_ =	swait.ge [sflag:s4], $0x8000;
	s11 =	sand.u32 $0x70, s31;
	s13 =	sadd.s32 s13, s3  }
0x40: {  	s14 =	sadd.s32 $0x2000, s12;
	[sflag:s4] =	ssyncset.done $0x0;
	s11 =	sadd.s32 s11, s13  }
0x41: {  	[sflag:s4] =	ssyncadd.s32 $0xFFFF8000;
	s13 =	simm.s32 $0x400;
	s15 =	sadd.s32 $0x0, s11  }
.LBB2_7:
0x42: {  	[hbm:s15] =	stream.linear.scatter [tilespmem:s12], [sflag:$0x3], $0x2000, $0x38;
	[tilespmem:$0x10040] =	vst v63  }
0x43: {  	s15 =	smov.u32 s13;
	s12 =	smov.u32 s14;
	p1 =	sne.s32 s13, $0xC00  }
.Ltmp5:
0x44: {  	s13 =	sadd.s32 $0x400, s13;
	(pc) =	sbr.rel @p1 .LBB2_7-.Ltmp5, $2  }
0x45: {  	_ =	sdelay $0x2  }
0x46: {  	s14 =	sadd.s32 $0x2000, s14;
	s15 =	sadd.s32 s15, s11  }
.Ltmp6:
0x47: {  	(pc) =	sbr.rel .LBB2_9-.Ltmp6, $2  }
0x48: {  	_ =	sdelay $0x2  }
0x49: {  	[hbm:s15] =	stream.linear.scatter [tilespmem:s12], [sflag:$0x3], $0x2000, $0x38;
	[tilespmem:$0x10040] =	vst v63  }
.LBB2_10:
0x4a: {  	_ =	sfence.sel $0x180000  }
0x4b: {  	s2 =	simm.s32 $0x2;
	[bflag:$0x0] =	sbarrier.arrive $0xFFFF  }
0x4c: {  	s30 =	simm.s32 $0x3;
	[sflag:s2] =	ssyncpa.u1 $0x1  }
0x4d: {  	s31 =	simm.s32 $0x1;
	[sflag:s30] =	ssyncpa.u1 $0x1  }
0x4e: {  	[sflag:s31] =	ssyncpa.u1 $0x1  }
0x4f: {  	p0 =	sne.s32 s1, $0x0;
	_ =	strace $0x90000047  }
0x50: {  	s0 =	sadd.s32 @!p0 $0x100000, s0;
	[bflag:$0x2] =	sbarrier.arrive $0xFFFF  }
0x51: {  	[sflag:s0] =	ssyncadd.tile.s32 @!p0 $0x1;
	_ =	shalt  }
.Lfunc_end2:
_tile_overlayer_lowered:
.L_overlay_start_2:
0x52: {  	(tag) =	ssettag $0x2  }
0x53: {  	s0 =	rddreg [dreg:$0x0];
	s2 =	stileid.u32  }
0x54: {  	s1 =	rddreg [dreg:$0x1];
	p0 =	sne.s32 s2, $0x0  }
0x55: {  	s3 =	rddreg [dreg:$0x2];
	[bflag:$0x3] =	sbarrier.arrive $0xFFFF;
	s2 =	simm.s32 @!p0 $0x1C01  }
0x56: {  	[timem:s3], [sflag:s2] =	dma.local @!p0 [hbm:s0], s1  }
0x57: {  	s0 =	simm.s32 @!p0 $0x1  }
0x58: {  	_ =	swait.ge @!p0 [sflag:s0], s1  }
0x59: {  	s1 =	ssub.s32 @!p0 $0x0, s1;
	[sflag:s0] =	ssyncset.done @!p0 $0x0  }
0x5a: {  	[sflag:s0] =	ssyncadd.s32 @!p0 s1  }
0x5b: {  	[bflag:$0x3] =	sbarrier.arrive $0xFFFF  }
0x5c: {  	_ =	shalt  }

// kernel: sparse-core-data-format-call.1.cloned.1.call-start
scs
called_computation.1_lowered:
.L_overlay_start_0:
0x0: {  	s2 =	sld [smem:$0x3FD9]  }
0x1: {  	s3 =	sld [smem:$0x3FFE];
	_ =	sdelay $0x1  }
0x2: {  	s1 =	srdreg.scid  }
0x3: {  	s0 =	sand.u32 $0x1, s1  }
0x4: {  	s18 =	sshll.u32 s0, $0xA;
	s2 =	sadd.s32 s3, s2  }
0x5: {  	s2 =	sadd.s32 s2, s18  }
0x6: {  	[smem:$0x3FB9] =	sst s2  }
0x7: {  	_ = 	snop  }
0x8: {  	s2 =	sld [smem:$0x3FD0];
	(tm) =	ssettm $0x1  }
0x9: {  	s19 =	sld [smem:$0x3FFB];
	_ =	sdelay $0x3  }
0xa: {  	_ =	strace s19  }
0xb: {  	s3 =	sld [smem:$0x3FFC];
	_ =	sdelay $0x3  }
0xc: {  	_ =	strace s3  }
0xd: {  	s3 =	sld [smem:$0x3FFD];
	_ =	sdelay $0x3  }
0xe: {  	_ =	strace s3  }
0xf: {  	_ =	strace $0x8FFFFFFF  }
0x10: {  	s20 =	sld [smem:$0x3FDB];
	_ =	sdelay $0x1  }
0x11: {  	s4 =	simm.s32 $_scs_section_size  }
0x12: {  	s5 =	simm.s32 $_size__tile_overlayer_lowered;
	s6 =	simm.s32 $_tile_overlayer_lowered  }
0x13: {  	s23 =	simm.s32 $0x1BFF;
	s22 =	sshll.u32 s6, $0x1;
	s3 =	sadd.s32 s4, s20  }
0x14: {  	s7 =	simm.s32 $0x0;
	s21 =	sshll.u32 s5, $0x1;
	s5 =	sadd.s32 s22, s3  }
0x15: {  	[timem:s7], [sflag:s23] =	dma.local [hbm:s5], s21  }
0x16: {  	_ =	swait.ge [sflag:s23], s21  }
0x17: {  	s4 =	ssub.s32 $0x0, s21;
	[sflag:s23] =	ssyncset.done $0x0  }
0x18: {  	[sflag:s23] =	ssyncadd.s32 s4;
	_ =	sdelay $0x1  }
0x19: {  	s24 =	simm.s32 $0x1B8B  }
0x1a: {  	_ =	swait.ge [sflag:s24], $0x1  }
0x1b: {  	[sflag:s24] =	ssyncset.done $0x0  }
0x1c: {  	s26 =	simm.s32 $0x1B8E;
	s25 =	sld [smem:$0x3FFE];
	[sflag:s24] =	ssyncadd.s32 $0xFFFFFFFF  }
0x1d: {  	s27 =	simm.s32 $execute0_lowered;
	[smem:$0x3FD2] =	sst s26  }
0x1e: {  	s5 =	sshll.u32 s27, $0x1;
	_ =	strace $0x8000005B;
	[dreg:$0x1] =	wrdreg $0xFFFFFFFF  }
0x1f: {  	s28 =	simm.s32 $_size_execute0_lowered;
	s3 =	sadd.s32 s3, s5;
	[dreg:$0x0] =	wrdreg $0x0  }
0x20: {  	s5 =	sshll.u32 s28, $0x1;
	[dreg:$0x2] =	wrdreg s3  }
0x21: {  	[dreg:$0x3] =	wrdreg s5  }
0x22: {  	[dreg:$0x4] =	wrdreg $0xC0  }
0x23: {  	_ =	task [dreg:s7], $0x5FFFF  }
0x24: {  	[dreg:$0x1] =	wrdreg $0xFFFFFFFF  }
0x25: {  	[dreg:$0x0] =	wrdreg $0x60  }
0x26: {  	[dreg:$0x2] =	wrdreg s2  }
0x27: {  	[dreg:$0x3] =	wrdreg s25  }
0x28: {  	[dreg:$0x4] =	wrdreg $0x9  }
0x29: {  	_ =	task.clear_ibuf [dreg:s7], $0x5FFFF;
	_ =	strace $0x9000005B  }
0x2a: {  	s29 =	simm.s32 $0x9;
	_ =	strace $0x8000005D  }
0x2b: {  	_ =	swait.ge [sflag:s29], $0x1  }
0x2c: {  	[sflag:s29] =	ssyncadd.s32 $0xFFFFFFFF  }
0x2d: {  	_ =	strace $0x9000005D  }
0x2e: {  	_ =	sfence  }
0x2f: {  	s30 =	sld [smem:$0x0];
	_ =	sdelay $0x2  }
0x30: {  	s31 =	sshll.u32 s1, $0xD;
	s1 =	sshrl.u32 s1, $0x2  }
0x31: {  	s3 =	sand.u32 $0x4000, s31;
	s1 =	sadd.s32 s1, s30  }
0x32: {  	s0 =	sor.u32 s3, s0;
	s1 =	sshll.u32 s1, $0x11  }
0x33: {  	s0 =	sor.u32 s1, s0  }
0x34: {  	s0 =	sadd.s32 $0x8F2B, s0  }
0x35: {  	[sflag:s0] =	ssyncadd.remote.s32 $0x1  }
0x36: {  	_ =	sfence.sel $0xFFFF  }
0x37: {  	[dreg:$0x0] =	wrdreg $0xFFFFFFFF;
	(pc) =	sbr.abs _section_cstart, $3  }
0x38: {  	[dreg:$0x1] =	wrdreg $0xFFFFFFFF  }
0x39: {  	_ =	task.clear_ibuf [dreg:s7], $0x2FFFF;
	_ =	strace $0x9FFFFFFF  }
0x3a: {  	(tm) =	ssettm $0x7FFFFFFF  }
0x3b: {  	_ =	shalt  }
tec
execute0_lowered:
.L_overlay_start_1:
0x0: {  	(tag) =	ssettag $0x1  }
0x1: {  	s1 =	rddreg [dreg:$0x0]  }
0x2: {  	s0 =	srdreg.scid;
	s3 =	rddreg [dreg:$0x1];
	s31 =	simm.s32 $0x2  }
0x3: {  	s16 =	simm.s32 $0x0;
	p0 =	por $0x0, $0x0;
	s0 =	sshll.u32 s0, $0x1  }
0x4: {  	s9 =	simm.s32 $0x4400;
	s14 =	simm.s32 $0x0;
	s2 =	sand.u32 $0x2, s0  }
0x5: {  	s15 =	simm.s32 $0x0;
	s10 =	simm.s32 $0x0;
	s4 =	ssub.s32 $0x4, s2  }
0x6: {  	s12 =	stileid.u32;
	s13 =	simm.s32 $0x0;
	s5 =	sshrl.u32 s4, $0x1  }
.Ltmp0:
0x7: {  	s6 =	sshrl.u32 s4, $0x2;
	s7 =	sand.u32 $0x1, s5;
	(pc) =	sbr.rel .LBB1_1-.Ltmp0, $4  }
0x8: {  	s0 =	rddreg [dreg:$0x2];
	_ =	strace $0x8000005C;
	s30 =	sadd.s32 s6, s7  }
0x9: {  	s11 =	smov.u32 s2;
	s5 =	simm.s32 $0x1;
	s6 =	smul.u32 $0x11, s30  }
0xa: {  	s4 =	sadd.s32 $0x10EE00, s3;
	s3 =	stileid.u32;
	[sflag:s5] =	ssyncpa.u1 $0x0  }
0xb: {  	s7 =	sadd.s32 $0x8800, s1;
	[sflag:s31] =	ssyncpa.u1 $0x0;
	s8 =	sadd.s32 $0x1, s6  }
.LBB1_7:
0xc: {  	s17 =	sadd.s32 $0x80, s10  }
0xd: {  	s14 =	sadd.s32 $0x4, s11;
	s18 =	smov.u32 s11;
	p2 =	sgt.s32 s17, $0x87F  }
0xe: {  	s18 =	smov.u32 @p2 s14  }
0xf: {  	s20 =	smov.u32 s12;
	s14 =	sadd.s32 $0x10, s12;
	p3 =	sgt.s32 s18, $0x3  }
0x10: {  	s20 =	smov.u32 @p3 s14  }
0x11: {  	s17 =	simm.s32 @p2 $0x0;
	p2 =	sgt.s32 s20, $0xF  }
0x12: {  	p1 =	slt.u32 s13, $0x2;
	s20 =	smov.u32 @p2 s3;
	p2 =	sne.s32 s13, s8  }
.Ltmp1:
0x13: {  	s19 =	simm.s32 @!p1 $0x2;
	(pc) =	sbr.rel @!p2 .LBB1_8-.Ltmp1, $4  }
0x14: {  	s16 =	smov.u32 s10;
	s15 =	smov.u32 s12;
	_ =	swait.ge @!p1 [sflag:s19], $0x4000  }
0x15: {  	p0 =	por !p0, !p0;
	[sflag:s19] =	ssyncset.done @!p1 $0x0;
	s10 =	smov.u32 s17  }
0x16: {  	s18 =	smov.u32 @p3 s2;
	s14 =	smov.u32 s11;
	[sflag:s19] =	ssyncadd.s32 @!p1 $0xFFFFC000  }
0x17: {  	s11 =	smov.u32 s18;
	s13 =	sadd.s32 $0x1, s13;
	s12 =	smov.u32 s20  }
.LBB1_1:
0x18: {  	p1 =	sge.u32 s13, s6  }
0x19: {  	s17 =	sand.u32 @!p1 $0x1FFFFFF, s10  }
0x1a: {  	s18 =	smulhi.u32 @!p1 $0xF0F0F1, s17;
	_ =	sdelay $0x1  }
0x1b: {  	s19 =	smul.u32 @!p1 $0x22000, s12;
	s18 =	sshrl.u32 @!p1 s18, $0x3  }
0x1c: {  	s18 =	smul.u32 @!p1 $0x880, s18  }
0x1d: {  	s20 =	sxor.u32 @!p1 $0xFFFFFFFF, s13;
	s21 =	smul.u32 @!p1 $0x8800, s11  }
0x1e: {  	s22 =	simm.s32 @!p1 $0x40;
	s17 =	ssub.s32 @!p1 s17, s18;
	s18 =	sadd.s32 @!p1 s1, s19  }
0x1f: {  	s20 =	sshll.u32 @!p1 s20, $0xE;
	s17 =	sshll.u32 @!p1 s17, $0x4;
	s18 =	sadd.s32 @!p1 s21, s18  }
0x20: {  	s23 =	simm.s32 @!p1 $0x80;
	s20 =	sand.u32 @!p1 $0x4000, s20;
	s18 =	sadd.s32 @!p1 s17, s18  }
0x21: {  	[tilespmem:s20], [sflag:$0x1] =	stream.strided.gather @!p1 [hbm4b:s18+s22], $0x2000, s23, s22, $0x38;
	[tilespmem:$0x10100] =	vst v63  }
0x22: {  	s18 =	sadd.s32 @!p1 s19, s7  }
0x23: {  	s18 =	sadd.s32 @!p1 s21, s18  }
0x24: {  	s31 =	sadd.s32 $0xFFFFFFFF, s13;
	s17 =	sadd.s32 @!p1 s17, s18;
	s18 =	sor.u32 @!p1 $0x2000, s20  }
0x25: {  	[tilespmem:s18], [sflag:$0x1] =	stream.strided.gather @!p1 [hbm4b:s17+s22], $0x2000, s23, s22, $0x38;
	[tilespmem:$0x10100] =	vst v63  }
0x26: {  	p1 =	sge.u32 s31, s6  }
.Ltmp2:
0x27: {  	_ = 	snop;
	(pc) =	sbr.rel @p1 .LBB1_7-.Ltmp2, $1  }
0x28: {  	_ =	sdelay $0x3  }
0x29: {  	s17 =	simm.s32 $0x1;
	s19 =	sand.u32 $0x1, s13  }
0x2a: {  	_ =	swait.ge [sflag:s5], $0x4000;
	s17 =	simm.s32 @!p0 $0x0;
	s19 =	smul.u32 $0x10200, s19  }
0x2b: {  	p2 =	por $0x1, $0x1;
	[sflag:s5] =	ssyncset.done $0x0;
	s18 =	smul.u32 $0x10200, s17  }
0x2c: {  	s20 =	sshll.u32 s17, $0x10;
	[sflag:s5] =	ssyncadd.s32 $0xFFFFC000;
	s30 =	sshrl.u32 s19, $0x2  }
0x2d: {  	s31 =	sshrl.u32 s20, $0x2;
	s20 =	simm.s32 $0x0;
	s18 =	sshrl.u32 s18, $0x2  }
0x2e: {  	s17 =	sor.u32 $0x8000, s30;
	s19 =	sadd.s32 $0x20, s31;
	s18 =	sor.u32 $0x8000, s18  }
.LBB1_3:
0x2f: {  	s21 =	sshll.u32 s20, $0xD  }
0x30: {  	s21 =	sand.u32 $0x3FFFE000, s21  }
0x31: {  	s23 =	sadd.s32 s21, s19  }
0x32: {  	s31 =	smul.u32 $0x8100, s20;
	v3 =	vld [tilespmem:s23+$0x10]  }
0x33: {  	v1 =	vld [tilespmem:s23+$0xFFFFFFF0]  }
0x34: {  	s20 =	sshra.s32 s31, $0x2;
	v0 =	vld [tilespmem:s23+$0x0]  }
0x35: {  	s20 =	sadd.s32 s20, s18;
	v2 =	vld [tilespmem:s23+$0xFFFFFFE0]  }
0x36: {  	s21 =	sadd.s32 $0x0, s20  }
0x37: {  	p1 =	por p2, p2;
	s22 =	simm.s32 $0x4;
	s23 =	sadd.s32 $0x40, s23;
	[tilespmem:s21+$0x1830 ss:$0x81] =	vst.msk $0xffff, v3  }
.LBB1_4:
0x38: {  	v3 =	vld [tilespmem:s23+$0x10];
	p2 =	sne.s32 s22, $0x1FC;
	[tilespmem:s21+$0x810 ss:$0x81] =	vst.msk $0xffff, v1;
	s24 =	smov.u32 s22;
	s22 =	sadd.s32 $0x4, s22  }
.Ltmp3:
0x39: {  	v1 =	vld [tilespmem:s23+$0xFFFFFFF0];
	[tilespmem:s21+$0x1020 ss:$0x81] =	vst.msk $0xffff, v0;
	(pc) =	sbr.rel @p2 .LBB1_4-.Ltmp3, $4  }
0x3a: {  	v0 =	vld [tilespmem:s23+$0x0];
	[tilespmem:s21+$0x0 ss:$0x81] =	vst.msk $0xffff, v2  }
0x3b: {  	s21 =	sshra.s32 s24, $0x2;
	v2 =	vld [tilespmem:s23+$0xFFFFFFE0]  }
0x3c: {  	s21 =	sadd.s32 s21, s20  }
0x3d: {  	s23 =	sadd.s32 $0x40, s23;
	[tilespmem:s21+$0x1830 ss:$0x81] =	vst.msk $0xffff, v3  }
.Ltmp4:
0x3e: {  	(pc) =	sbr.rel @p1 .LBB1_3-.Ltmp4, $4  }
0x3f: {  	_ = 	snop  }
0x40: {  	[tilespmem:s21+$0x810 ss:$0x81] =	vst.msk $0xffff, v1  }
0x41: {  	[tilespmem:s21+$0x1020 ss:$0x81] =	vst.msk $0xffff, v0  }
0x42: {  	s20 =	simm.s32 $0x1;
	p2 =	por $0x0, $0x0;
	[tilespmem:s21+$0x0 ss:$0x81] =	vst.msk $0xffff, v2  }
0x43: {  	s18 =	sshll.u32 s16, $0x3  }
0x44: {  	s30 =	sand.u32 $0x7F, s16;
	s18 =	sand.u32 $0xFFFFFC00, s18  }
0x45: {  	s16 =	sor.u32 s30, s18;
	s18 =	smulhi.u32 $0xF0F0F0F1, s18  }
0x46: {  	s19 =	smulhi.u32 $0xF0F0F0F1, s16  }
0x47: {  	s15 =	smul.u32 $0x11000, s15  }
0x48: {  	s14 =	smul.u32 $0x4400, s14;
	s18 =	sshrl.u32 s18, $0xB;
	s19 =	sshrl.u32 s19, $0xB  }
0x49: {  	s18 =	sand.u32 $0x3F, s18;
	s19 =	smul.u32 $0x880, s19  }
0x4a: {  	s18 =	smul.u32 $0x110, s18  }
.Ltmp5:
0x4b: {  	s15 =	sadd.s32 s4, s15;
	s16 =	ssub.s32 s16, s19;
	(pc) =	sbr.rel .LBB1_7-.Ltmp5, $4  }
0x4c: {  	s14 =	sadd.s32 s14, s15;
	s31 =	sand.u32 $0x7, s16  }
0x4d: {  	s14 =	sadd.s32 s18, s14;
	s16 =	sshrl.u32 s16, $0x3;
	s15 =	sshll.u32 s31, $0x12  }
0x4e: {  	s14 =	sadd.s32 s16, s14;
	s15 =	sor.u32 $0x400, s15  }
0x4f: {  	[hbm4b:s14+s15] =	stream.strided.scatter [tilespmem:s17], [sflag:$0x2], $0x4000, s9, s15, $0x20;
	[tilespmem:$0x10100] =	vst v63  }
.LBB1_8:
0x50: {  	_ =	sfence.sel $0x180000  }
0x51: {  	s1 =	simm.s32 $0x1;
	[bflag:$0x0] =	sbarrier.arrive $0xFFFF  }
0x52: {  	s31 =	simm.s32 $0x2;
	[sflag:s1] =	ssyncpa.u1 $0x1  }
0x53: {  	[sflag:s31] =	ssyncpa.u1 $0x1  }
0x54: {  	p0 =	sne.s32 s3, $0x0;
	_ =	strace $0x9000005C  }
0x55: {  	s0 =	sadd.s32 @!p0 $0x100000, s0;
	[bflag:$0x2] =	sbarrier.arrive $0xFFFF  }
0x56: {  	[sflag:s0] =	ssyncadd.tile.s32 @!p0 $0x1;
	_ =	shalt  }
.Lfunc_end1:
_tile_overlayer_lowered:
.L_overlay_start_2:
0x57: {  	(tag) =	ssettag $0x2  }
0x58: {  	s0 =	rddreg [dreg:$0x0];
	s2 =	stileid.u32  }
0x59: {  	s1 =	rddreg [dreg:$0x1];
	p0 =	sne.s32 s2, $0x0  }
0x5a: {  	s3 =	rddreg [dreg:$0x2];
	[bflag:$0x3] =	sbarrier.arrive $0xFFFF;
	s2 =	simm.s32 @!p0 $0x1C01  }
0x5b: {  	[timem:s3], [sflag:s2] =	dma.local @!p0 [hbm:s0], s1  }
0x5c: {  	s0 =	simm.s32 @!p0 $0x1  }
0x5d: {  	_ =	swait.ge @!p0 [sflag:s0], s1  }
0x5e: {  	s1 =	ssub.s32 @!p0 $0x0, s1;
	[sflag:s0] =	ssyncset.done @!p0 $0x0  }
0x5f: {  	[sflag:s0] =	ssyncadd.s32 @!p0 s1  }
0x60: {  	[bflag:$0x3] =	sbarrier.arrive $0xFFFF  }
0x61: {  	_ =	shalt  }

// kernel: sparse-core-data-format-call.2.cloned.1.call-start
scs
called_computation.2_lowered:
.L_overlay_start_0:
0x0: {  	s2 =	sld [smem:$0x3FD9]  }
0x1: {  	s3 =	sld [smem:$0x3FFE];
	_ =	sdelay $0x1  }
0x2: {  	s1 =	srdreg.scid  }
0x3: {  	s0 =	sand.u32 $0x1, s1  }
0x4: {  	s18 =	sshll.u32 s0, $0xA;
	s2 =	sadd.s32 s3, s2  }
0x5: {  	s2 =	sadd.s32 s2, s18  }
0x6: {  	[smem:$0x3FB9] =	sst s2  }
0x7: {  	_ = 	snop  }
0x8: {  	s2 =	sld [smem:$0x3FD0];
	(tm) =	ssettm $0x1  }
0x9: {  	s19 =	sld [smem:$0x3FFB];
	_ =	sdelay $0x3  }
0xa: {  	_ =	strace s19  }
0xb: {  	s3 =	sld [smem:$0x3FFC];
	_ =	sdelay $0x3  }
0xc: {  	_ =	strace s3  }
0xd: {  	s3 =	sld [smem:$0x3FFD];
	_ =	sdelay $0x3  }
0xe: {  	_ =	strace s3  }
0xf: {  	_ =	strace $0x8FFFFFFF  }
0x10: {  	s20 =	sld [smem:$0x3FDB];
	_ =	sdelay $0x1  }
0x11: {  	s4 =	simm.s32 $_scs_section_size  }
0x12: {  	s5 =	simm.s32 $_size__tile_overlayer_lowered;
	s6 =	simm.s32 $_tile_overlayer_lowered  }
0x13: {  	s23 =	simm.s32 $0x1BFF;
	s22 =	sshll.u32 s6, $0x1;
	s3 =	sadd.s32 s4, s20  }
0x14: {  	s7 =	simm.s32 $0x0;
	s21 =	sshll.u32 s5, $0x1;
	s5 =	sadd.s32 s22, s3  }
0x15: {  	[timem:s7], [sflag:s23] =	dma.local [hbm:s5], s21  }
0x16: {  	_ =	swait.ge [sflag:s23], s21  }
0x17: {  	s4 =	ssub.s32 $0x0, s21;
	[sflag:s23] =	ssyncset.done $0x0  }
0x18: {  	[sflag:s23] =	ssyncadd.s32 s4;
	_ =	sdelay $0x1  }
0x19: {  	s24 =	simm.s32 $0x1B8B  }
0x1a: {  	_ =	swait.ge [sflag:s24], $0x1  }
0x1b: {  	[sflag:s24] =	ssyncset.done $0x0  }
0x1c: {  	s26 =	simm.s32 $0x1B8E;
	s25 =	sld [smem:$0x3FFE];
	[sflag:s24] =	ssyncadd.s32 $0xFFFFFFFF  }
0x1d: {  	s27 =	simm.s32 $execute0_lowered;
	[smem:$0x3FD2] =	sst s26  }
0x1e: {  	s5 =	sshll.u32 s27, $0x1;
	_ =	strace $0x80000052;
	[dreg:$0x1] =	wrdreg $0xFFFFFFFF  }
0x1f: {  	s28 =	simm.s32 $_size_execute0_lowered;
	s3 =	sadd.s32 s3, s5;
	[dreg:$0x0] =	wrdreg $0x0  }
0x20: {  	s5 =	sshll.u32 s28, $0x1;
	[dreg:$0x2] =	wrdreg s3  }
0x21: {  	[dreg:$0x3] =	wrdreg s5  }
0x22: {  	[dreg:$0x4] =	wrdreg $0xC0  }
0x23: {  	_ =	task [dreg:s7], $0x5FFFF  }
0x24: {  	[dreg:$0x1] =	wrdreg $0xFFFFFFFF  }
0x25: {  	[dreg:$0x0] =	wrdreg $0x60  }
0x26: {  	[dreg:$0x2] =	wrdreg s2  }
0x27: {  	[dreg:$0x3] =	wrdreg s25  }
0x28: {  	[dreg:$0x4] =	wrdreg $0x9  }
0x29: {  	_ =	task.clear_ibuf [dreg:s7], $0x5FFFF;
	_ =	strace $0x90000052  }
0x2a: {  	s29 =	simm.s32 $0x9;
	_ =	strace $0x80000054  }
0x2b: {  	_ =	swait.ge [sflag:s29], $0x1  }
0x2c: {  	[sflag:s29] =	ssyncadd.s32 $0xFFFFFFFF  }
0x2d: {  	_ =	strace $0x90000054  }
0x2e: {  	_ =	sfence  }
0x2f: {  	s30 =	sld [smem:$0x0];
	_ =	sdelay $0x2  }
0x30: {  	s31 =	sshll.u32 s1, $0xD;
	s1 =	sshrl.u32 s1, $0x2  }
0x31: {  	s3 =	sand.u32 $0x4000, s31;
	s1 =	sadd.s32 s1, s30  }
0x32: {  	s0 =	sor.u32 s3, s0;
	s1 =	sshll.u32 s1, $0x11  }
0x33: {  	s0 =	sor.u32 s1, s0  }
0x34: {  	s0 =	sadd.s32 $0x8F2B, s0  }
0x35: {  	[sflag:s0] =	ssyncadd.remote.s32 $0x1  }
0x36: {  	_ =	sfence.sel $0xFFFF  }
0x37: {  	[dreg:$0x0] =	wrdreg $0xFFFFFFFF;
	(pc) =	sbr.abs _section_cstart, $3  }
0x38: {  	[dreg:$0x1] =	wrdreg $0xFFFFFFFF  }
0x39: {  	_ =	task.clear_ibuf [dreg:s7], $0x2FFFF;
	_ =	strace $0x9FFFFFFF  }
0x3a: {  	(tm) =	ssettm $0x7FFFFFFF  }
0x3b: {  	_ =	shalt  }
tec
execute0_lowered:
.L_overlay_start_1:
0x0: {  	(tag) =	ssettag $0x1  }
0x1: {  	s1 =	rddreg [dreg:$0x0]  }
0x2: {  	s0 =	srdreg.scid;
	s3 =	rddreg [dreg:$0x1];
	s31 =	simm.s32 $0x2  }
0x3: {  	s16 =	simm.s32 $0x0;
	p0 =	por $0x0, $0x0;
	s0 =	sshll.u32 s0, $0x1  }
0x4: {  	s9 =	simm.s32 $0x4400;
	s14 =	simm.s32 $0x0;
	s2 =	sand.u32 $0x2, s0  }
0x5: {  	s15 =	simm.s32 $0x0;
	s10 =	simm.s32 $0x0;
	s4 =	ssub.s32 $0x4, s2  }
0x6: {  	s12 =	stileid.u32;
	s13 =	simm.s32 $0x0;
	s5 =	sshrl.u32 s4, $0x1  }
.Ltmp0:
0x7: {  	s6 =	sshrl.u32 s4, $0x2;
	s7 =	sand.u32 $0x1, s5;
	(pc) =	sbr.rel .LBB1_1-.Ltmp0, $4  }
0x8: {  	s0 =	rddreg [dreg:$0x2];
	_ =	strace $0x80000053;
	s30 =	sadd.s32 s6, s7  }
0x9: {  	s11 =	smov.u32 s2;
	s5 =	simm.s32 $0x1;
	s6 =	smul.u32 $0x11, s30  }
0xa: {  	s4 =	sadd.s32 $0x10EE00, s3;
	s3 =	stileid.u32;
	[sflag:s5] =	ssyncpa.u1 $0x0  }
0xb: {  	s7 =	sadd.s32 $0x8800, s1;
	[sflag:s31] =	ssyncpa.u1 $0x0;
	s8 =	sadd.s32 $0x1, s6  }
.LBB1_7:
0xc: {  	s17 =	sadd.s32 $0x80, s10  }
0xd: {  	s14 =	sadd.s32 $0x4, s11;
	s18 =	smov.u32 s11;
	p2 =	sgt.s32 s17, $0x87F  }
0xe: {  	s18 =	smov.u32 @p2 s14  }
0xf: {  	s20 =	smov.u32 s12;
	s14 =	sadd.s32 $0x10, s12;
	p3 =	sgt.s32 s18, $0x3  }
0x10: {  	s20 =	smov.u32 @p3 s14  }
0x11: {  	s17 =	simm.s32 @p2 $0x0;
	p2 =	sgt.s32 s20, $0xF  }
0x12: {  	p1 =	slt.u32 s13, $0x2;
	s20 =	smov.u32 @p2 s3;
	p2 =	sne.s32 s13, s8  }
.Ltmp1:
0x13: {  	s19 =	simm.s32 @!p1 $0x2;
	(pc) =	sbr.rel @!p2 .LBB1_8-.Ltmp1, $4  }
0x14: {  	s16 =	smov.u32 s10;
	s15 =	smov.u32 s12;
	_ =	swait.ge @!p1 [sflag:s19], $0x4000  }
0x15: {  	p0 =	por !p0, !p0;
	[sflag:s19] =	ssyncset.done @!p1 $0x0;
	s10 =	smov.u32 s17  }
0x16: {  	s18 =	smov.u32 @p3 s2;
	s14 =	smov.u32 s11;
	[sflag:s19] =	ssyncadd.s32 @!p1 $0xFFFFC000  }
0x17: {  	s11 =	smov.u32 s18;
	s13 =	sadd.s32 $0x1, s13;
	s12 =	smov.u32 s20  }
.LBB1_1:
0x18: {  	p1 =	sge.u32 s13, s6  }
0x19: {  	s17 =	sand.u32 @!p1 $0x1FFFFFF, s10  }
0x1a: {  	s18 =	smulhi.u32 @!p1 $0xF0F0F1, s17;
	_ =	sdelay $0x1  }
0x1b: {  	s19 =	smul.u32 @!p1 $0x22000, s12;
	s18 =	sshrl.u32 @!p1 s18, $0x3  }
0x1c: {  	s18 =	smul.u32 @!p1 $0x880, s18  }
0x1d: {  	s20 =	sxor.u32 @!p1 $0xFFFFFFFF, s13;
	s21 =	smul.u32 @!p1 $0x8800, s11  }
0x1e: {  	s22 =	simm.s32 @!p1 $0x40;
	s17 =	ssub.s32 @!p1 s17, s18;
	s18 =	sadd.s32 @!p1 s1, s19  }
0x1f: {  	s20 =	sshll.u32 @!p1 s20, $0xE;
	s17 =	sshll.u32 @!p1 s17, $0x4;
	s18 =	sadd.s32 @!p1 s21, s18  }
0x20: {  	s23 =	simm.s32 @!p1 $0x80;
	s20 =	sand.u32 @!p1 $0x4000, s20;
	s18 =	sadd.s32 @!p1 s17, s18  }
0x21: {  	[tilespmem:s20], [sflag:$0x1] =	stream.strided.gather @!p1 [hbm4b:s18+s22], $0x2000, s23, s22, $0x38;
	[tilespmem:$0x10100] =	vst v63  }
0x22: {  	s18 =	sadd.s32 @!p1 s19, s7  }
0x23: {  	s18 =	sadd.s32 @!p1 s21, s18  }
0x24: {  	s31 =	sadd.s32 $0xFFFFFFFF, s13;
	s17 =	sadd.s32 @!p1 s17, s18;
	s18 =	sor.u32 @!p1 $0x2000, s20  }
0x25: {  	[tilespmem:s18], [sflag:$0x1] =	stream.strided.gather @!p1 [hbm4b:s17+s22], $0x2000, s23, s22, $0x38;
	[tilespmem:$0x10100] =	vst v63  }
0x26: {  	p1 =	sge.u32 s31, s6  }
.Ltmp2:
0x27: {  	_ = 	snop;
	(pc) =	sbr.rel @p1 .LBB1_7-.Ltmp2, $1  }
0x28: {  	_ =	sdelay $0x3  }
0x29: {  	s17 =	simm.s32 $0x1;
	s19 =	sand.u32 $0x1, s13  }
0x2a: {  	_ =	swait.ge [sflag:s5], $0x4000;
	s17 =	simm.s32 @!p0 $0x0;
	s19 =	smul.u32 $0x10200, s19  }
0x2b: {  	p2 =	por $0x1, $0x1;
	[sflag:s5] =	ssyncset.done $0x0;
	s18 =	smul.u32 $0x10200, s17  }
0x2c: {  	s20 =	sshll.u32 s17, $0x10;
	[sflag:s5] =	ssyncadd.s32 $0xFFFFC000;
	s30 =	sshrl.u32 s19, $0x2  }
0x2d: {  	s31 =	sshrl.u32 s20, $0x2;
	s20 =	simm.s32 $0x0;
	s18 =	sshrl.u32 s18, $0x2  }
0x2e: {  	s17 =	sor.u32 $0x8000, s30;
	s19 =	sadd.s32 $0x20, s31;
	s18 =	sor.u32 $0x8000, s18  }
.LBB1_3:
0x2f: {  	s21 =	sshll.u32 s20, $0xD  }
0x30: {  	s21 =	sand.u32 $0x3FFFE000, s21  }
0x31: {  	s23 =	sadd.s32 s21, s19  }
0x32: {  	s31 =	smul.u32 $0x8100, s20;
	v3 =	vld [tilespmem:s23+$0x10]  }
0x33: {  	v1 =	vld [tilespmem:s23+$0xFFFFFFF0]  }
0x34: {  	s20 =	sshra.s32 s31, $0x2;
	v0 =	vld [tilespmem:s23+$0x0]  }
0x35: {  	s20 =	sadd.s32 s20, s18;
	v2 =	vld [tilespmem:s23+$0xFFFFFFE0]  }
0x36: {  	s21 =	sadd.s32 $0x0, s20  }
0x37: {  	p1 =	por p2, p2;
	s22 =	simm.s32 $0x4;
	s23 =	sadd.s32 $0x40, s23;
	[tilespmem:s21+$0x1830 ss:$0x81] =	vst.msk $0xffff, v3  }
.LBB1_4:
0x38: {  	v3 =	vld [tilespmem:s23+$0x10];
	p2 =	sne.s32 s22, $0x1FC;
	[tilespmem:s21+$0x810 ss:$0x81] =	vst.msk $0xffff, v1;
	s24 =	smov.u32 s22;
	s22 =	sadd.s32 $0x4, s22  }
.Ltmp3:
0x39: {  	v1 =	vld [tilespmem:s23+$0xFFFFFFF0];
	[tilespmem:s21+$0x1020 ss:$0x81] =	vst.msk $0xffff, v0;
	(pc) =	sbr.rel @p2 .LBB1_4-.Ltmp3, $4  }
0x3a: {  	v0 =	vld [tilespmem:s23+$0x0];
	[tilespmem:s21+$0x0 ss:$0x81] =	vst.msk $0xffff, v2  }
0x3b: {  	s21 =	sshra.s32 s24, $0x2;
	v2 =	vld [tilespmem:s23+$0xFFFFFFE0]  }
0x3c: {  	s21 =	sadd.s32 s21, s20  }
0x3d: {  	s23 =	sadd.s32 $0x40, s23;
	[tilespmem:s21+$0x1830 ss:$0x81] =	vst.msk $0xffff, v3  }
.Ltmp4:
0x3e: {  	(pc) =	sbr.rel @p1 .LBB1_3-.Ltmp4, $4  }
0x3f: {  	_ = 	snop  }
0x40: {  	[tilespmem:s21+$0x810 ss:$0x81] =	vst.msk $0xffff, v1  }
0x41: {  	[tilespmem:s21+$0x1020 ss:$0x81] =	vst.msk $0xffff, v0  }
0x42: {  	s20 =	simm.s32 $0x1;
	p2 =	por $0x0, $0x0;
	[tilespmem:s21+$0x0 ss:$0x81] =	vst.msk $0xffff, v2  }
0x43: {  	s18 =	sshll.u32 s16, $0x3  }
0x44: {  	s30 =	sand.u32 $0x7F, s16;
	s18 =	sand.u32 $0xFFFFFC00, s18  }
0x45: {  	s16 =	sor.u32 s30, s18;
	s18 =	smulhi.u32 $0xF0F0F0F1, s18  }
0x46: {  	s19 =	smulhi.u32 $0xF0F0F0F1, s16  }
0x47: {  	s15 =	smul.u32 $0x11000, s15  }
0x48: {  	s14 =	smul.u32 $0x4400, s14;
	s18 =	sshrl.u32 s18, $0xB;
	s19 =	sshrl.u32 s19, $0xB  }
0x49: {  	s18 =	sand.u32 $0x3F, s18;
	s19 =	smul.u32 $0x880, s19  }
0x4a: {  	s18 =	smul.u32 $0x110, s18  }
.Ltmp5:
0x4b: {  	s15 =	sadd.s32 s4, s15;
	s16 =	ssub.s32 s16, s19;
	(pc) =	sbr.rel .LBB1_7-.Ltmp5, $4  }
0x4c: {  	s14 =	sadd.s32 s14, s15;
	s31 =	sand.u32 $0x7, s16  }
0x4d: {  	s14 =	sadd.s32 s18, s14;
	s16 =	sshrl.u32 s16, $0x3;
	s15 =	sshll.u32 s31, $0x12  }
0x4e: {  	s14 =	sadd.s32 s16, s14;
	s15 =	sor.u32 $0x400, s15  }
0x4f: {  	[hbm4b:s14+s15] =	stream.strided.scatter [tilespmem:s17], [sflag:$0x2], $0x4000, s9, s15, $0x20;
	[tilespmem:$0x10100] =	vst v63  }
.LBB1_8:
0x50: {  	_ =	sfence.sel $0x180000  }
0x51: {  	s1 =	simm.s32 $0x1;
	[bflag:$0x0] =	sbarrier.arrive $0xFFFF  }
0x52: {  	s31 =	simm.s32 $0x2;
	[sflag:s1] =	ssyncpa.u1 $0x1  }
0x53: {  	[sflag:s31] =	ssyncpa.u1 $0x1  }
0x54: {  	p0 =	sne.s32 s3, $0x0;
	_ =	strace $0x90000053  }
0x55: {  	s0 =	sadd.s32 @!p0 $0x100000, s0;
	[bflag:$0x2] =	sbarrier.arrive $0xFFFF  }
0x56: {  	[sflag:s0] =	ssyncadd.tile.s32 @!p0 $0x1;
	_ =	shalt  }
.Lfunc_end1:
_tile_overlayer_lowered:
.L_overlay_start_2:
0x57: {  	(tag) =	ssettag $0x2  }
0x58: {  	s0 =	rddreg [dreg:$0x0];
	s2 =	stileid.u32  }
0x59: {  	s1 =	rddreg [dreg:$0x1];
	p0 =	sne.s32 s2, $0x0  }
0x5a: {  	s3 =	rddreg [dreg:$0x2];
	[bflag:$0x3] =	sbarrier.arrive $0xFFFF;
	s2 =	simm.s32 @!p0 $0x1C01  }
0x5b: {  	[timem:s3], [sflag:s2] =	dma.local @!p0 [hbm:s0], s1  }
0x5c: {  	s0 =	simm.s32 @!p0 $0x1  }
0x5d: {  	_ =	swait.ge @!p0 [sflag:s0], s1  }
0x5e: {  	s1 =	ssub.s32 @!p0 $0x0, s1;
	[sflag:s0] =	ssyncset.done @!p0 $0x0  }
0x5f: {  	[sflag:s0] =	ssyncadd.s32 @!p0 s1  }
0x60: {  	[bflag:$0x3] =	sbarrier.arrive $0xFFFF  }
0x61: {  	_ =	shalt  }

// kernel: sparse-core-data-format-call.3.cloned.1.call-start
scs
called_computation.3_lowered:
.L_overlay_start_0:
0x0: {  	s2 =	sld [smem:$0x3FD9]  }
0x1: {  	s3 =	sld [smem:$0x3FFE];
	_ =	sdelay $0x1  }
0x2: {  	s1 =	srdreg.scid  }
0x3: {  	s0 =	sand.u32 $0x1, s1  }
0x4: {  	s18 =	sshll.u32 s0, $0xA;
	s2 =	sadd.s32 s3, s2  }
0x5: {  	s2 =	sadd.s32 s2, s18  }
0x6: {  	[smem:$0x3FB9] =	sst s2  }
0x7: {  	_ = 	snop  }
0x8: {  	s2 =	sld [smem:$0x3FD0];
	(tm) =	ssettm $0x1  }
0x9: {  	s19 =	sld [smem:$0x3FFB];
	_ =	sdelay $0x3  }
0xa: {  	_ =	strace s19  }
0xb: {  	s3 =	sld [smem:$0x3FFC];
	_ =	sdelay $0x3  }
0xc: {  	_ =	strace s3  }
0xd: {  	s3 =	sld [smem:$0x3FFD];
	_ =	sdelay $0x3  }
0xe: {  	_ =	strace s3  }
0xf: {  	_ =	strace $0x8FFFFFFF  }
0x10: {  	s20 =	sld [smem:$0x3FDB];
	_ =	sdelay $0x1  }
0x11: {  	s4 =	simm.s32 $_scs_section_size  }
0x12: {  	s5 =	simm.s32 $_size__tile_overlayer_lowered;
	s6 =	simm.s32 $_tile_overlayer_lowered  }
0x13: {  	s23 =	simm.s32 $0x1BFF;
	s22 =	sshll.u32 s6, $0x1;
	s3 =	sadd.s32 s4, s20  }
0x14: {  	s7 =	simm.s32 $0x0;
	s21 =	sshll.u32 s5, $0x1;
	s5 =	sadd.s32 s22, s3  }
0x15: {  	[timem:s7], [sflag:s23] =	dma.local [hbm:s5], s21  }
0x16: {  	_ =	swait.ge [sflag:s23], s21  }
0x17: {  	s4 =	ssub.s32 $0x0, s21;
	[sflag:s23] =	ssyncset.done $0x0  }
0x18: {  	[sflag:s23] =	ssyncadd.s32 s4;
	_ =	sdelay $0x1  }
0x19: {  	s24 =	simm.s32 $0x1B8B  }
0x1a: {  	_ =	swait.ge [sflag:s24], $0x1  }
0x1b: {  	[sflag:s24] =	ssyncset.done $0x0  }
0x1c: {  	s26 =	simm.s32 $0x1B8E;
	s25 =	sld [smem:$0x3FFE];
	[sflag:s24] =	ssyncadd.s32 $0xFFFFFFFF  }
0x1d: {  	s27 =	simm.s32 $execute0_lowered;
	[smem:$0x3FD2] =	sst s26  }
0x1e: {  	s5 =	sshll.u32 s27, $0x1;
	_ =	strace $0x80000049;
	[dreg:$0x1] =	wrdreg $0xFFFFFFFF  }
0x1f: {  	s28 =	simm.s32 $_size_execute0_lowered;
	s3 =	sadd.s32 s3, s5;
	[dreg:$0x0] =	wrdreg $0x0  }
0x20: {  	s5 =	sshll.u32 s28, $0x1;
	[dreg:$0x2] =	wrdreg s3  }
0x21: {  	[dreg:$0x3] =	wrdreg s5  }
0x22: {  	[dreg:$0x4] =	wrdreg $0xC0  }
0x23: {  	_ =	task [dreg:s7], $0x5FFFF  }
0x24: {  	[dreg:$0x1] =	wrdreg $0xFFFFFFFF  }
0x25: {  	[dreg:$0x0] =	wrdreg $0x60  }
0x26: {  	[dreg:$0x2] =	wrdreg s2  }
0x27: {  	[dreg:$0x3] =	wrdreg s25  }
0x28: {  	[dreg:$0x4] =	wrdreg $0x9  }
0x29: {  	_ =	task.clear_ibuf [dreg:s7], $0x5FFFF;
	_ =	strace $0x90000049  }
0x2a: {  	s29 =	simm.s32 $0x9;
	_ =	strace $0x8000004B  }
0x2b: {  	_ =	swait.ge [sflag:s29], $0x1  }
0x2c: {  	[sflag:s29] =	ssyncadd.s32 $0xFFFFFFFF  }
0x2d: {  	_ =	strace $0x9000004B  }
0x2e: {  	_ =	sfence  }
0x2f: {  	s30 =	sld [smem:$0x0];
	_ =	sdelay $0x2  }
0x30: {  	s31 =	sshll.u32 s1, $0xD;
	s1 =	sshrl.u32 s1, $0x2  }
0x31: {  	s3 =	sand.u32 $0x4000, s31;
	s1 =	sadd.s32 s1, s30  }
0x32: {  	s0 =	sor.u32 s3, s0;
	s1 =	sshll.u32 s1, $0x11  }
0x33: {  	s0 =	sor.u32 s1, s0  }
0x34: {  	s0 =	sadd.s32 $0x8F2B, s0  }
0x35: {  	[sflag:s0] =	ssyncadd.remote.s32 $0x1  }
0x36: {  	_ =	sfence.sel $0xFFFF  }
0x37: {  	[dreg:$0x0] =	wrdreg $0xFFFFFFFF;
	(pc) =	sbr.abs _section_cstart, $3  }
0x38: {  	[dreg:$0x1] =	wrdreg $0xFFFFFFFF  }
0x39: {  	_ =	task.clear_ibuf [dreg:s7], $0x2FFFF;
	_ =	strace $0x9FFFFFFF  }
0x3a: {  	(tm) =	ssettm $0x7FFFFFFF  }
0x3b: {  	_ =	shalt  }
tec
execute0_lowered:
.L_overlay_start_1:
0x0: {  	(tag) =	ssettag $0x1  }
0x1: {  	s1 =	rddreg [dreg:$0x0]  }
0x2: {  	s0 =	srdreg.scid;
	s3 =	rddreg [dreg:$0x1];
	s31 =	simm.s32 $0x2  }
0x3: {  	s16 =	simm.s32 $0x0;
	p0 =	por $0x0, $0x0;
	s0 =	sshll.u32 s0, $0x1  }
0x4: {  	s9 =	simm.s32 $0x4400;
	s14 =	simm.s32 $0x0;
	s2 =	sand.u32 $0x2, s0  }
0x5: {  	s15 =	simm.s32 $0x0;
	s10 =	simm.s32 $0x0;
	s4 =	ssub.s32 $0x4, s2  }
0x6: {  	s12 =	stileid.u32;
	s13 =	simm.s32 $0x0;
	s5 =	sshrl.u32 s4, $0x1  }
.Ltmp0:
0x7: {  	s6 =	sshrl.u32 s4, $0x2;
	s7 =	sand.u32 $0x1, s5;
	(pc) =	sbr.rel .LBB1_1-.Ltmp0, $4  }
0x8: {  	s0 =	rddreg [dreg:$0x2];
	_ =	strace $0x8000004A;
	s30 =	sadd.s32 s6, s7  }
0x9: {  	s11 =	smov.u32 s2;
	s5 =	simm.s32 $0x1;
	s6 =	smul.u32 $0x11, s30  }
0xa: {  	s4 =	sadd.s32 $0xCC800, s3;
	s3 =	stileid.u32;
	[sflag:s5] =	ssyncpa.u1 $0x0  }
0xb: {  	s7 =	sadd.s32 $0x8800, s1;
	[sflag:s31] =	ssyncpa.u1 $0x0;
	s8 =	sadd.s32 $0x1, s6  }
.LBB1_7:
0xc: {  	s17 =	sadd.s32 $0x80, s10  }
0xd: {  	s14 =	sadd.s32 $0x4, s11;
	s18 =	smov.u32 s11;
	p2 =	sgt.s32 s17, $0x87F  }
0xe: {  	s18 =	smov.u32 @p2 s14  }
0xf: {  	s20 =	smov.u32 s12;
	s14 =	sadd.s32 $0x10, s12;
	p3 =	sgt.s32 s18, $0x3  }
0x10: {  	s20 =	smov.u32 @p3 s14  }
0x11: {  	s17 =	simm.s32 @p2 $0x0;
	p2 =	sgt.s32 s20, $0xF  }
0x12: {  	p1 =	slt.u32 s13, $0x2;
	s20 =	smov.u32 @p2 s3;
	p2 =	sne.s32 s13, s8  }
.Ltmp1:
0x13: {  	s19 =	simm.s32 @!p1 $0x2;
	(pc) =	sbr.rel @!p2 .LBB1_8-.Ltmp1, $4  }
0x14: {  	s16 =	smov.u32 s10;
	s15 =	smov.u32 s12;
	_ =	swait.ge @!p1 [sflag:s19], $0x4000  }
0x15: {  	p0 =	por !p0, !p0;
	[sflag:s19] =	ssyncset.done @!p1 $0x0;
	s10 =	smov.u32 s17  }
0x16: {  	s18 =	smov.u32 @p3 s2;
	s14 =	smov.u32 s11;
	[sflag:s19] =	ssyncadd.s32 @!p1 $0xFFFFC000  }
0x17: {  	s11 =	smov.u32 s18;
	s13 =	sadd.s32 $0x1, s13;
	s12 =	smov.u32 s20  }
.LBB1_1:
0x18: {  	p1 =	sge.u32 s13, s6  }
0x19: {  	s17 =	sand.u32 @!p1 $0x1FFFFFF, s10  }
0x1a: {  	s18 =	smulhi.u32 @!p1 $0xF0F0F1, s17;
	_ =	sdelay $0x1  }
0x1b: {  	s19 =	smul.u32 @!p1 $0x22000, s12;
	s18 =	sshrl.u32 @!p1 s18, $0x3  }
0x1c: {  	s18 =	smul.u32 @!p1 $0x880, s18  }
0x1d: {  	s20 =	sxor.u32 @!p1 $0xFFFFFFFF, s13;
	s21 =	smul.u32 @!p1 $0x8800, s11  }
0x1e: {  	s22 =	simm.s32 @!p1 $0x40;
	s17 =	ssub.s32 @!p1 s17, s18;
	s18 =	sadd.s32 @!p1 s1, s19  }
0x1f: {  	s20 =	sshll.u32 @!p1 s20, $0xE;
	s17 =	sshll.u32 @!p1 s17, $0x4;
	s18 =	sadd.s32 @!p1 s21, s18  }
0x20: {  	s23 =	simm.s32 @!p1 $0x80;
	s20 =	sand.u32 @!p1 $0x4000, s20;
	s18 =	sadd.s32 @!p1 s17, s18  }
0x21: {  	[tilespmem:s20], [sflag:$0x1] =	stream.strided.gather @!p1 [hbm4b:s18+s22], $0x2000, s23, s22, $0x38;
	[tilespmem:$0x10100] =	vst v63  }
0x22: {  	s18 =	sadd.s32 @!p1 s19, s7  }
0x23: {  	s18 =	sadd.s32 @!p1 s21, s18  }
0x24: {  	s31 =	sadd.s32 $0xFFFFFFFF, s13;
	s17 =	sadd.s32 @!p1 s17, s18;
	s18 =	sor.u32 @!p1 $0x2000, s20  }
0x25: {  	[tilespmem:s18], [sflag:$0x1] =	stream.strided.gather @!p1 [hbm4b:s17+s22], $0x2000, s23, s22, $0x38;
	[tilespmem:$0x10100] =	vst v63  }
0x26: {  	p1 =	sge.u32 s31, s6  }
.Ltmp2:
0x27: {  	_ = 	snop;
	(pc) =	sbr.rel @p1 .LBB1_7-.Ltmp2, $1  }
0x28: {  	_ =	sdelay $0x3  }
0x29: {  	s17 =	simm.s32 $0x1;
	s19 =	sand.u32 $0x1, s13  }
0x2a: {  	_ =	swait.ge [sflag:s5], $0x4000;
	s17 =	simm.s32 @!p0 $0x0;
	s19 =	smul.u32 $0x10200, s19  }
0x2b: {  	p2 =	por $0x1, $0x1;
	[sflag:s5] =	ssyncset.done $0x0;
	s18 =	smul.u32 $0x10200, s17  }
0x2c: {  	s20 =	sshll.u32 s17, $0x10;
	[sflag:s5] =	ssyncadd.s32 $0xFFFFC000;
	s30 =	sshrl.u32 s19, $0x2  }
0x2d: {  	s31 =	sshrl.u32 s20, $0x2;
	s20 =	simm.s32 $0x0;
	s18 =	sshrl.u32 s18, $0x2  }
0x2e: {  	s17 =	sor.u32 $0x8000, s30;
	s19 =	sadd.s32 $0x20, s31;
	s18 =	sor.u32 $0x8000, s18  }
.LBB1_3:
0x2f: {  	s21 =	sshll.u32 s20, $0xD  }
0x30: {  	s21 =	sand.u32 $0x3FFFE000, s21  }
0x31: {  	s23 =	sadd.s32 s21, s19  }
0x32: {  	s31 =	smul.u32 $0x8100, s20;
	v3 =	vld [tilespmem:s23+$0x10]  }
0x33: {  	v1 =	vld [tilespmem:s23+$0xFFFFFFF0]  }
0x34: {  	s20 =	sshra.s32 s31, $0x2;
	v0 =	vld [tilespmem:s23+$0x0]  }
0x35: {  	s20 =	sadd.s32 s20, s18;
	v2 =	vld [tilespmem:s23+$0xFFFFFFE0]  }
0x36: {  	s21 =	sadd.s32 $0x0, s20  }
0x37: {  	p1 =	por p2, p2;
	s22 =	simm.s32 $0x4;
	s23 =	sadd.s32 $0x40, s23;
	[tilespmem:s21+$0x1830 ss:$0x81] =	vst.msk $0xffff, v3  }
.LBB1_4:
0x38: {  	v3 =	vld [tilespmem:s23+$0x10];
	p2 =	sne.s32 s22, $0x1FC;
	[tilespmem:s21+$0x810 ss:$0x81] =	vst.msk $0xffff, v1;
	s24 =	smov.u32 s22;
	s22 =	sadd.s32 $0x4, s22  }
.Ltmp3:
0x39: {  	v1 =	vld [tilespmem:s23+$0xFFFFFFF0];
	[tilespmem:s21+$0x1020 ss:$0x81] =	vst.msk $0xffff, v0;
	(pc) =	sbr.rel @p2 .LBB1_4-.Ltmp3, $4  }
0x3a: {  	v0 =	vld [tilespmem:s23+$0x0];
	[tilespmem:s21+$0x0 ss:$0x81] =	vst.msk $0xffff, v2  }
0x3b: {  	s21 =	sshra.s32 s24, $0x2;
	v2 =	vld [tilespmem:s23+$0xFFFFFFE0]  }
0x3c: {  	s21 =	sadd.s32 s21, s20  }
0x3d: {  	s23 =	sadd.s32 $0x40, s23;
	[tilespmem:s21+$0x1830 ss:$0x81] =	vst.msk $0xffff, v3  }
.Ltmp4:
0x3e: {  	(pc) =	sbr.rel @p1 .LBB1_3-.Ltmp4, $4  }
0x3f: {  	_ = 	snop  }
0x40: {  	[tilespmem:s21+$0x810 ss:$0x81] =	vst.msk $0xffff, v1  }
0x41: {  	[tilespmem:s21+$0x1020 ss:$0x81] =	vst.msk $0xffff, v0  }
0x42: {  	s20 =	simm.s32 $0x1;
	p2 =	por $0x0, $0x0;
	[tilespmem:s21+$0x0 ss:$0x81] =	vst.msk $0xffff, v2  }
0x43: {  	s18 =	sshll.u32 s16, $0x3  }
0x44: {  	s30 =	sand.u32 $0x7F, s16;
	s18 =	sand.u32 $0xFFFFFC00, s18  }
0x45: {  	s16 =	sor.u32 s30, s18;
	s18 =	smulhi.u32 $0xF0F0F0F1, s18  }
0x46: {  	s19 =	smulhi.u32 $0xF0F0F0F1, s16  }
0x47: {  	s15 =	smul.u32 $0x11000, s15  }
0x48: {  	s14 =	smul.u32 $0x4400, s14;
	s18 =	sshrl.u32 s18, $0xB;
	s19 =	sshrl.u32 s19, $0xB  }
0x49: {  	s18 =	sand.u32 $0x3F, s18;
	s19 =	smul.u32 $0x880, s19  }
0x4a: {  	s18 =	smul.u32 $0x110, s18  }
.Ltmp5:
0x4b: {  	s15 =	sadd.s32 s4, s15;
	s16 =	ssub.s32 s16, s19;
	(pc) =	sbr.rel .LBB1_7-.Ltmp5, $4  }
0x4c: {  	s14 =	sadd.s32 s14, s15;
	s31 =	sand.u32 $0x7, s16  }
0x4d: {  	s14 =	sadd.s32 s18, s14;
	s16 =	sshrl.u32 s16, $0x3;
	s15 =	sshll.u32 s31, $0x12  }
0x4e: {  	s14 =	sadd.s32 s16, s14;
	s15 =	sor.u32 $0x400, s15  }
0x4f: {  	[hbm4b:s14+s15] =	stream.strided.scatter [tilespmem:s17], [sflag:$0x2], $0x4000, s9, s15, $0x20;
	[tilespmem:$0x10100] =	vst v63  }
.LBB1_8:
0x50: {  	_ =	sfence.sel $0x180000  }
0x51: {  	s1 =	simm.s32 $0x1;
	[bflag:$0x0] =	sbarrier.arrive $0xFFFF  }
0x52: {  	s31 =	simm.s32 $0x2;
	[sflag:s1] =	ssyncpa.u1 $0x1  }
0x53: {  	[sflag:s31] =	ssyncpa.u1 $0x1  }
0x54: {  	p0 =	sne.s32 s3, $0x0;
	_ =	strace $0x9000004A  }
0x55: {  	s0 =	sadd.s32 @!p0 $0x100000, s0;
	[bflag:$0x2] =	sbarrier.arrive $0xFFFF  }
0x56: {  	[sflag:s0] =	ssyncadd.tile.s32 @!p0 $0x1;
	_ =	shalt  }
.Lfunc_end1:
_tile_overlayer_lowered:
.L_overlay_start_2:
0x57: {  	(tag) =	ssettag $0x2  }
0x58: {  	s0 =	rddreg [dreg:$0x0];
	s2 =	stileid.u32  }
0x59: {  	s1 =	rddreg [dreg:$0x1];
	p0 =	sne.s32 s2, $0x0  }
0x5a: {  	s3 =	rddreg [dreg:$0x2];
	[bflag:$0x3] =	sbarrier.arrive $0xFFFF;
	s2 =	simm.s32 @!p0 $0x1C01  }
0x5b: {  	[timem:s3], [sflag:s2] =	dma.local @!p0 [hbm:s0], s1  }
0x5c: {  	s0 =	simm.s32 @!p0 $0x1  }
0x5d: {  	_ =	swait.ge @!p0 [sflag:s0], s1  }
0x5e: {  	s1 =	ssub.s32 @!p0 $0x0, s1;
	[sflag:s0] =	ssyncset.done @!p0 $0x0  }
0x5f: {  	[sflag:s0] =	ssyncadd.s32 @!p0 s1  }
0x60: {  	[bflag:$0x3] =	sbarrier.arrive $0xFFFF  }
0x61: {  	_ =	shalt  }

// kernel: sparse-core-data-format-call.cloned.1.call-start
scs
called_computation_lowered:
.L_overlay_start_0:
0x0: {  	s2 =	sld [smem:$0x3FD9]  }
0x1: {  	s3 =	sld [smem:$0x3FFE];
	_ =	sdelay $0x1  }
0x2: {  	s1 =	srdreg.scid  }
0x3: {  	s0 =	sand.u32 $0x1, s1  }
0x4: {  	s18 =	sshll.u32 s0, $0xA;
	s2 =	sadd.s32 s3, s2  }
0x5: {  	s2 =	sadd.s32 s2, s18  }
0x6: {  	[smem:$0x3FB9] =	sst s2  }
0x7: {  	_ = 	snop  }
0x8: {  	s2 =	sld [smem:$0x3FD0];
	(tm) =	ssettm $0x1  }
0x9: {  	s19 =	sld [smem:$0x3FFB];
	_ =	sdelay $0x3  }
0xa: {  	_ =	strace s19  }
0xb: {  	s3 =	sld [smem:$0x3FFC];
	_ =	sdelay $0x3  }
0xc: {  	_ =	strace s3  }
0xd: {  	s3 =	sld [smem:$0x3FFD];
	_ =	sdelay $0x3  }
0xe: {  	_ =	strace s3  }
0xf: {  	_ =	strace $0x8FFFFFFF  }
0x10: {  	s20 =	sld [smem:$0x3FDB];
	_ =	sdelay $0x1  }
0x11: {  	s4 =	simm.s32 $_scs_section_size  }
0x12: {  	s5 =	simm.s32 $_size__tile_overlayer_lowered;
	s6 =	simm.s32 $_tile_overlayer_lowered  }
0x13: {  	s23 =	simm.s32 $0x1BFF;
	s22 =	sshll.u32 s6, $0x1;
	s3 =	sadd.s32 s4, s20  }
0x14: {  	s7 =	simm.s32 $0x0;
	s21 =	sshll.u32 s5, $0x1;
	s5 =	sadd.s32 s22, s3  }
0x15: {  	[timem:s7], [sflag:s23] =	dma.local [hbm:s5], s21  }
0x16: {  	_ =	swait.ge [sflag:s23], s21  }
0x17: {  	s4 =	ssub.s32 $0x0, s21;
	[sflag:s23] =	ssyncset.done $0x0  }
0x18: {  	[sflag:s23] =	ssyncadd.s32 s4;
	_ =	sdelay $0x1  }
0x19: {  	s24 =	simm.s32 $0x1B8B  }
0x1a: {  	_ =	swait.ge [sflag:s24], $0x1  }
0x1b: {  	[sflag:s24] =	ssyncset.done $0x0  }
0x1c: {  	s26 =	simm.s32 $0x1B8E;
	s25 =	sld [smem:$0x3FFE];
	[sflag:s24] =	ssyncadd.s32 $0xFFFFFFFF  }
0x1d: {  	s27 =	simm.s32 $execute0_lowered;
	[smem:$0x3FD2] =	sst s26  }
0x1e: {  	s5 =	sshll.u32 s27, $0x1;
	_ =	strace $0x80000064;
	[dreg:$0x1] =	wrdreg $0xFFFFFFFF  }
0x1f: {  	s28 =	simm.s32 $_size_execute0_lowered;
	s3 =	sadd.s32 s3, s5;
	[dreg:$0x0] =	wrdreg $0x0  }
0x20: {  	s5 =	sshll.u32 s28, $0x1;
	[dreg:$0x2] =	wrdreg s3  }
0x21: {  	[dreg:$0x3] =	wrdreg s5  }
0x22: {  	[dreg:$0x4] =	wrdreg $0xC0  }
0x23: {  	_ =	task [dreg:s7], $0x5FFFF  }
0x24: {  	[dreg:$0x1] =	wrdreg $0xFFFFFFFF  }
0x25: {  	[dreg:$0x0] =	wrdreg $0x60  }
0x26: {  	[dreg:$0x2] =	wrdreg s2  }
0x27: {  	[dreg:$0x3] =	wrdreg s25  }
0x28: {  	[dreg:$0x4] =	wrdreg $0x9  }
0x29: {  	_ =	task.clear_ibuf [dreg:s7], $0x5FFFF;
	_ =	strace $0x90000064  }
0x2a: {  	s29 =	simm.s32 $0x9;
	_ =	strace $0x80000066  }
0x2b: {  	_ =	swait.ge [sflag:s29], $0x1  }
0x2c: {  	[sflag:s29] =	ssyncadd.s32 $0xFFFFFFFF  }
0x2d: {  	_ =	strace $0x90000066  }
0x2e: {  	_ =	sfence  }
0x2f: {  	s30 =	sld [smem:$0x0];
	_ =	sdelay $0x2  }
0x30: {  	s31 =	sshll.u32 s1, $0xD;
	s1 =	sshrl.u32 s1, $0x2  }
0x31: {  	s3 =	sand.u32 $0x4000, s31;
	s1 =	sadd.s32 s1, s30  }
0x32: {  	s0 =	sor.u32 s3, s0;
	s1 =	sshll.u32 s1, $0x11  }
0x33: {  	s0 =	sor.u32 s1, s0  }
0x34: {  	s0 =	sadd.s32 $0x8F2B, s0  }
0x35: {  	[sflag:s0] =	ssyncadd.remote.s32 $0x1  }
0x36: {  	_ =	sfence.sel $0xFFFF  }
0x37: {  	[dreg:$0x0] =	wrdreg $0xFFFFFFFF;
	(pc) =	sbr.abs _section_cstart, $3  }
0x38: {  	[dreg:$0x1] =	wrdreg $0xFFFFFFFF  }
0x39: {  	_ =	task.clear_ibuf [dreg:s7], $0x2FFFF;
	_ =	strace $0x9FFFFFFF  }
0x3a: {  	(tm) =	ssettm $0x7FFFFFFF  }
0x3b: {  	_ =	shalt  }
tec
execute0_lowered:
.L_overlay_start_1:
0x0: {  	(tag) =	ssettag $0x1  }
0x1: {  	s1 =	rddreg [dreg:$0x0]  }
0x2: {  	s0 =	srdreg.scid;
	s3 =	rddreg [dreg:$0x1];
	s31 =	simm.s32 $0x2  }
0x3: {  	s16 =	simm.s32 $0x0;
	p0 =	por $0x0, $0x0;
	s0 =	sshll.u32 s0, $0x1  }
0x4: {  	s9 =	simm.s32 $0x4400;
	s14 =	simm.s32 $0x0;
	s2 =	sand.u32 $0x2, s0  }
0x5: {  	s15 =	simm.s32 $0x0;
	s10 =	simm.s32 $0x0;
	s4 =	ssub.s32 $0x4, s2  }
0x6: {  	s12 =	stileid.u32;
	s13 =	simm.s32 $0x0;
	s5 =	sshrl.u32 s4, $0x1  }
.Ltmp0:
0x7: {  	s6 =	sshrl.u32 s4, $0x2;
	s7 =	sand.u32 $0x1, s5;
	(pc) =	sbr.rel .LBB1_1-.Ltmp0, $4  }
0x8: {  	s0 =	rddreg [dreg:$0x2];
	_ =	strace $0x80000065;
	s30 =	sadd.s32 s6, s7  }
0x9: {  	s11 =	smov.u32 s2;
	s5 =	simm.s32 $0x1;
	s6 =	smul.u32 $0x11, s30  }
0xa: {  	s4 =	sadd.s32 $0x10EE00, s3;
	s3 =	stileid.u32;
	[sflag:s5] =	ssyncpa.u1 $0x0  }
0xb: {  	s7 =	sadd.s32 $0x8800, s1;
	[sflag:s31] =	ssyncpa.u1 $0x0;
	s8 =	sadd.s32 $0x1, s6  }
.LBB1_7:
0xc: {  	s17 =	sadd.s32 $0x80, s10  }
0xd: {  	s14 =	sadd.s32 $0x4, s11;
	s18 =	smov.u32 s11;
	p2 =	sgt.s32 s17, $0x87F  }
0xe: {  	s18 =	smov.u32 @p2 s14  }
0xf: {  	s20 =	smov.u32 s12;
	s14 =	sadd.s32 $0x10, s12;
	p3 =	sgt.s32 s18, $0x3  }
0x10: {  	s20 =	smov.u32 @p3 s14  }
0x11: {  	s17 =	simm.s32 @p2 $0x0;
	p2 =	sgt.s32 s20, $0xF  }
0x12: {  	p1 =	slt.u32 s13, $0x2;
	s20 =	smov.u32 @p2 s3;
	p2 =	sne.s32 s13, s8  }
.Ltmp1:
0x13: {  	s19 =	simm.s32 @!p1 $0x2;
	(pc) =	sbr.rel @!p2 .LBB1_8-.Ltmp1, $4  }
0x14: {  	s16 =	smov.u32 s10;
	s15 =	smov.u32 s12;
	_ =	swait.ge @!p1 [sflag:s19], $0x4000  }
0x15: {  	p0 =	por !p0, !p0;
	[sflag:s19] =	ssyncset.done @!p1 $0x0;
	s10 =	smov.u32 s17  }
0x16: {  	s18 =	smov.u32 @p3 s2;
	s14 =	smov.u32 s11;
	[sflag:s19] =	ssyncadd.s32 @!p1 $0xFFFFC000  }
0x17: {  	s11 =	smov.u32 s18;
	s13 =	sadd.s32 $0x1, s13;
	s12 =	smov.u32 s20  }
.LBB1_1:
0x18: {  	p1 =	sge.u32 s13, s6  }
0x19: {  	s17 =	sand.u32 @!p1 $0x1FFFFFF, s10  }
0x1a: {  	s18 =	smulhi.u32 @!p1 $0xF0F0F1, s17;
	_ =	sdelay $0x1  }
0x1b: {  	s19 =	smul.u32 @!p1 $0x22000, s12;
	s18 =	sshrl.u32 @!p1 s18, $0x3  }
0x1c: {  	s18 =	smul.u32 @!p1 $0x880, s18  }
0x1d: {  	s20 =	sxor.u32 @!p1 $0xFFFFFFFF, s13;
	s21 =	smul.u32 @!p1 $0x8800, s11  }
0x1e: {  	s22 =	simm.s32 @!p1 $0x40;
	s17 =	ssub.s32 @!p1 s17, s18;
	s18 =	sadd.s32 @!p1 s1, s19  }
0x1f: {  	s20 =	sshll.u32 @!p1 s20, $0xE;
	s17 =	sshll.u32 @!p1 s17, $0x4;
	s18 =	sadd.s32 @!p1 s21, s18  }
0x20: {  	s23 =	simm.s32 @!p1 $0x80;
	s20 =	sand.u32 @!p1 $0x4000, s20;
	s18 =	sadd.s32 @!p1 s17, s18  }
0x21: {  	[tilespmem:s20], [sflag:$0x1] =	stream.strided.gather @!p1 [hbm4b:s18+s22], $0x2000, s23, s22, $0x38;
	[tilespmem:$0x10100] =	vst v63  }
0x22: {  	s18 =	sadd.s32 @!p1 s19, s7  }
0x23: {  	s18 =	sadd.s32 @!p1 s21, s18  }
0x24: {  	s31 =	sadd.s32 $0xFFFFFFFF, s13;
	s17 =	sadd.s32 @!p1 s17, s18;
	s18 =	sor.u32 @!p1 $0x2000, s20  }
0x25: {  	[tilespmem:s18], [sflag:$0x1] =	stream.strided.gather @!p1 [hbm4b:s17+s22], $0x2000, s23, s22, $0x38;
	[tilespmem:$0x10100] =	vst v63  }
0x26: {  	p1 =	sge.u32 s31, s6  }
.Ltmp2:
0x27: {  	_ = 	snop;
	(pc) =	sbr.rel @p1 .LBB1_7-.Ltmp2, $1  }
0x28: {  	_ =	sdelay $0x3  }
0x29: {  	s17 =	simm.s32 $0x1;
	s19 =	sand.u32 $0x1, s13  }
0x2a: {  	_ =	swait.ge [sflag:s5], $0x4000;
	s17 =	simm.s32 @!p0 $0x0;
	s19 =	smul.u32 $0x10200, s19  }
0x2b: {  	p2 =	por $0x1, $0x1;
	[sflag:s5] =	ssyncset.done $0x0;
	s18 =	smul.u32 $0x10200, s17  }
0x2c: {  	s20 =	sshll.u32 s17, $0x10;
	[sflag:s5] =	ssyncadd.s32 $0xFFFFC000;
	s30 =	sshrl.u32 s19, $0x2  }
0x2d: {  	s31 =	sshrl.u32 s20, $0x2;
	s20 =	simm.s32 $0x0;
	s18 =	sshrl.u32 s18, $0x2  }
0x2e: {  	s17 =	sor.u32 $0x8000, s30;
	s19 =	sadd.s32 $0x20, s31;
	s18 =	sor.u32 $0x8000, s18  }
.LBB1_3:
0x2f: {  	s21 =	sshll.u32 s20, $0xD  }
0x30: {  	s21 =	sand.u32 $0x3FFFE000, s21  }
0x31: {  	s23 =	sadd.s32 s21, s19  }
0x32: {  	s31 =	smul.u32 $0x8100, s20;
	v3 =	vld [tilespmem:s23+$0x10]  }
0x33: {  	v1 =	vld [tilespmem:s23+$0xFFFFFFF0]  }
0x34: {  	s20 =	sshra.s32 s31, $0x2;
	v0 =	vld [tilespmem:s23+$0x0]  }
0x35: {  	s20 =	sadd.s32 s20, s18;
	v2 =	vld [tilespmem:s23+$0xFFFFFFE0]  }
0x36: {  	s21 =	sadd.s32 $0x0, s20  }
0x37: {  	p1 =	por p2, p2;
	s22 =	simm.s32 $0x4;
	s23 =	sadd.s32 $0x40, s23;
	[tilespmem:s21+$0x1830 ss:$0x81] =	vst.msk $0xffff, v3  }
.LBB1_4:
0x38: {  	v3 =	vld [tilespmem:s23+$0x10];
	p2 =	sne.s32 s22, $0x1FC;
	[tilespmem:s21+$0x810 ss:$0x81] =	vst.msk $0xffff, v1;
	s24 =	smov.u32 s22;
	s22 =	sadd.s32 $0x4, s22  }
.Ltmp3:
0x39: {  	v1 =	vld [tilespmem:s23+$0xFFFFFFF0];
	[tilespmem:s21+$0x1020 ss:$0x81] =	vst.msk $0xffff, v0;
	(pc) =	sbr.rel @p2 .LBB1_4-.Ltmp3, $4  }
0x3a: {  	v0 =	vld [tilespmem:s23+$0x0];
	[tilespmem:s21+$0x0 ss:$0x81] =	vst.msk $0xffff, v2  }
0x3b: {  	s21 =	sshra.s32 s24, $0x2;
	v2 =	vld [tilespmem:s23+$0xFFFFFFE0]  }
0x3c: {  	s21 =	sadd.s32 s21, s20  }
0x3d: {  	s23 =	sadd.s32 $0x40, s23;
	[tilespmem:s21+$0x1830 ss:$0x81] =	vst.msk $0xffff, v3  }
.Ltmp4:
0x3e: {  	(pc) =	sbr.rel @p1 .LBB1_3-.Ltmp4, $4  }
0x3f: {  	_ = 	snop  }
0x40: {  	[tilespmem:s21+$0x810 ss:$0x81] =	vst.msk $0xffff, v1  }
0x41: {  	[tilespmem:s21+$0x1020 ss:$0x81] =	vst.msk $0xffff, v0  }
0x42: {  	s20 =	simm.s32 $0x1;
	p2 =	por $0x0, $0x0;
	[tilespmem:s21+$0x0 ss:$0x81] =	vst.msk $0xffff, v2  }
0x43: {  	s18 =	sshll.u32 s16, $0x3  }
0x44: {  	s30 =	sand.u32 $0x7F, s16;
	s18 =	sand.u32 $0xFFFFFC00, s18  }
0x45: {  	s16 =	sor.u32 s30, s18;
	s18 =	smulhi.u32 $0xF0F0F0F1, s18  }
0x46: {  	s19 =	smulhi.u32 $0xF0F0F0F1, s16  }
0x47: {  	s15 =	smul.u32 $0x11000, s15  }
0x48: {  	s14 =	smul.u32 $0x4400, s14;
	s18 =	sshrl.u32 s18, $0xB;
	s19 =	sshrl.u32 s19, $0xB  }
0x49: {  	s18 =	sand.u32 $0x3F, s18;
	s19 =	smul.u32 $0x880, s19  }
0x4a: {  	s18 =	smul.u32 $0x110, s18  }
.Ltmp5:
0x4b: {  	s15 =	sadd.s32 s4, s15;
	s16 =	ssub.s32 s16, s19;
	(pc) =	sbr.rel .LBB1_7-.Ltmp5, $4  }
0x4c: {  	s14 =	sadd.s32 s14, s15;
	s31 =	sand.u32 $0x7, s16  }
0x4d: {  	s14 =	sadd.s32 s18, s14;
	s16 =	sshrl.u32 s16, $0x3;
	s15 =	sshll.u32 s31, $0x12  }
0x4e: {  	s14 =	sadd.s32 s16, s14;
	s15 =	sor.u32 $0x400, s15  }
0x4f: {  	[hbm4b:s14+s15] =	stream.strided.scatter [tilespmem:s17], [sflag:$0x2], $0x4000, s9, s15, $0x20;
	[tilespmem:$0x10100] =	vst v63  }
.LBB1_8:
0x50: {  	_ =	sfence.sel $0x180000  }
0x51: {  	s1 =	simm.s32 $0x1;
	[bflag:$0x0] =	sbarrier.arrive $0xFFFF  }
0x52: {  	s31 =	simm.s32 $0x2;
	[sflag:s1] =	ssyncpa.u1 $0x1  }
0x53: {  	[sflag:s31] =	ssyncpa.u1 $0x1  }
0x54: {  	p0 =	sne.s32 s3, $0x0;
	_ =	strace $0x90000065  }
0x55: {  	s0 =	sadd.s32 @!p0 $0x100000, s0;
	[bflag:$0x2] =	sbarrier.arrive $0xFFFF  }
0x56: {  	[sflag:s0] =	ssyncadd.tile.s32 @!p0 $0x1;
	_ =	shalt  }
.Lfunc_end1:
_tile_overlayer_lowered:
.L_overlay_start_2:
0x57: {  	(tag) =	ssettag $0x2  }
0x58: {  	s0 =	rddreg [dreg:$0x0];
	s2 =	stileid.u32  }
0x59: {  	s1 =	rddreg [dreg:$0x1];
	p0 =	sne.s32 s2, $0x0  }
0x5a: {  	s3 =	rddreg [dreg:$0x2];
	[bflag:$0x3] =	sbarrier.arrive $0xFFFF;
	s2 =	simm.s32 @!p0 $0x1C01  }
0x5b: {  	[timem:s3], [sflag:s2] =	dma.local @!p0 [hbm:s0], s1  }
0x5c: {  	s0 =	simm.s32 @!p0 $0x1  }
0x5d: {  	_ =	swait.ge @!p0 [sflag:s0], s1  }
0x5e: {  	s1 =	ssub.s32 @!p0 $0x0, s1;
	[sflag:s0] =	ssyncset.done @!p0 $0x0  }
0x5f: {  	[sflag:s0] =	ssyncadd.s32 @!p0 s1  }
0x60: {  	[bflag:$0x3] =	sbarrier.arrive $0xFFFF  }
0x61: {  	_ =	shalt  }

</sc_bundles>
